<compile_context>
chip_gen: v7x
topology: tpu7x:2x2x1
jax: 0.10.2.dev20260603
libtpu: 0.0.44.dev20260713+nightly
codegen_flags: <defaults>
</compile_context>

<pallas_src>
import functools

import jax
import jax.numpy as jnp
from jax import lax
from jax.experimental import pallas as pl
from jax.experimental.pallas import tpu as pltpu
from jax.experimental.pallas import tpu_sc as plsc

NC = 2
NS = 16
NW = NC * NS
LANES = 16
D = 128

N = 10000
E = 320000
NP = (N // (NS * 128) + 1) * (NS * 128)
RPT = NP // NS
CH = 80
HCH = CH // 2
EP = NW * CH * 128

_mesh = plsc.VectorSubcoreMesh(core_axis_name="c", subcore_axis_name="s")



@functools.partial(
    pl.kernel,
    out_type=jax.ShapeDtypeStruct((NC, NP, D), jnp.float32),
    scratch_types=[
        pltpu.VMEM((CH, 128), jnp.int32),
        pltpu.VMEM((128, D), jnp.float32),
        pltpu.VMEM_SHARED((NP, D), jnp.float32),
        pltpu.SemaphoreType.DMA,
    ],
    mesh=_mesh,
)
def _deg_kernel(dst_hbm, out_hbm, idx_v, ones_v, acc, sem):
    c = lax.axis_index("c")
    s = lax.axis_index("s")
    wid = c * NS + s

    def _fillz(i, _):
        for k in range(D // LANES):
            ones_v[i, pl.ds(k * LANES, LANES)] = jnp.zeros((LANES,), jnp.float32)
        return 0

    lax.fori_loop(0, 128, _fillz, 0)
    for t in range(RPT // 128):
        pltpu.sync_copy(ones_v, acc.at[pl.ds(s * RPT + t * 128, 128)])
    plsc.subcore_barrier()

    def _fill1(i, _):
        for k in range(D // LANES):
            ones_v[i, pl.ds(k * LANES, LANES)] = jnp.full((LANES,), 1.0, jnp.float32)
        return 0

    lax.fori_loop(0, 128, _fill1, 0)
    pltpu.sync_copy(dst_hbm.at[wid], idx_v)

    DEPTH = 8

    def _swait(_):
        pltpu.make_async_copy(ones_v, acc.at[pl.ds(0, 128)], sem).wait()

    for j in range(DEPTH):
        pltpu.async_copy(ones_v, acc.at[idx_v.at[j]], sem, add=True)

    def _chunk(i, _):
        _swait(None)
        pltpu.async_copy(ones_v, acc.at[idx_v.at[i + DEPTH]], sem, add=True)
        return 0

    lax.fori_loop(0, CH - DEPTH, _chunk, 0)
    for _ in range(DEPTH):
        _swait(None)
    plsc.subcore_barrier()
    pltpu.sync_copy(acc.at[pl.ds(s * RPT, RPT)],
                    out_hbm.at[c].at[pl.ds(s * RPT, RPT)])


@functools.partial(
    pl.kernel,
    out_type=jax.ShapeDtypeStruct((NC, NP, D), jnp.float32),
    scratch_types=[
        pltpu.VMEM((HCH, 128), jnp.int32),
        pltpu.VMEM((HCH, 128), jnp.int32),
        pltpu.VMEM((128, D), jnp.float32),
        pltpu.VMEM((128, D), jnp.float32),
        pltpu.VMEM_SHARED((NP, D), jnp.float32),
        pltpu.SemaphoreType.DMA,
        pltpu.SemaphoreType.DMA,
    ],
    mesh=_mesh,
)
def _agg_kernel(xs_hbm, src_hbm, dst_hbm, out_hbm,
                srcv, dstv, b0, b1, acc, g0, g1):
    c = lax.axis_index("c")
    s = lax.axis_index("s")
    wid = c * NS + s

    def _fillz(i, _):
        for k in range(D // LANES):
            b0[i, pl.ds(k * LANES, LANES)] = jnp.zeros((LANES,), jnp.float32)
        return 0

    lax.fori_loop(0, 128, _fillz, 0)
    for t in range(RPT // 128):
        pltpu.sync_copy(b0, acc.at[pl.ds(s * RPT + t * 128, 128)])
    plsc.subcore_barrier()

    def _wait_g(buf, sem):
        pltpu.make_async_copy(xs_hbm.at[pl.ds(0, 128)], buf, sem).wait()

    for p in range(2):
        pltpu.sync_copy(src_hbm.at[wid].at[pl.ds(p * HCH, HCH)], srcv)
        pltpu.sync_copy(dst_hbm.at[wid].at[pl.ds(p * HCH, HCH)], dstv)
        pltpu.async_copy(xs_hbm.at[srcv.at[0]], b0, g0)
        pltpu.async_copy(xs_hbm.at[srcv.at[1]], b1, g1)

        def _pair(i, _):
            j = 2 * i
            _wait_g(b0, g0)
            pltpu.sync_copy(b0, acc.at[dstv.at[j]], add=True)
            pltpu.async_copy(xs_hbm.at[srcv.at[j + 2]], b0, g0)
            _wait_g(b1, g1)
            pltpu.sync_copy(b1, acc.at[dstv.at[j + 1]], add=True)
            pltpu.async_copy(xs_hbm.at[srcv.at[j + 3]], b1, g1)
            return 0

        lax.fori_loop(0, HCH // 2 - 1, _pair, 0)
        _wait_g(b0, g0)
        pltpu.sync_copy(b0, acc.at[dstv.at[HCH - 2]], add=True)
        _wait_g(b1, g1)
        pltpu.sync_copy(b1, acc.at[dstv.at[HCH - 1]], add=True)

    plsc.subcore_barrier()
    pltpu.sync_copy(acc.at[pl.ds(s * RPT, RPT)],
                    out_hbm.at[c].at[pl.ds(s * RPT, RPT)])



BLK = 1024
_GRID = NP // BLK


def _tc_in_body(x_ref, w_ref, degp_ref, xs_ref, dinv_ref):
    deg = degp_ref[0][:, 0:1] + degp_ref[1][:, 0:1] + 1.0
    dinv = lax.rsqrt(deg)
    h = jnp.dot(x_ref[...], w_ref[...], preferred_element_type=jnp.float32)
    xs_ref[...] = dinv * h
    dinv_ref[...] = dinv


_tc_in = pl.pallas_call(
    _tc_in_body,
    grid=(_GRID,),
    in_specs=[
        pl.BlockSpec((BLK, D), lambda i: (i, 0)),
        pl.BlockSpec((D, D), lambda i: (0, 0)),
        pl.BlockSpec((NC, BLK, D), lambda i: (0, i, 0)),
    ],
    out_specs=[
        pl.BlockSpec((BLK, D), lambda i: (i, 0)),
        pl.BlockSpec((BLK, 1), lambda i: (i, 0)),
    ],
    out_shape=[
        jax.ShapeDtypeStruct((NP, D), jnp.float32),
        jax.ShapeDtypeStruct((NP, 1), jnp.float32),
    ],
)


def _tc_mid_body(acc_ref, xs1_ref, dinv_ref, w2_ref, b1_ref, xs2_ref):
    srow = acc_ref[0] + acc_ref[1] + xs1_ref[...]
    dinv = dinv_ref[...]
    z = jnp.maximum(dinv * srow + b1_ref[...], 0.0)
    xs2_ref[...] = dinv * jnp.dot(z, w2_ref[...],
                                  preferred_element_type=jnp.float32)


_tc_mid = pl.pallas_call(
    _tc_mid_body,
    grid=(_GRID,),
    in_specs=[
        pl.BlockSpec((NC, BLK, D), lambda i: (0, i, 0)),
        pl.BlockSpec((BLK, D), lambda i: (i, 0)),
        pl.BlockSpec((BLK, 1), lambda i: (i, 0)),
        pl.BlockSpec((D, D), lambda i: (0, 0)),
        pl.BlockSpec((1, D), lambda i: (0, 0)),
    ],
    out_specs=pl.BlockSpec((BLK, D), lambda i: (i, 0)),
    out_shape=jax.ShapeDtypeStruct((NP, D), jnp.float32),
)


def _tc_out_body(acc_ref, xs2_ref, dinv_ref, b2_ref, o_ref):
    srow = acc_ref[0] + acc_ref[1] + xs2_ref[...]
    o_ref[...] = dinv_ref[...] * srow + b2_ref[...]


_tc_out = pl.pallas_call(
    _tc_out_body,
    grid=(_GRID,),
    in_specs=[
        pl.BlockSpec((NC, BLK, D), lambda i: (0, i, 0)),
        pl.BlockSpec((BLK, D), lambda i: (i, 0)),
        pl.BlockSpec((BLK, 1), lambda i: (i, 0)),
        pl.BlockSpec((1, D), lambda i: (0, 0)),
    ],
    out_specs=pl.BlockSpec((BLK, D), lambda i: (i, 0)),
    out_shape=jax.ShapeDtypeStruct((NP, D), jnp.float32),
)



def kernel(x, edge_index, W1, b1, W2, b2):
    n = x.shape[0]
    e = edge_index.shape[1]
    xp = jnp.zeros((NP, D), jnp.float32).at[:n].set(x)
    fill = n + (jnp.arange(EP - e, dtype=jnp.int32) % (NP - n))
    src = jnp.concatenate([edge_index[0], fill]).reshape(NW, CH, 128)
    dst = jnp.concatenate([edge_index[1], fill]).reshape(NW, CH, 128)

    degp = _deg_kernel(dst)
    xs1, dinv = _tc_in(xp, W1, degp)
    acc1 = _agg_kernel(xs1, src, dst)
    xs2 = _tc_mid(acc1, xs1, dinv, W2, b1.reshape(1, D))
    acc2 = _agg_kernel(xs2, src, dst)
    outp = _tc_out(acc2, xs2, dinv, b2.reshape(1, D))
    return outp[:n]

# --- scband reference (transcript-rebuilt; emitter-appended) ---
"""Pipeline reference for scband-gcnencoder-18408229830960 (READ-ONLY COPY).

The authoritative reference and input builder live on the scoring server;
editing this copy changes nothing except your own understanding.
"""

import jax, jax.numpy as jnp
import numpy as np

N = 10000
E = 320000
D_IN = 128
D_HID = 128
D_OUT = 128


def setup_inputs(seed: int = 0) -> dict:
    key = jax.random.key(seed)
    k1, k2, k3, k4, k5, k6 = jax.random.split(key, 6)
    x = jax.random.normal(k1, (N, D_IN), dtype=jnp.float32)
    edge_index = jax.random.randint(k2, (2, E), 0, N, dtype=jnp.int32)
    # GCNConv layer 1 params (Glorot init like PyG)
    s1 = float(np.sqrt(6.0 / (D_IN + D_HID)))
    W1 = jax.random.uniform(k3, (D_IN, D_HID), dtype=jnp.float32, minval=-s1, maxval=s1)
    b1 = jnp.zeros((D_HID,), dtype=jnp.float32)
    # GCNConv layer 2 params
    s2 = float(np.sqrt(6.0 / (D_HID + D_OUT)))
    W2 = jax.random.uniform(k4, (D_HID, D_OUT), dtype=jnp.float32, minval=-s2, maxval=s2)
    b2 = jnp.zeros((D_OUT,), dtype=jnp.float32)
    return {"x": x, "edge_index": edge_index, "W1": W1, "b1": b1, "W2": W2, "b2": b2}


def _gcn_conv(x, src, dst, W, b):
    # x' = D^{-1/2} (A + I) D^{-1/2} X W + b  (self-loops already in src/dst)
    h = x @ W
    deg = jnp.zeros((N,), dtype=x.dtype).at[dst].add(1.0)
    dinv = jnp.where(deg > 0, jax.lax.rsqrt(jnp.maximum(deg, 1e-12)), 0.0)
    norm = dinv[src] * dinv[dst]
    msg = h[src] * norm[:, None]
    out = jax.ops.segment_sum(msg, dst, num_segments=N)
    return out + b


def reference(x, edge_index, W1, b1, W2, b2):
    loop = jnp.arange(N, dtype=edge_index.dtype)
    src = jnp.concatenate([edge_index[0], loop])
    dst = jnp.concatenate([edge_index[1], loop])
    h = jax.nn.relu(_gcn_conv(x, src, dst, W1, b1))
    out = _gcn_conv(h, src, dst, W2, b2)
    return out

if __name__ == "__main__":
    import jax
    _d = setup_inputs()
    print(jax.jit(kernel)(*tuple(_d.values())))

</pallas_src>

<mosaic_0001>
#map = affine_map<(d0, d1) -> (0, 0, 0)>
module attributes {stable_mosaic.version = 14 : i64} {
  func.func @_deg_kernel(%arg0: i32, %arg1: i32, %arg2: memref<32x80x128xi32, #tpu.memory_space<hbm>>, %arg3: memref<2x10240x128xf32, #tpu.memory_space<hbm>>, %arg4: memref<80x128xi32, #tpu.memory_space<vmem>>, %arg5: memref<128x128xf32, #tpu.memory_space<vmem>>, %arg6: memref<10240x128xf32, #tpu.memory_space<vmem_shared>>, %arg7: memref<!tpu.dma_semaphore, #tpu.memory_space<semaphore_mem>>) attributes {dimension_semantics = [#tpu.dimension_semantics<core_parallel>, #tpu.dimension_semantics<subcore_parallel>], iteration_bounds = array<i64: 2, 16>, scalar_prefetch = 0 : i64, scratch_operands = 4 : i64, tpu.core_type = #tpu.core_type<sc_vector_subcore>, window_params = [{transform_indices = #map}, {transform_indices = #map}]} {
    %mul3A = arith.constant 16 : i32
    %mul3A_0 = arith.muli %arg0, %mul3A : i32
    %add3A = arith.addi %mul3A_0, %arg1 : i32
    %scan3A = arith.constant 0 : i32
    %scan3A_1 = arith.constant 0 : i32
    %scan3A_2 = arith.constant 128 : i32
    %scan3A_3 = arith.addi %scan3A_1, %scan3A_2 : i32
    %scan3A_4 = arith.constant 1 : i32
    %scan3A_5 = scf.for %scan3A_148 = %scan3A_1 to %scan3A_3 step %scan3A_4 iter_args(%scan3A_149 = %scan3A) -> (i32)  : i32 {
      %broadcast_in_dim3A = arith.constant 0.000000e+00 : f32
      %broadcast_in_dim3A_150 = vector.broadcast %broadcast_in_dim3A : f32 to vector<16xf32>
      %swap3A = arith.index_cast %scan3A_148 : i32 to index
      %swap3A_151 = arith.constant 0 : index
      %swap3A_152 = tpu.vector_load %arg5[%swap3A, %swap3A_151] {strides = array<i32>} : memref<128x128xf32, #tpu.memory_space<vmem>>, vector<1x16xf32>,
      %swap3A_153 = vector.shape_cast %swap3A_152 : vector<1x16xf32> to vector<16xf32>
      %swap3A_154 = vector.shape_cast %broadcast_in_dim3A_150 : vector<16xf32> to vector<1x16xf32>
      tpu.vector_store %arg5[%swap3A, %swap3A_151], %swap3A_154 {strides = array<i32>} : memref<128x128xf32, #tpu.memory_space<vmem>>, vector<1x16xf32>,
      %broadcast_in_dim3A_155 = arith.constant 0.000000e+00 : f32
      %broadcast_in_dim3A_156 = vector.broadcast %broadcast_in_dim3A_155 : f32 to vector<16xf32>
      %swap3A_157 = arith.index_cast %scan3A_148 : i32 to index
      %swap3A_158 = arith.constant 16 : index
      %swap3A_159 = tpu.vector_load %arg5[%swap3A_157, %swap3A_158] {strides = array<i32>} : memref<128x128xf32, #tpu.memory_space<vmem>>, vector<1x16xf32>,
      %swap3A_160 = vector.shape_cast %swap3A_159 : vector<1x16xf32> to vector<16xf32>
      %swap3A_161 = vector.shape_cast %broadcast_in_dim3A_156 : vector<16xf32> to vector<1x16xf32>
      tpu.vector_store %arg5[%swap3A_157, %swap3A_158], %swap3A_161 {strides = array<i32>} : memref<128x128xf32, #tpu.memory_space<vmem>>, vector<1x16xf32>,
      %broadcast_in_dim3A_162 = arith.constant 0.000000e+00 : f32
      %broadcast_in_dim3A_163 = vector.broadcast %broadcast_in_dim3A_162 : f32 to vector<16xf32>
      %swap3A_164 = arith.index_cast %scan3A_148 : i32 to index
      %swap3A_165 = arith.constant 32 : index
      %swap3A_166 = tpu.vector_load %arg5[%swap3A_164, %swap3A_165] {strides = array<i32>} : memref<128x128xf32, #tpu.memory_space<vmem>>, vector<1x16xf32>,
      %swap3A_167 = vector.shape_cast %swap3A_166 : vector<1x16xf32> to vector<16xf32>
      %swap3A_168 = vector.shape_cast %broadcast_in_dim3A_163 : vector<16xf32> to vector<1x16xf32>
      tpu.vector_store %arg5[%swap3A_164, %swap3A_165], %swap3A_168 {strides = array<i32>} : memref<128x128xf32, #tpu.memory_space<vmem>>, vector<1x16xf32>,
      %broadcast_in_dim3A_169 = arith.constant 0.000000e+00 : f32
      %broadcast_in_dim3A_170 = vector.broadcast %broadcast_in_dim3A_169 : f32 to vector<16xf32>
      %swap3A_171 = arith.index_cast %scan3A_148 : i32 to index
      %swap3A_172 = arith.constant 48 : index
      %swap3A_173 = tpu.vector_load %arg5[%swap3A_171, %swap3A_172] {strides = array<i32>} : memref<128x128xf32, #tpu.memory_space<vmem>>, vector<1x16xf32>,
      %swap3A_174 = vector.shape_cast %swap3A_173 : vector<1x16xf32> to vector<16xf32>
      %swap3A_175 = vector.shape_cast %broadcast_in_dim3A_170 : vector<16xf32> to vector<1x16xf32>
      tpu.vector_store %arg5[%swap3A_171, %swap3A_172], %swap3A_175 {strides = array<i32>} : memref<128x128xf32, #tpu.memory_space<vmem>>, vector<1x16xf32>,
      %broadcast_in_dim3A_176 = arith.constant 0.000000e+00 : f32
      %broadcast_in_dim3A_177 = vector.broadcast %broadcast_in_dim3A_176 : f32 to vector<16xf32>
      %swap3A_178 = arith.index_cast %scan3A_148 : i32 to index
      %swap3A_179 = arith.constant 64 : index
      %swap3A_180 = tpu.vector_load %arg5[%swap3A_178, %swap3A_179] {strides = array<i32>} : memref<128x128xf32, #tpu.memory_space<vmem>>, vector<1x16xf32>,
      %swap3A_181 = vector.shape_cast %swap3A_180 : vector<1x16xf32> to vector<16xf32>
      %swap3A_182 = vector.shape_cast %broadcast_in_dim3A_177 : vector<16xf32> to vector<1x16xf32>
      tpu.vector_store %arg5[%swap3A_178, %swap3A_179], %swap3A_182 {strides = array<i32>} : memref<128x128xf32, #tpu.memory_space<vmem>>, vector<1x16xf32>,
      %broadcast_in_dim3A_183 = arith.constant 0.000000e+00 : f32
      %broadcast_in_dim3A_184 = vector.broadcast %broadcast_in_dim3A_183 : f32 to vector<16xf32>
      %swap3A_185 = arith.index_cast %scan3A_148 : i32 to index
      %swap3A_186 = arith.constant 80 : index
      %swap3A_187 = tpu.vector_load %arg5[%swap3A_185, %swap3A_186] {strides = array<i32>} : memref<128x128xf32, #tpu.memory_space<vmem>>, vector<1x16xf32>,
      %swap3A_188 = vector.shape_cast %swap3A_187 : vector<1x16xf32> to vector<16xf32>
      %swap3A_189 = vector.shape_cast %broadcast_in_dim3A_184 : vector<16xf32> to vector<1x16xf32>
      tpu.vector_store %arg5[%swap3A_185, %swap3A_186], %swap3A_189 {strides = array<i32>} : memref<128x128xf32, #tpu.memory_space<vmem>>, vector<1x16xf32>,
      %broadcast_in_dim3A_190 = arith.constant 0.000000e+00 : f32
      %broadcast_in_dim3A_191 = vector.broadcast %broadcast_in_dim3A_190 : f32 to vector<16xf32>
      %swap3A_192 = arith.index_cast %scan3A_148 : i32 to index
      %swap3A_193 = arith.constant 96 : index
      %swap3A_194 = tpu.vector_load %arg5[%swap3A_192, %swap3A_193] {strides = array<i32>} : memref<128x128xf32, #tpu.memory_space<vmem>>, vector<1x16xf32>,
      %swap3A_195 = vector.shape_cast %swap3A_194 : vector<1x16xf32> to vector<16xf32>
      %swap3A_196 = vector.shape_cast %broadcast_in_dim3A_191 : vector<16xf32> to vector<1x16xf32>
      tpu.vector_store %arg5[%swap3A_192, %swap3A_193], %swap3A_196 {strides = array<i32>} : memref<128x128xf32, #tpu.memory_space<vmem>>, vector<1x16xf32>,
      %broadcast_in_dim3A_197 = arith.constant 0.000000e+00 : f32
      %broadcast_in_dim3A_198 = vector.broadcast %broadcast_in_dim3A_197 : f32 to vector<16xf32>
      %swap3A_199 = arith.index_cast %scan3A_148 : i32 to index
      %swap3A_200 = arith.constant 112 : index
      %swap3A_201 = tpu.vector_load %arg5[%swap3A_199, %swap3A_200] {strides = array<i32>} : memref<128x128xf32, #tpu.memory_space<vmem>>, vector<1x16xf32>,
      %swap3A_202 = vector.shape_cast %swap3A_201 : vector<1x16xf32> to vector<16xf32>
      %swap3A_203 = vector.shape_cast %broadcast_in_dim3A_198 : vector<16xf32> to vector<1x16xf32>
      tpu.vector_store %arg5[%swap3A_199, %swap3A_200], %swap3A_203 {strides = array<i32>} : memref<128x128xf32, #tpu.memory_space<vmem>>, vector<1x16xf32>,
      %scan3A_204 = arith.constant 0 : i32
      scf.yield %scan3A_204 : i32
    }
    %scan3A_6 = arith.constant 128 : i32
    %mul3A_7 = arith.constant 640 : i32
    %mul3A_8 = arith.muli %arg1, %mul3A_7 : i32
    %add3A_9 = arith.constant 0 : i32
    %add3A_10 = arith.addi %mul3A_8, %add3A_9 : i32
    "tpu.region"() ({
      %run_scoped3A = tpu.sem_alloc : memref<!tpu.dma_semaphore, #tpu.memory_space<semaphore_mem>>
      %dma_start3A_148 = arith.constant 0 : i32
      %dma_start3A_149 = tpu.memref_slice %arg6[%add3A_10, %dma_start3A_148] : memref<10240x128xf32, #tpu.memory_space<vmem_shared>> -> memref<128x128xf32, #tpu.memory_space<vmem_shared>>
      %dma_start3A_150 = arith.constant 0 : i32
      %dma_start3A_151 = tpu.memref_slice %arg6[%add3A_10, %dma_start3A_150] : memref<10240x128xf32, #tpu.memory_space<vmem_shared>> -> memref<128x128xf32, #tpu.memory_space<vmem_shared>>
      tpu.enqueue_dma source(%arg5 : memref<128x128xf32, #tpu.memory_space<vmem>>) target(%dma_start3A_151 : memref<128x128xf32, #tpu.memory_space<vmem_shared>>) target_semaphore(%run_scoped3A : memref<!tpu.dma_semaphore, #tpu.memory_space<semaphore_mem>>)
      %dma_wait3A_152 = arith.constant 0 : i32
      %dma_wait3A_153 = tpu.memref_slice %arg6[%add3A_10, %dma_wait3A_152] : memref<10240x128xf32, #tpu.memory_space<vmem_shared>> -> memref<128x128xf32, #tpu.memory_space<vmem_shared>>
      %dma_wait3A_154 = arith.constant 0 : i32
      %dma_wait3A_155 = tpu.memref_slice %arg6[%add3A_10, %dma_wait3A_154] : memref<10240x128xf32, #tpu.memory_space<vmem_shared>> -> memref<128x128xf32, #tpu.memory_space<vmem_shared>>
      tpu.wait_dma2 semaphore(%run_scoped3A : memref<!tpu.dma_semaphore, #tpu.memory_space<semaphore_mem>>) src(%arg5 : memref<128x128xf32, #tpu.memory_space<vmem>>) dst(%dma_wait3A_155 : memref<128x128xf32, #tpu.memory_space<vmem_shared>>)
      tpu.yield
    }) : () -> ()
    %mul3A_11 = arith.constant 640 : i32
    %mul3A_12 = arith.muli %arg1, %mul3A_11 : i32
    %add3A_13 = arith.constant 128 : i32
    %add3A_14 = arith.addi %mul3A_12, %add3A_13 : i32
    "tpu.region"() ({
      %run_scoped3A = tpu.sem_alloc : memref<!tpu.dma_semaphore, #tpu.memory_space<semaphore_mem>>
      %dma_start3A_148 = arith.constant 0 : i32
      %dma_start3A_149 = tpu.memref_slice %arg6[%add3A_14, %dma_start3A_148] : memref<10240x128xf32, #tpu.memory_space<vmem_shared>> -> memref<128x128xf32, #tpu.memory_space<vmem_shared>>
      %dma_start3A_150 = arith.constant 0 : i32
      %dma_start3A_151 = tpu.memref_slice %arg6[%add3A_14, %dma_start3A_150] : memref<10240x128xf32, #tpu.memory_space<vmem_shared>> -> memref<128x128xf32, #tpu.memory_space<vmem_shared>>
      tpu.enqueue_dma source(%arg5 : memref<128x128xf32, #tpu.memory_space<vmem>>) target(%dma_start3A_151 : memref<128x128xf32, #tpu.memory_space<vmem_shared>>) target_semaphore(%run_scoped3A : memref<!tpu.dma_semaphore, #tpu.memory_space<semaphore_mem>>)
      %dma_wait3A_152 = arith.constant 0 : i32
      %dma_wait3A_153 = tpu.memref_slice %arg6[%add3A_14, %dma_wait3A_152] : memref<10240x128xf32, #tpu.memory_space<vmem_shared>> -> memref<128x128xf32, #tpu.memory_space<vmem_shared>>
      %dma_wait3A_154 = arith.constant 0 : i32
      %dma_wait3A_155 = tpu.memref_slice %arg6[%add3A_14, %dma_wait3A_154] : memref<10240x128xf32, #tpu.memory_space<vmem_shared>> -> memref<128x128xf32, #tpu.memory_space<vmem_shared>>
      tpu.wait_dma2 semaphore(%run_scoped3A : memref<!tpu.dma_semaphore, #tpu.memory_space<semaphore_mem>>) src(%arg5 : memref<128x128xf32, #tpu.memory_space<vmem>>) dst(%dma_wait3A_155 : memref<128x128xf32, #tpu.memory_space<vmem_shared>>)
      tpu.yield
    }) : () -> ()
    %mul3A_15 = arith.constant 640 : i32
    %mul3A_16 = arith.muli %arg1, %mul3A_15 : i32
    %add3A_17 = arith.constant 256 : i32
    %add3A_18 = arith.addi %mul3A_16, %add3A_17 : i32
    "tpu.region"() ({
      %run_scoped3A = tpu.sem_alloc : memref<!tpu.dma_semaphore, #tpu.memory_space<semaphore_mem>>
      %dma_start3A_148 = arith.constant 0 : i32
      %dma_start3A_149 = tpu.memref_slice %arg6[%add3A_18, %dma_start3A_148] : memref<10240x128xf32, #tpu.memory_space<vmem_shared>> -> memref<128x128xf32, #tpu.memory_space<vmem_shared>>
      %dma_start3A_150 = arith.constant 0 : i32
      %dma_start3A_151 = tpu.memref_slice %arg6[%add3A_18, %dma_start3A_150] : memref<10240x128xf32, #tpu.memory_space<vmem_shared>> -> memref<128x128xf32, #tpu.memory_space<vmem_shared>>
      tpu.enqueue_dma source(%arg5 : memref<128x128xf32, #tpu.memory_space<vmem>>) target(%dma_start3A_151 : memref<128x128xf32, #tpu.memory_space<vmem_shared>>) target_semaphore(%run_scoped3A : memref<!tpu.dma_semaphore, #tpu.memory_space<semaphore_mem>>)
      %dma_wait3A_152 = arith.constant 0 : i32
      %dma_wait3A_153 = tpu.memref_slice %arg6[%add3A_18, %dma_wait3A_152] : memref<10240x128xf32, #tpu.memory_space<vmem_shared>> -> memref<128x128xf32, #tpu.memory_space<vmem_shared>>
      %dma_wait3A_154 = arith.constant 0 : i32
      %dma_wait3A_155 = tpu.memref_slice %arg6[%add3A_18, %dma_wait3A_154] : memref<10240x128xf32, #tpu.memory_space<vmem_shared>> -> memref<128x128xf32, #tpu.memory_space<vmem_shared>>
      tpu.wait_dma2 semaphore(%run_scoped3A : memref<!tpu.dma_semaphore, #tpu.memory_space<semaphore_mem>>) src(%arg5 : memref<128x128xf32, #tpu.memory_space<vmem>>) dst(%dma_wait3A_155 : memref<128x128xf32, #tpu.memory_space<vmem_shared>>)
      tpu.yield
    }) : () -> ()
    %mul3A_19 = arith.constant 640 : i32
    %mul3A_20 = arith.muli %arg1, %mul3A_19 : i32
    %add3A_21 = arith.constant 384 : i32
    %add3A_22 = arith.addi %mul3A_20, %add3A_21 : i32
    "tpu.region"() ({
      %run_scoped3A = tpu.sem_alloc : memref<!tpu.dma_semaphore, #tpu.memory_space<semaphore_mem>>
      %dma_start3A_148 = arith.constant 0 : i32
      %dma_start3A_149 = tpu.memref_slice %arg6[%add3A_22, %dma_start3A_148] : memref<10240x128xf32, #tpu.memory_space<vmem_shared>> -> memref<128x128xf32, #tpu.memory_space<vmem_shared>>
      %dma_start3A_150 = arith.constant 0 : i32
      %dma_start3A_151 = tpu.memref_slice %arg6[%add3A_22, %dma_start3A_150] : memref<10240x128xf32, #tpu.memory_space<vmem_shared>> -> memref<128x128xf32, #tpu.memory_space<vmem_shared>>
      tpu.enqueue_dma source(%arg5 : memref<128x128xf32, #tpu.memory_space<vmem>>) target(%dma_start3A_151 : memref<128x128xf32, #tpu.memory_space<vmem_shared>>) target_semaphore(%run_scoped3A : memref<!tpu.dma_semaphore, #tpu.memory_space<semaphore_mem>>)
      %dma_wait3A_152 = arith.constant 0 : i32
      %dma_wait3A_153 = tpu.memref_slice %arg6[%add3A_22, %dma_wait3A_152] : memref<10240x128xf32, #tpu.memory_space<vmem_shared>> -> memref<128x128xf32, #tpu.memory_space<vmem_shared>>
      %dma_wait3A_154 = arith.constant 0 : i32
      %dma_wait3A_155 = tpu.memref_slice %arg6[%add3A_22, %dma_wait3A_154] : memref<10240x128xf32, #tpu.memory_space<vmem_shared>> -> memref<128x128xf32, #tpu.memory_space<vmem_shared>>
      tpu.wait_dma2 semaphore(%run_scoped3A : memref<!tpu.dma_semaphore, #tpu.memory_space<semaphore_mem>>) src(%arg5 : memref<128x128xf32, #tpu.memory_space<vmem>>) dst(%dma_wait3A_155 : memref<128x128xf32, #tpu.memory_space<vmem_shared>>)
      tpu.yield
    }) : () -> ()
    %mul3A_23 = arith.constant 640 : i32
    %mul3A_24 = arith.muli %arg1, %mul3A_23 : i32
    %add3A_25 = arith.constant 512 : i32
    %add3A_26 = arith.addi %mul3A_24, %add3A_25 : i32
    "tpu.region"() ({
      %run_scoped3A = tpu.sem_alloc : memref<!tpu.dma_semaphore, #tpu.memory_space<semaphore_mem>>
      %dma_start3A_148 = arith.constant 0 : i32
      %dma_start3A_149 = tpu.memref_slice %arg6[%add3A_26, %dma_start3A_148] : memref<10240x128xf32, #tpu.memory_space<vmem_shared>> -> memref<128x128xf32, #tpu.memory_space<vmem_shared>>
      %dma_start3A_150 = arith.constant 0 : i32
      %dma_start3A_151 = tpu.memref_slice %arg6[%add3A_26, %dma_start3A_150] : memref<10240x128xf32, #tpu.memory_space<vmem_shared>> -> memref<128x128xf32, #tpu.memory_space<vmem_shared>>
      tpu.enqueue_dma source(%arg5 : memref<128x128xf32, #tpu.memory_space<vmem>>) target(%dma_start3A_151 : memref<128x128xf32, #tpu.memory_space<vmem_shared>>) target_semaphore(%run_scoped3A : memref<!tpu.dma_semaphore, #tpu.memory_space<semaphore_mem>>)
      %dma_wait3A_152 = arith.constant 0 : i32
      %dma_wait3A_153 = tpu.memref_slice %arg6[%add3A_26, %dma_wait3A_152] : memref<10240x128xf32, #tpu.memory_space<vmem_shared>> -> memref<128x128xf32, #tpu.memory_space<vmem_shared>>
      %dma_wait3A_154 = arith.constant 0 : i32
      %dma_wait3A_155 = tpu.memref_slice %arg6[%add3A_26, %dma_wait3A_154] : memref<10240x128xf32, #tpu.memory_space<vmem_shared>> -> memref<128x128xf32, #tpu.memory_space<vmem_shared>>
      tpu.wait_dma2 semaphore(%run_scoped3A : memref<!tpu.dma_semaphore, #tpu.memory_space<semaphore_mem>>) src(%arg5 : memref<128x128xf32, #tpu.memory_space<vmem>>) dst(%dma_wait3A_155 : memref<128x128xf32, #tpu.memory_space<vmem_shared>>)
      tpu.yield
    }) : () -> ()
    %barrier3A = arith.constant 0 : index
    tpu.barrier barrier_id(%barrier3A)
    %scan3A_27 = arith.constant 0 : i32
    %scan3A_28 = arith.constant 0 : i32
    %scan3A_29 = arith.constant 128 : i32
    %scan3A_30 = arith.addi %scan3A_28, %scan3A_29 : i32
    %scan3A_31 = arith.constant 1 : i32
    %scan3A_32 = scf.for %scan3A_148 = %scan3A_28 to %scan3A_30 step %scan3A_31 iter_args(%scan3A_149 = %scan3A_27) -> (i32)  : i32 {
      %broadcast_in_dim3A = arith.constant 1.000000e+00 : f32
      %broadcast_in_dim3A_150 = vector.broadcast %broadcast_in_dim3A : f32 to vector<16xf32>
      %swap3A = arith.index_cast %scan3A_148 : i32 to index
      %swap3A_151 = arith.constant 0 : index
      %swap3A_152 = tpu.vector_load %arg5[%swap3A, %swap3A_151] {strides = array<i32>} : memref<128x128xf32, #tpu.memory_space<vmem>>, vector<1x16xf32>,
      %swap3A_153 = vector.shape_cast %swap3A_152 : vector<1x16xf32> to vector<16xf32>
      %swap3A_154 = vector.shape_cast %broadcast_in_dim3A_150 : vector<16xf32> to vector<1x16xf32>
      tpu.vector_store %arg5[%swap3A, %swap3A_151], %swap3A_154 {strides = array<i32>} : memref<128x128xf32, #tpu.memory_space<vmem>>, vector<1x16xf32>,
      %broadcast_in_dim3A_155 = arith.constant 1.000000e+00 : f32
      %broadcast_in_dim3A_156 = vector.broadcast %broadcast_in_dim3A_155 : f32 to vector<16xf32>
      %swap3A_157 = arith.index_cast %scan3A_148 : i32 to index
      %swap3A_158 = arith.constant 16 : index
      %swap3A_159 = tpu.vector_load %arg5[%swap3A_157, %swap3A_158] {strides = array<i32>} : memref<128x128xf32, #tpu.memory_space<vmem>>, vector<1x16xf32>,
      %swap3A_160 = vector.shape_cast %swap3A_159 : vector<1x16xf32> to vector<16xf32>
      %swap3A_161 = vector.shape_cast %broadcast_in_dim3A_156 : vector<16xf32> to vector<1x16xf32>
      tpu.vector_store %arg5[%swap3A_157, %swap3A_158], %swap3A_161 {strides = array<i32>} : memref<128x128xf32, #tpu.memory_space<vmem>>, vector<1x16xf32>,
      %broadcast_in_dim3A_162 = arith.constant 1.000000e+00 : f32
      %broadcast_in_dim3A_163 = vector.broadcast %broadcast_in_dim3A_162 : f32 to vector<16xf32>
      %swap3A_164 = arith.index_cast %scan3A_148 : i32 to index
      %swap3A_165 = arith.constant 32 : index
      %swap3A_166 = tpu.vector_load %arg5[%swap3A_164, %swap3A_165] {strides = array<i32>} : memref<128x128xf32, #tpu.memory_space<vmem>>, vector<1x16xf32>,
      %swap3A_167 = vector.shape_cast %swap3A_166 : vector<1x16xf32> to vector<16xf32>
      %swap3A_168 = vector.shape_cast %broadcast_in_dim3A_163 : vector<16xf32> to vector<1x16xf32>
      tpu.vector_store %arg5[%swap3A_164, %swap3A_165], %swap3A_168 {strides = array<i32>} : memref<128x128xf32, #tpu.memory_space<vmem>>, vector<1x16xf32>,
      %broadcast_in_dim3A_169 = arith.constant 1.000000e+00 : f32
      %broadcast_in_dim3A_170 = vector.broadcast %broadcast_in_dim3A_169 : f32 to vector<16xf32>
      %swap3A_171 = arith.index_cast %scan3A_148 : i32 to index
      %swap3A_172 = arith.constant 48 : index
      %swap3A_173 = tpu.vector_load %arg5[%swap3A_171, %swap3A_172] {strides = array<i32>} : memref<128x128xf32, #tpu.memory_space<vmem>>, vector<1x16xf32>,
      %swap3A_174 = vector.shape_cast %swap3A_173 : vector<1x16xf32> to vector<16xf32>
      %swap3A_175 = vector.shape_cast %broadcast_in_dim3A_170 : vector<16xf32> to vector<1x16xf32>
      tpu.vector_store %arg5[%swap3A_171, %swap3A_172], %swap3A_175 {strides = array<i32>} : memref<128x128xf32, #tpu.memory_space<vmem>>, vector<1x16xf32>,
      %broadcast_in_dim3A_176 = arith.constant 1.000000e+00 : f32
      %broadcast_in_dim3A_177 = vector.broadcast %broadcast_in_dim3A_176 : f32 to vector<16xf32>
      %swap3A_178 = arith.index_cast %scan3A_148 : i32 to index
      %swap3A_179 = arith.constant 64 : index
      %swap3A_180 = tpu.vector_load %arg5[%swap3A_178, %swap3A_179] {strides = array<i32>} : memref<128x128xf32, #tpu.memory_space<vmem>>, vector<1x16xf32>,
      %swap3A_181 = vector.shape_cast %swap3A_180 : vector<1x16xf32> to vector<16xf32>
      %swap3A_182 = vector.shape_cast %broadcast_in_dim3A_177 : vector<16xf32> to vector<1x16xf32>
      tpu.vector_store %arg5[%swap3A_178, %swap3A_179], %swap3A_182 {strides = array<i32>} : memref<128x128xf32, #tpu.memory_space<vmem>>, vector<1x16xf32>,
      %broadcast_in_dim3A_183 = arith.constant 1.000000e+00 : f32
      %broadcast_in_dim3A_184 = vector.broadcast %broadcast_in_dim3A_183 : f32 to vector<16xf32>
      %swap3A_185 = arith.index_cast %scan3A_148 : i32 to index
      %swap3A_186 = arith.constant 80 : index
      %swap3A_187 = tpu.vector_load %arg5[%swap3A_185, %swap3A_186] {strides = array<i32>} : memref<128x128xf32, #tpu.memory_space<vmem>>, vector<1x16xf32>,
      %swap3A_188 = vector.shape_cast %swap3A_187 : vector<1x16xf32> to vector<16xf32>
      %swap3A_189 = vector.shape_cast %broadcast_in_dim3A_184 : vector<16xf32> to vector<1x16xf32>
      tpu.vector_store %arg5[%swap3A_185, %swap3A_186], %swap3A_189 {strides = array<i32>} : memref<128x128xf32, #tpu.memory_space<vmem>>, vector<1x16xf32>,
      %broadcast_in_dim3A_190 = arith.constant 1.000000e+00 : f32
      %broadcast_in_dim3A_191 = vector.broadcast %broadcast_in_dim3A_190 : f32 to vector<16xf32>
      %swap3A_192 = arith.index_cast %scan3A_148 : i32 to index
      %swap3A_193 = arith.constant 96 : index
      %swap3A_194 = tpu.vector_load %arg5[%swap3A_192, %swap3A_193] {strides = array<i32>} : memref<128x128xf32, #tpu.memory_space<vmem>>, vector<1x16xf32>,
      %swap3A_195 = vector.shape_cast %swap3A_194 : vector<1x16xf32> to vector<16xf32>
      %swap3A_196 = vector.shape_cast %broadcast_in_dim3A_191 : vector<16xf32> to vector<1x16xf32>
      tpu.vector_store %arg5[%swap3A_192, %swap3A_193], %swap3A_196 {strides = array<i32>} : memref<128x128xf32, #tpu.memory_space<vmem>>, vector<1x16xf32>,
      %broadcast_in_dim3A_197 = arith.constant 1.000000e+00 : f32
      %broadcast_in_dim3A_198 = vector.broadcast %broadcast_in_dim3A_197 : f32 to vector<16xf32>
      %swap3A_199 = arith.index_cast %scan3A_148 : i32 to index
      %swap3A_200 = arith.constant 112 : index
      %swap3A_201 = tpu.vector_load %arg5[%swap3A_199, %swap3A_200] {strides = array<i32>} : memref<128x128xf32, #tpu.memory_space<vmem>>, vector<1x16xf32>,
      %swap3A_202 = vector.shape_cast %swap3A_201 : vector<1x16xf32> to vector<16xf32>
      %swap3A_203 = vector.shape_cast %broadcast_in_dim3A_198 : vector<16xf32> to vector<1x16xf32>
      tpu.vector_store %arg5[%swap3A_199, %swap3A_200], %swap3A_203 {strides = array<i32>} : memref<128x128xf32, #tpu.memory_space<vmem>>, vector<1x16xf32>,
      %scan3A_204 = arith.constant 0 : i32
      scf.yield %scan3A_204 : i32
    }
    %scan3A_33 = arith.constant 128 : i32
    "tpu.region"() ({
      %run_scoped3A = tpu.sem_alloc : memref<!tpu.dma_semaphore, #tpu.memory_space<semaphore_mem>>
      %dma_start3A_148 = arith.constant 0 : i32
      %dma_start3A_149 = arith.constant 0 : i32
      %dma_start3A_150 = tpu.memref_slice %arg2[%add3A, %dma_start3A_148, %dma_start3A_149] : memref<32x80x128xi32, #tpu.memory_space<hbm>> -> memref<1x80x128xi32, #tpu.memory_space<hbm>>
      %dma_start3A_151 = tpu.memref_squeeze %dma_start3A_150 : memref<1x80x128xi32, #tpu.memory_space<hbm>> -> memref<80x128xi32, #tpu.memory_space<hbm>>
      %dma_start3A_152 = arith.constant 0 : i32
      %dma_start3A_153 = arith.constant 0 : i32
      %dma_start3A_154 = tpu.memref_slice %arg2[%add3A, %dma_start3A_152, %dma_start3A_153] : memref<32x80x128xi32, #tpu.memory_space<hbm>> -> memref<1x80x128xi32, #tpu.memory_space<hbm>>
      %dma_start3A_155 = tpu.memref_squeeze %dma_start3A_154 : memref<1x80x128xi32, #tpu.memory_space<hbm>> -> memref<80x128xi32, #tpu.memory_space<hbm>>
      tpu.enqueue_dma source(%dma_start3A_155 : memref<80x128xi32, #tpu.memory_space<hbm>>) target(%arg4 : memref<80x128xi32, #tpu.memory_space<vmem>>) target_semaphore(%run_scoped3A : memref<!tpu.dma_semaphore, #tpu.memory_space<semaphore_mem>>)
      %dma_wait3A_156 = arith.constant 0 : i32
      %dma_wait3A_157 = arith.constant 0 : i32
      %dma_wait3A_158 = tpu.memref_slice %arg2[%add3A, %dma_wait3A_156, %dma_wait3A_157] : memref<32x80x128xi32, #tpu.memory_space<hbm>> -> memref<1x80x128xi32, #tpu.memory_space<hbm>>
      %dma_wait3A_159 = tpu.memref_squeeze %dma_wait3A_158 : memref<1x80x128xi32, #tpu.memory_space<hbm>> -> memref<80x128xi32, #tpu.memory_space<hbm>>
      %dma_wait3A_160 = arith.constant 0 : i32
      %dma_wait3A_161 = arith.constant 0 : i32
      %dma_wait3A_162 = tpu.memref_slice %arg2[%add3A, %dma_wait3A_160, %dma_wait3A_161] : memref<32x80x128xi32, #tpu.memory_space<hbm>> -> memref<1x80x128xi32, #tpu.memory_space<hbm>>
      %dma_wait3A_163 = tpu.memref_squeeze %dma_wait3A_162 : memref<1x80x128xi32, #tpu.memory_space<hbm>> -> memref<80x128xi32, #tpu.memory_space<hbm>>
      tpu.wait_dma2 semaphore(%run_scoped3A : memref<!tpu.dma_semaphore, #tpu.memory_space<semaphore_mem>>) src(%dma_wait3A_163 : memref<80x128xi32, #tpu.memory_space<hbm>>) dst(%arg4 : memref<80x128xi32, #tpu.memory_space<vmem>>)
      tpu.yield
    }) : () -> ()
    %dma_start3A = arith.constant 0 : i32
    %dma_start3A_34 = arith.constant 0 : i32
    %dma_start3A_35 = tpu.memref_slice %arg4[%dma_start3A, %dma_start3A_34] : memref<80x128xi32, #tpu.memory_space<vmem>> -> memref<1x128xi32, #tpu.memory_space<vmem>>
    %dma_start3A_36 = tpu.memref_squeeze %dma_start3A_35 : memref<1x128xi32, #tpu.memory_space<vmem>> -> memref<128xi32, #tpu.memory_space<vmem>>
    %dma_start3A_37 = arith.constant 0 : i32
    %dma_start3A_38 = arith.constant 0 : i32
    %dma_start3A_39 = tpu.memref_slice %arg6[%dma_start3A_37, %dma_start3A_38] : memref<10240x128xf32, #tpu.memory_space<vmem_shared>> -> memref<10240x128xf32, #tpu.memory_space<vmem_shared>>
    tpu.enqueue_indirect_dma source(%arg5 : memref<128x128xf32, #tpu.memory_space<vmem>>) target(%dma_start3A_39 : memref<10240x128xf32, #tpu.memory_space<vmem_shared>>) offsets(%dma_start3A_36 : memref<128xi32, #tpu.memory_space<vmem>>) semaphore(%arg7 : memref<!tpu.dma_semaphore, #tpu.memory_space<semaphore_mem>>) {add = true}
    %dma_start3A_40 = arith.constant 1 : i32
    %dma_start3A_41 = arith.constant 0 : i32
    %dma_start3A_42 = tpu.memref_slice %arg4[%dma_start3A_40, %dma_start3A_41] : memref<80x128xi32, #tpu.memory_space<vmem>> -> memref<1x128xi32, #tpu.memory_space<vmem>>
    %dma_start3A_43 = tpu.memref_squeeze %dma_start3A_42 : memref<1x128xi32, #tpu.memory_space<vmem>> -> memref<128xi32, #tpu.memory_space<vmem>>
    %dma_start3A_44 = arith.constant 0 : i32
    %dma_start3A_45 = arith.constant 0 : i32
    %dma_start3A_46 = tpu.memref_slice %arg6[%dma_start3A_44, %dma_start3A_45] : memref<10240x128xf32, #tpu.memory_space<vmem_shared>> -> memref<10240x128xf32, #tpu.memory_space<vmem_shared>>
    tpu.enqueue_indirect_dma source(%arg5 : memref<128x128xf32, #tpu.memory_space<vmem>>) target(%dma_start3A_46 : memref<10240x128xf32, #tpu.memory_space<vmem_shared>>) offsets(%dma_start3A_43 : memref<128xi32, #tpu.memory_space<vmem>>) semaphore(%arg7 : memref<!tpu.dma_semaphore, #tpu.memory_space<semaphore_mem>>) {add = true}
    %dma_start3A_47 = arith.constant 2 : i32
    %dma_start3A_48 = arith.constant 0 : i32
    %dma_start3A_49 = tpu.memref_slice %arg4[%dma_start3A_47, %dma_start3A_48] : memref<80x128xi32, #tpu.memory_space<vmem>> -> memref<1x128xi32, #tpu.memory_space<vmem>>
    %dma_start3A_50 = tpu.memref_squeeze %dma_start3A_49 : memref<1x128xi32, #tpu.memory_space<vmem>> -> memref<128xi32, #tpu.memory_space<vmem>>
    %dma_start3A_51 = arith.constant 0 : i32
    %dma_start3A_52 = arith.constant 0 : i32
    %dma_start3A_53 = tpu.memref_slice %arg6[%dma_start3A_51, %dma_start3A_52] : memref<10240x128xf32, #tpu.memory_space<vmem_shared>> -> memref<10240x128xf32, #tpu.memory_space<vmem_shared>>
    tpu.enqueue_indirect_dma source(%arg5 : memref<128x128xf32, #tpu.memory_space<vmem>>) target(%dma_start3A_53 : memref<10240x128xf32, #tpu.memory_space<vmem_shared>>) offsets(%dma_start3A_50 : memref<128xi32, #tpu.memory_space<vmem>>) semaphore(%arg7 : memref<!tpu.dma_semaphore, #tpu.memory_space<semaphore_mem>>) {add = true}
    %dma_start3A_54 = arith.constant 3 : i32
    %dma_start3A_55 = arith.constant 0 : i32
    %dma_start3A_56 = tpu.memref_slice %arg4[%dma_start3A_54, %dma_start3A_55] : memref<80x128xi32, #tpu.memory_space<vmem>> -> memref<1x128xi32, #tpu.memory_space<vmem>>
    %dma_start3A_57 = tpu.memref_squeeze %dma_start3A_56 : memref<1x128xi32, #tpu.memory_space<vmem>> -> memref<128xi32, #tpu.memory_space<vmem>>
    %dma_start3A_58 = arith.constant 0 : i32
    %dma_start3A_59 = arith.constant 0 : i32
    %dma_start3A_60 = tpu.memref_slice %arg6[%dma_start3A_58, %dma_start3A_59] : memref<10240x128xf32, #tpu.memory_space<vmem_shared>> -> memref<10240x128xf32, #tpu.memory_space<vmem_shared>>
    tpu.enqueue_indirect_dma source(%arg5 : memref<128x128xf32, #tpu.memory_space<vmem>>) target(%dma_start3A_60 : memref<10240x128xf32, #tpu.memory_space<vmem_shared>>) offsets(%dma_start3A_57 : memref<128xi32, #tpu.memory_space<vmem>>) semaphore(%arg7 : memref<!tpu.dma_semaphore, #tpu.memory_space<semaphore_mem>>) {add = true}
    %dma_start3A_61 = arith.constant 4 : i32
    %dma_start3A_62 = arith.constant 0 : i32
    %dma_start3A_63 = tpu.memref_slice %arg4[%dma_start3A_61, %dma_start3A_62] : memref<80x128xi32, #tpu.memory_space<vmem>> -> memref<1x128xi32, #tpu.memory_space<vmem>>
    %dma_start3A_64 = tpu.memref_squeeze %dma_start3A_63 : memref<1x128xi32, #tpu.memory_space<vmem>> -> memref<128xi32, #tpu.memory_space<vmem>>
    %dma_start3A_65 = arith.constant 0 : i32
    %dma_start3A_66 = arith.constant 0 : i32
    %dma_start3A_67 = tpu.memref_slice %arg6[%dma_start3A_65, %dma_start3A_66] : memref<10240x128xf32, #tpu.memory_space<vmem_shared>> -> memref<10240x128xf32, #tpu.memory_space<vmem_shared>>
    tpu.enqueue_indirect_dma source(%arg5 : memref<128x128xf32, #tpu.memory_space<vmem>>) target(%dma_start3A_67 : memref<10240x128xf32, #tpu.memory_space<vmem_shared>>) offsets(%dma_start3A_64 : memref<128xi32, #tpu.memory_space<vmem>>) semaphore(%arg7 : memref<!tpu.dma_semaphore, #tpu.memory_space<semaphore_mem>>) {add = true}
    %dma_start3A_68 = arith.constant 5 : i32
    %dma_start3A_69 = arith.constant 0 : i32
    %dma_start3A_70 = tpu.memref_slice %arg4[%dma_start3A_68, %dma_start3A_69] : memref<80x128xi32, #tpu.memory_space<vmem>> -> memref<1x128xi32, #tpu.memory_space<vmem>>
    %dma_start3A_71 = tpu.memref_squeeze %dma_start3A_70 : memref<1x128xi32, #tpu.memory_space<vmem>> -> memref<128xi32, #tpu.memory_space<vmem>>
    %dma_start3A_72 = arith.constant 0 : i32
    %dma_start3A_73 = arith.constant 0 : i32
    %dma_start3A_74 = tpu.memref_slice %arg6[%dma_start3A_72, %dma_start3A_73] : memref<10240x128xf32, #tpu.memory_space<vmem_shared>> -> memref<10240x128xf32, #tpu.memory_space<vmem_shared>>
    tpu.enqueue_indirect_dma source(%arg5 : memref<128x128xf32, #tpu.memory_space<vmem>>) target(%dma_start3A_74 : memref<10240x128xf32, #tpu.memory_space<vmem_shared>>) offsets(%dma_start3A_71 : memref<128xi32, #tpu.memory_space<vmem>>) semaphore(%arg7 : memref<!tpu.dma_semaphore, #tpu.memory_space<semaphore_mem>>) {add = true}
    %dma_start3A_75 = arith.constant 6 : i32
    %dma_start3A_76 = arith.constant 0 : i32
    %dma_start3A_77 = tpu.memref_slice %arg4[%dma_start3A_75, %dma_start3A_76] : memref<80x128xi32, #tpu.memory_space<vmem>> -> memref<1x128xi32, #tpu.memory_space<vmem>>
    %dma_start3A_78 = tpu.memref_squeeze %dma_start3A_77 : memref<1x128xi32, #tpu.memory_space<vmem>> -> memref<128xi32, #tpu.memory_space<vmem>>
    %dma_start3A_79 = arith.constant 0 : i32
    %dma_start3A_80 = arith.constant 0 : i32
    %dma_start3A_81 = tpu.memref_slice %arg6[%dma_start3A_79, %dma_start3A_80] : memref<10240x128xf32, #tpu.memory_space<vmem_shared>> -> memref<10240x128xf32, #tpu.memory_space<vmem_shared>>
    tpu.enqueue_indirect_dma source(%arg5 : memref<128x128xf32, #tpu.memory_space<vmem>>) target(%dma_start3A_81 : memref<10240x128xf32, #tpu.memory_space<vmem_shared>>) offsets(%dma_start3A_78 : memref<128xi32, #tpu.memory_space<vmem>>) semaphore(%arg7 : memref<!tpu.dma_semaphore, #tpu.memory_space<semaphore_mem>>) {add = true}
    %dma_start3A_82 = arith.constant 7 : i32
    %dma_start3A_83 = arith.constant 0 : i32
    %dma_start3A_84 = tpu.memref_slice %arg4[%dma_start3A_82, %dma_start3A_83] : memref<80x128xi32, #tpu.memory_space<vmem>> -> memref<1x128xi32, #tpu.memory_space<vmem>>
    %dma_start3A_85 = tpu.memref_squeeze %dma_start3A_84 : memref<1x128xi32, #tpu.memory_space<vmem>> -> memref<128xi32, #tpu.memory_space<vmem>>
    %dma_start3A_86 = arith.constant 0 : i32
    %dma_start3A_87 = arith.constant 0 : i32
    %dma_start3A_88 = tpu.memref_slice %arg6[%dma_start3A_86, %dma_start3A_87] : memref<10240x128xf32, #tpu.memory_space<vmem_shared>> -> memref<10240x128xf32, #tpu.memory_space<vmem_shared>>
    tpu.enqueue_indirect_dma source(%arg5 : memref<128x128xf32, #tpu.memory_space<vmem>>) target(%dma_start3A_88 : memref<10240x128xf32, #tpu.memory_space<vmem_shared>>) offsets(%dma_start3A_85 : memref<128xi32, #tpu.memory_space<vmem>>) semaphore(%arg7 : memref<!tpu.dma_semaphore, #tpu.memory_space<semaphore_mem>>) {add = true}
    %scan3A_89 = arith.constant 0 : i32
    %scan3A_90 = arith.constant 0 : i32
    %scan3A_91 = arith.constant 72 : i32
    %scan3A_92 = arith.addi %scan3A_90, %scan3A_91 : i32
    %scan3A_93 = arith.constant 1 : i32
    %scan3A_94 = scf.for %scan3A_148 = %scan3A_90 to %scan3A_92 step %scan3A_93 iter_args(%scan3A_149 = %scan3A_89) -> (i32)  : i32 {
      %dma_wait3A_150 = arith.constant 0 : i32
      %dma_wait3A_151 = arith.constant 0 : i32
      %dma_wait3A_152 = tpu.memref_slice %arg6[%dma_wait3A_150, %dma_wait3A_151] : memref<10240x128xf32, #tpu.memory_space<vmem_shared>> -> memref<128x128xf32, #tpu.memory_space<vmem_shared>>
      %dma_wait3A_153 = arith.constant 0 : i32
      %dma_wait3A_154 = arith.constant 0 : i32
      %dma_wait3A_155 = tpu.memref_slice %arg6[%dma_wait3A_153, %dma_wait3A_154] : memref<10240x128xf32, #tpu.memory_space<vmem_shared>> -> memref<128x128xf32, #tpu.memory_space<vmem_shared>>
      tpu.wait_dma2 semaphore(%arg7 : memref<!tpu.dma_semaphore, #tpu.memory_space<semaphore_mem>>) src(%arg5 : memref<128x128xf32, #tpu.memory_space<vmem>>) dst(%dma_wait3A_155 : memref<128x128xf32, #tpu.memory_space<vmem_shared>>)
      %add3A_156 = arith.constant 8 : i32
      %add3A_157 = arith.addi %scan3A_148, %add3A_156 : i32
      %dma_start3A_158 = arith.constant 0 : i32
      %dma_start3A_159 = tpu.memref_slice %arg4[%add3A_157, %dma_start3A_158] : memref<80x128xi32, #tpu.memory_space<vmem>> -> memref<1x128xi32, #tpu.memory_space<vmem>>
      %dma_start3A_160 = tpu.memref_squeeze %dma_start3A_159 : memref<1x128xi32, #tpu.memory_space<vmem>> -> memref<128xi32, #tpu.memory_space<vmem>>
      %dma_start3A_161 = arith.constant 0 : i32
      %dma_start3A_162 = arith.constant 0 : i32
      %dma_start3A_163 = tpu.memref_slice %arg6[%dma_start3A_161, %dma_start3A_162] : memref<10240x128xf32, #tpu.memory_space<vmem_shared>> -> memref<10240x128xf32, #tpu.memory_space<vmem_shared>>
      tpu.enqueue_indirect_dma source(%arg5 : memref<128x128xf32, #tpu.memory_space<vmem>>) target(%dma_start3A_163 : memref<10240x128xf32, #tpu.memory_space<vmem_shared>>) offsets(%dma_start3A_160 : memref<128xi32, #tpu.memory_space<vmem>>) semaphore(%arg7 : memref<!tpu.dma_semaphore, #tpu.memory_space<semaphore_mem>>) {add = true}
      %scan3A_164 = arith.constant 0 : i32
      scf.yield %scan3A_164 : i32
    }
    %scan3A_95 = arith.constant 72 : i32
    %dma_wait3A = arith.constant 0 : i32
    %dma_wait3A_96 = arith.constant 0 : i32
    %dma_wait3A_97 = tpu.memref_slice %arg6[%dma_wait3A, %dma_wait3A_96] : memref<10240x128xf32, #tpu.memory_space<vmem_shared>> -> memref<128x128xf32, #tpu.memory_space<vmem_shared>>
    %dma_wait3A_98 = arith.constant 0 : i32
    %dma_wait3A_99 = arith.constant 0 : i32
    %dma_wait3A_100 = tpu.memref_slice %arg6[%dma_wait3A_98, %dma_wait3A_99] : memref<10240x128xf32, #tpu.memory_space<vmem_shared>> -> memref<128x128xf32, #tpu.memory_space<vmem_shared>>
    tpu.wait_dma2 semaphore(%arg7 : memref<!tpu.dma_semaphore, #tpu.memory_space<semaphore_mem>>) src(%arg5 : memref<128x128xf32, #tpu.memory_space<vmem>>) dst(%dma_wait3A_100 : memref<128x128xf32, #tpu.memory_space<vmem_shared>>)
    %dma_wait3A_101 = arith.constant 0 : i32
    %dma_wait3A_102 = arith.constant 0 : i32
    %dma_wait3A_103 = tpu.memref_slice %arg6[%dma_wait3A_101, %dma_wait3A_102] : memref<10240x128xf32, #tpu.memory_space<vmem_shared>> -> memref<128x128xf32, #tpu.memory_space<vmem_shared>>
    %dma_wait3A_104 = arith.constant 0 : i32
    %dma_wait3A_105 = arith.constant 0 : i32
    %dma_wait3A_106 = tpu.memref_slice %arg6[%dma_wait3A_104, %dma_wait3A_105] : memref<10240x128xf32, #tpu.memory_space<vmem_shared>> -> memref<128x128xf32, #tpu.memory_space<vmem_shared>>
    tpu.wait_dma2 semaphore(%arg7 : memref<!tpu.dma_semaphore, #tpu.memory_space<semaphore_mem>>) src(%arg5 : memref<128x128xf32, #tpu.memory_space<vmem>>) dst(%dma_wait3A_106 : memref<128x128xf32, #tpu.memory_space<vmem_shared>>)
    %dma_wait3A_107 = arith.constant 0 : i32
    %dma_wait3A_108 = arith.constant 0 : i32
    %dma_wait3A_109 = tpu.memref_slice %arg6[%dma_wait3A_107, %dma_wait3A_108] : memref<10240x128xf32, #tpu.memory_space<vmem_shared>> -> memref<128x128xf32, #tpu.memory_space<vmem_shared>>
    %dma_wait3A_110 = arith.constant 0 : i32
    %dma_wait3A_111 = arith.constant 0 : i32
    %dma_wait3A_112 = tpu.memref_slice %arg6[%dma_wait3A_110, %dma_wait3A_111] : memref<10240x128xf32, #tpu.memory_space<vmem_shared>> -> memref<128x128xf32, #tpu.memory_space<vmem_shared>>
    tpu.wait_dma2 semaphore(%arg7 : memref<!tpu.dma_semaphore, #tpu.memory_space<semaphore_mem>>) src(%arg5 : memref<128x128xf32, #tpu.memory_space<vmem>>) dst(%dma_wait3A_112 : memref<128x128xf32, #tpu.memory_space<vmem_shared>>)
    %dma_wait3A_113 = arith.constant 0 : i32
    %dma_wait3A_114 = arith.constant 0 : i32
    %dma_wait3A_115 = tpu.memref_slice %arg6[%dma_wait3A_113, %dma_wait3A_114] : memref<10240x128xf32, #tpu.memory_space<vmem_shared>> -> memref<128x128xf32, #tpu.memory_space<vmem_shared>>
    %dma_wait3A_116 = arith.constant 0 : i32
    %dma_wait3A_117 = arith.constant 0 : i32
    %dma_wait3A_118 = tpu.memref_slice %arg6[%dma_wait3A_116, %dma_wait3A_117] : memref<10240x128xf32, #tpu.memory_space<vmem_shared>> -> memref<128x128xf32, #tpu.memory_space<vmem_shared>>
    tpu.wait_dma2 semaphore(%arg7 : memref<!tpu.dma_semaphore, #tpu.memory_space<semaphore_mem>>) src(%arg5 : memref<128x128xf32, #tpu.memory_space<vmem>>) dst(%dma_wait3A_118 : memref<128x128xf32, #tpu.memory_space<vmem_shared>>)
    %dma_wait3A_119 = arith.constant 0 : i32
    %dma_wait3A_120 = arith.constant 0 : i32
    %dma_wait3A_121 = tpu.memref_slice %arg6[%dma_wait3A_119, %dma_wait3A_120] : memref<10240x128xf32, #tpu.memory_space<vmem_shared>> -> memref<128x128xf32, #tpu.memory_space<vmem_shared>>
    %dma_wait3A_122 = arith.constant 0 : i32
    %dma_wait3A_123 = arith.constant 0 : i32
    %dma_wait3A_124 = tpu.memref_slice %arg6[%dma_wait3A_122, %dma_wait3A_123] : memref<10240x128xf32, #tpu.memory_space<vmem_shared>> -> memref<128x128xf32, #tpu.memory_space<vmem_shared>>
    tpu.wait_dma2 semaphore(%arg7 : memref<!tpu.dma_semaphore, #tpu.memory_space<semaphore_mem>>) src(%arg5 : memref<128x128xf32, #tpu.memory_space<vmem>>) dst(%dma_wait3A_124 : memref<128x128xf32, #tpu.memory_space<vmem_shared>>)
    %dma_wait3A_125 = arith.constant 0 : i32
    %dma_wait3A_126 = arith.constant 0 : i32
    %dma_wait3A_127 = tpu.memref_slice %arg6[%dma_wait3A_125, %dma_wait3A_126] : memref<10240x128xf32, #tpu.memory_space<vmem_shared>> -> memref<128x128xf32, #tpu.memory_space<vmem_shared>>
    %dma_wait3A_128 = arith.constant 0 : i32
    %dma_wait3A_129 = arith.constant 0 : i32
    %dma_wait3A_130 = tpu.memref_slice %arg6[%dma_wait3A_128, %dma_wait3A_129] : memref<10240x128xf32, #tpu.memory_space<vmem_shared>> -> memref<128x128xf32, #tpu.memory_space<vmem_shared>>
    tpu.wait_dma2 semaphore(%arg7 : memref<!tpu.dma_semaphore, #tpu.memory_space<semaphore_mem>>) src(%arg5 : memref<128x128xf32, #tpu.memory_space<vmem>>) dst(%dma_wait3A_130 : memref<128x128xf32, #tpu.memory_space<vmem_shared>>)
    %dma_wait3A_131 = arith.constant 0 : i32
    %dma_wait3A_132 = arith.constant 0 : i32
    %dma_wait3A_133 = tpu.memref_slice %arg6[%dma_wait3A_131, %dma_wait3A_132] : memref<10240x128xf32, #tpu.memory_space<vmem_shared>> -> memref<128x128xf32, #tpu.memory_space<vmem_shared>>
    %dma_wait3A_134 = arith.constant 0 : i32
    %dma_wait3A_135 = arith.constant 0 : i32
    %dma_wait3A_136 = tpu.memref_slice %arg6[%dma_wait3A_134, %dma_wait3A_135] : memref<10240x128xf32, #tpu.memory_space<vmem_shared>> -> memref<128x128xf32, #tpu.memory_space<vmem_shared>>
    tpu.wait_dma2 semaphore(%arg7 : memref<!tpu.dma_semaphore, #tpu.memory_space<semaphore_mem>>) src(%arg5 : memref<128x128xf32, #tpu.memory_space<vmem>>) dst(%dma_wait3A_136 : memref<128x128xf32, #tpu.memory_space<vmem_shared>>)
    %dma_wait3A_137 = arith.constant 0 : i32
    %dma_wait3A_138 = arith.constant 0 : i32
    %dma_wait3A_139 = tpu.memref_slice %arg6[%dma_wait3A_137, %dma_wait3A_138] : memref<10240x128xf32, #tpu.memory_space<vmem_shared>> -> memref<128x128xf32, #tpu.memory_space<vmem_shared>>
    %dma_wait3A_140 = arith.constant 0 : i32
    %dma_wait3A_141 = arith.constant 0 : i32
    %dma_wait3A_142 = tpu.memref_slice %arg6[%dma_wait3A_140, %dma_wait3A_141] : memref<10240x128xf32, #tpu.memory_space<vmem_shared>> -> memref<128x128xf32, #tpu.memory_space<vmem_shared>>
    tpu.wait_dma2 semaphore(%arg7 : memref<!tpu.dma_semaphore, #tpu.memory_space<semaphore_mem>>) src(%arg5 : memref<128x128xf32, #tpu.memory_space<vmem>>) dst(%dma_wait3A_142 : memref<128x128xf32, #tpu.memory_space<vmem_shared>>)
    %barrier3A_143 = arith.constant 0 : index
    tpu.barrier barrier_id(%barrier3A_143)
    %mul3A_144 = arith.constant 640 : i32
    %mul3A_145 = arith.muli %arg1, %mul3A_144 : i32
    %mul3A_146 = arith.constant 640 : i32
    %mul3A_147 = arith.muli %arg1, %mul3A_146 : i32
    "tpu.region"() ({
      %run_scoped3A = tpu.sem_alloc : memref<!tpu.dma_semaphore, #tpu.memory_space<semaphore_mem>>
      %dma_start3A_148 = arith.constant 0 : i32
      %dma_start3A_149 = arith.constant 0 : i32
      %dma_start3A_150 = tpu.memref_slice %arg3[%arg0, %dma_start3A_148, %dma_start3A_149] : memref<2x10240x128xf32, #tpu.memory_space<hbm>> -> memref<1x10240x128xf32, #tpu.memory_space<hbm>>
      %dma_start3A_151 = tpu.memref_squeeze %dma_start3A_150 : memref<1x10240x128xf32, #tpu.memory_space<hbm>> -> memref<10240x128xf32, #tpu.memory_space<hbm>>
      %dma_start3A_152 = arith.constant 0 : i32
      %dma_start3A_153 = tpu.memref_slice %dma_start3A_151[%mul3A_147, %dma_start3A_152] : memref<10240x128xf32, #tpu.memory_space<hbm>> -> memref<640x128xf32, #tpu.memory_space<hbm>>
      %dma_start3A_154 = arith.constant 0 : i32
      %dma_start3A_155 = tpu.memref_slice %arg6[%mul3A_145, %dma_start3A_154] : memref<10240x128xf32, #tpu.memory_space<vmem_shared>> -> memref<640x128xf32, #tpu.memory_space<vmem_shared>>
      tpu.enqueue_dma source(%dma_start3A_155 : memref<640x128xf32, #tpu.memory_space<vmem_shared>>) target(%dma_start3A_153 : memref<640x128xf32, #tpu.memory_space<hbm>>) target_semaphore(%run_scoped3A : memref<!tpu.dma_semaphore, #tpu.memory_space<semaphore_mem>>)
      %dma_wait3A_156 = arith.constant 0 : i32
      %dma_wait3A_157 = arith.constant 0 : i32
      %dma_wait3A_158 = tpu.memref_slice %arg3[%arg0, %dma_wait3A_156, %dma_wait3A_157] : memref<2x10240x128xf32, #tpu.memory_space<hbm>> -> memref<1x10240x128xf32, #tpu.memory_space<hbm>>
      %dma_wait3A_159 = tpu.memref_squeeze %dma_wait3A_158 : memref<1x10240x128xf32, #tpu.memory_space<hbm>> -> memref<10240x128xf32, #tpu.memory_space<hbm>>
      %dma_wait3A_160 = arith.constant 0 : i32
      %dma_wait3A_161 = tpu.memref_slice %dma_wait3A_159[%mul3A_147, %dma_wait3A_160] : memref<10240x128xf32, #tpu.memory_space<hbm>> -> memref<640x128xf32, #tpu.memory_space<hbm>>
      %dma_wait3A_162 = arith.constant 0 : i32
      %dma_wait3A_163 = tpu.memref_slice %arg6[%mul3A_145, %dma_wait3A_162] : memref<10240x128xf32, #tpu.memory_space<vmem_shared>> -> memref<640x128xf32, #tpu.memory_space<vmem_shared>>
      tpu.wait_dma2 semaphore(%run_scoped3A : memref<!tpu.dma_semaphore, #tpu.memory_space<semaphore_mem>>) src(%dma_wait3A_163 : memref<640x128xf32, #tpu.memory_space<vmem_shared>>) dst(%dma_wait3A_161 : memref<640x128xf32, #tpu.memory_space<hbm>>)
      tpu.yield
    }) : () -> ()
    return
  }
}

#map = affine_map<(d0, d1) -> (0, 0)>
#map1 = affine_map<(d0, d1) -> (0, 0, 0)>
module attributes {stable_mosaic.version = 14 : i64} {
  func.func @_agg_kernel(%arg0: i32, %arg1: i32, %arg2: memref<10240x128xf32, #tpu.memory_space<hbm>>, %arg3: memref<32x80x128xi32, #tpu.memory_space<hbm>>, %arg4: memref<32x80x128xi32, #tpu.memory_space<hbm>>, %arg5: memref<2x10240x128xf32, #tpu.memory_space<hbm>>, %arg6: memref<40x128xi32, #tpu.memory_space<vmem>>, %arg7: memref<40x128xi32, #tpu.memory_space<vmem>>, %arg8: memref<128x128xf32, #tpu.memory_space<vmem>>, %arg9: memref<128x128xf32, #tpu.memory_space<vmem>>, %arg10: memref<10240x128xf32, #tpu.memory_space<vmem_shared>>, %arg11: memref<!tpu.dma_semaphore, #tpu.memory_space<semaphore_mem>>, %arg12: memref<!tpu.dma_semaphore, #tpu.memory_space<semaphore_mem>>) attributes {dimension_semantics = [#tpu.dimension_semantics<core_parallel>, #tpu.dimension_semantics<subcore_parallel>], iteration_bounds = array<i64: 2, 16>, scalar_prefetch = 0 : i64, scratch_operands = 7 : i64, tpu.core_type = #tpu.core_type<sc_vector_subcore>, window_params = [{transform_indices = #map}, {transform_indices = #map1}, {transform_indices = #map1}, {transform_indices = #map1}]} {
    %mul3A = arith.constant 16 : i32
    %mul3A_0 = arith.muli %arg0, %mul3A : i32
    %add3A = arith.addi %mul3A_0, %arg1 : i32
    %scan3A = arith.constant 0 : i32
    %scan3A_1 = arith.constant 0 : i32
    %scan3A_2 = arith.constant 128 : i32
    %scan3A_3 = arith.addi %scan3A_1, %scan3A_2 : i32
    %scan3A_4 = arith.constant 1 : i32
    %scan3A_5 = scf.for %scan3A_99 = %scan3A_1 to %scan3A_3 step %scan3A_4 iter_args(%scan3A_100 = %scan3A) -> (i32)  : i32 {
      %broadcast_in_dim3A = arith.constant 0.000000e+00 : f32
      %broadcast_in_dim3A_101 = vector.broadcast %broadcast_in_dim3A : f32 to vector<16xf32>
      %swap3A = arith.index_cast %scan3A_99 : i32 to index
      %swap3A_102 = arith.constant 0 : index
      %swap3A_103 = tpu.vector_load %arg8[%swap3A, %swap3A_102] {strides = array<i32>} : memref<128x128xf32, #tpu.memory_space<vmem>>, vector<1x16xf32>,
      %swap3A_104 = vector.shape_cast %swap3A_103 : vector<1x16xf32> to vector<16xf32>
      %swap3A_105 = vector.shape_cast %broadcast_in_dim3A_101 : vector<16xf32> to vector<1x16xf32>
      tpu.vector_store %arg8[%swap3A, %swap3A_102], %swap3A_105 {strides = array<i32>} : memref<128x128xf32, #tpu.memory_space<vmem>>, vector<1x16xf32>,
      %broadcast_in_dim3A_106 = arith.constant 0.000000e+00 : f32
      %broadcast_in_dim3A_107 = vector.broadcast %broadcast_in_dim3A_106 : f32 to vector<16xf32>
      %swap3A_108 = arith.index_cast %scan3A_99 : i32 to index
      %swap3A_109 = arith.constant 16 : index
      %swap3A_110 = tpu.vector_load %arg8[%swap3A_108, %swap3A_109] {strides = array<i32>} : memref<128x128xf32, #tpu.memory_space<vmem>>, vector<1x16xf32>,
      %swap3A_111 = vector.shape_cast %swap3A_110 : vector<1x16xf32> to vector<16xf32>
      %swap3A_112 = vector.shape_cast %broadcast_in_dim3A_107 : vector<16xf32> to vector<1x16xf32>
      tpu.vector_store %arg8[%swap3A_108, %swap3A_109], %swap3A_112 {strides = array<i32>} : memref<128x128xf32, #tpu.memory_space<vmem>>, vector<1x16xf32>,
      %broadcast_in_dim3A_113 = arith.constant 0.000000e+00 : f32
      %broadcast_in_dim3A_114 = vector.broadcast %broadcast_in_dim3A_113 : f32 to vector<16xf32>
      %swap3A_115 = arith.index_cast %scan3A_99 : i32 to index
      %swap3A_116 = arith.constant 32 : index
      %swap3A_117 = tpu.vector_load %arg8[%swap3A_115, %swap3A_116] {strides = array<i32>} : memref<128x128xf32, #tpu.memory_space<vmem>>, vector<1x16xf32>,
      %swap3A_118 = vector.shape_cast %swap3A_117 : vector<1x16xf32> to vector<16xf32>
      %swap3A_119 = vector.shape_cast %broadcast_in_dim3A_114 : vector<16xf32> to vector<1x16xf32>
      tpu.vector_store %arg8[%swap3A_115, %swap3A_116], %swap3A_119 {strides = array<i32>} : memref<128x128xf32, #tpu.memory_space<vmem>>, vector<1x16xf32>,
      %broadcast_in_dim3A_120 = arith.constant 0.000000e+00 : f32
      %broadcast_in_dim3A_121 = vector.broadcast %broadcast_in_dim3A_120 : f32 to vector<16xf32>
      %swap3A_122 = arith.index_cast %scan3A_99 : i32 to index
      %swap3A_123 = arith.constant 48 : index
      %swap3A_124 = tpu.vector_load %arg8[%swap3A_122, %swap3A_123] {strides = array<i32>} : memref<128x128xf32, #tpu.memory_space<vmem>>, vector<1x16xf32>,
      %swap3A_125 = vector.shape_cast %swap3A_124 : vector<1x16xf32> to vector<16xf32>
      %swap3A_126 = vector.shape_cast %broadcast_in_dim3A_121 : vector<16xf32> to vector<1x16xf32>
      tpu.vector_store %arg8[%swap3A_122, %swap3A_123], %swap3A_126 {strides = array<i32>} : memref<128x128xf32, #tpu.memory_space<vmem>>, vector<1x16xf32>,
      %broadcast_in_dim3A_127 = arith.constant 0.000000e+00 : f32
      %broadcast_in_dim3A_128 = vector.broadcast %broadcast_in_dim3A_127 : f32 to vector<16xf32>
      %swap3A_129 = arith.index_cast %scan3A_99 : i32 to index
      %swap3A_130 = arith.constant 64 : index
      %swap3A_131 = tpu.vector_load %arg8[%swap3A_129, %swap3A_130] {strides = array<i32>} : memref<128x128xf32, #tpu.memory_space<vmem>>, vector<1x16xf32>,
      %swap3A_132 = vector.shape_cast %swap3A_131 : vector<1x16xf32> to vector<16xf32>
      %swap3A_133 = vector.shape_cast %broadcast_in_dim3A_128 : vector<16xf32> to vector<1x16xf32>
      tpu.vector_store %arg8[%swap3A_129, %swap3A_130], %swap3A_133 {strides = array<i32>} : memref<128x128xf32, #tpu.memory_space<vmem>>, vector<1x16xf32>,
      %broadcast_in_dim3A_134 = arith.constant 0.000000e+00 : f32
      %broadcast_in_dim3A_135 = vector.broadcast %broadcast_in_dim3A_134 : f32 to vector<16xf32>
      %swap3A_136 = arith.index_cast %scan3A_99 : i32 to index
      %swap3A_137 = arith.constant 80 : index
      %swap3A_138 = tpu.vector_load %arg8[%swap3A_136, %swap3A_137] {strides = array<i32>} : memref<128x128xf32, #tpu.memory_space<vmem>>, vector<1x16xf32>,
      %swap3A_139 = vector.shape_cast %swap3A_138 : vector<1x16xf32> to vector<16xf32>
      %swap3A_140 = vector.shape_cast %broadcast_in_dim3A_135 : vector<16xf32> to vector<1x16xf32>
      tpu.vector_store %arg8[%swap3A_136, %swap3A_137], %swap3A_140 {strides = array<i32>} : memref<128x128xf32, #tpu.memory_space<vmem>>, vector<1x16xf32>,
      %broadcast_in_dim3A_141 = arith.constant 0.000000e+00 : f32
      %broadcast_in_dim3A_142 = vector.broadcast %broadcast_in_dim3A_141 : f32 to vector<16xf32>
      %swap3A_143 = arith.index_cast %scan3A_99 : i32 to index
      %swap3A_144 = arith.constant 96 : index
      %swap3A_145 = tpu.vector_load %arg8[%swap3A_143, %swap3A_144] {strides = array<i32>} : memref<128x128xf32, #tpu.memory_space<vmem>>, vector<1x16xf32>,
      %swap3A_146 = vector.shape_cast %swap3A_145 : vector<1x16xf32> to vector<16xf32>
      %swap3A_147 = vector.shape_cast %broadcast_in_dim3A_142 : vector<16xf32> to vector<1x16xf32>
      tpu.vector_store %arg8[%swap3A_143, %swap3A_144], %swap3A_147 {strides = array<i32>} : memref<128x128xf32, #tpu.memory_space<vmem>>, vector<1x16xf32>,
      %broadcast_in_dim3A_148 = arith.constant 0.000000e+00 : f32
      %broadcast_in_dim3A_149 = vector.broadcast %broadcast_in_dim3A_148 : f32 to vector<16xf32>
      %swap3A_150 = arith.index_cast %scan3A_99 : i32 to index
      %swap3A_151 = arith.constant 112 : index
      %swap3A_152 = tpu.vector_load %arg8[%swap3A_150, %swap3A_151] {strides = array<i32>} : memref<128x128xf32, #tpu.memory_space<vmem>>, vector<1x16xf32>,
      %swap3A_153 = vector.shape_cast %swap3A_152 : vector<1x16xf32> to vector<16xf32>
      %swap3A_154 = vector.shape_cast %broadcast_in_dim3A_149 : vector<16xf32> to vector<1x16xf32>
      tpu.vector_store %arg8[%swap3A_150, %swap3A_151], %swap3A_154 {strides = array<i32>} : memref<128x128xf32, #tpu.memory_space<vmem>>, vector<1x16xf32>,
      %scan3A_155 = arith.constant 0 : i32
      scf.yield %scan3A_155 : i32
    }
    %scan3A_6 = arith.constant 128 : i32
    %mul3A_7 = arith.constant 640 : i32
    %mul3A_8 = arith.muli %arg1, %mul3A_7 : i32
    %add3A_9 = arith.constant 0 : i32
    %add3A_10 = arith.addi %mul3A_8, %add3A_9 : i32
    "tpu.region"() ({
      %run_scoped3A_99 = tpu.sem_alloc : memref<!tpu.dma_semaphore, #tpu.memory_space<semaphore_mem>>
      %dma_start3A_100 = arith.constant 0 : i32
      %dma_start3A_101 = tpu.memref_slice %arg10[%add3A_10, %dma_start3A_100] : memref<10240x128xf32, #tpu.memory_space<vmem_shared>> -> memref<128x128xf32, #tpu.memory_space<vmem_shared>>
      %dma_start3A_102 = arith.constant 0 : i32
      %dma_start3A_103 = tpu.memref_slice %arg10[%add3A_10, %dma_start3A_102] : memref<10240x128xf32, #tpu.memory_space<vmem_shared>> -> memref<128x128xf32, #tpu.memory_space<vmem_shared>>
      tpu.enqueue_dma source(%arg8 : memref<128x128xf32, #tpu.memory_space<vmem>>) target(%dma_start3A_103 : memref<128x128xf32, #tpu.memory_space<vmem_shared>>) target_semaphore(%run_scoped3A_99 : memref<!tpu.dma_semaphore, #tpu.memory_space<semaphore_mem>>)
      %dma_wait3A_104 = arith.constant 0 : i32
      %dma_wait3A_105 = tpu.memref_slice %arg10[%add3A_10, %dma_wait3A_104] : memref<10240x128xf32, #tpu.memory_space<vmem_shared>> -> memref<128x128xf32, #tpu.memory_space<vmem_shared>>
      %dma_wait3A_106 = arith.constant 0 : i32
      %dma_wait3A_107 = tpu.memref_slice %arg10[%add3A_10, %dma_wait3A_106] : memref<10240x128xf32, #tpu.memory_space<vmem_shared>> -> memref<128x128xf32, #tpu.memory_space<vmem_shared>>
      tpu.wait_dma2 semaphore(%run_scoped3A_99 : memref<!tpu.dma_semaphore, #tpu.memory_space<semaphore_mem>>) src(%arg8 : memref<128x128xf32, #tpu.memory_space<vmem>>) dst(%dma_wait3A_107 : memref<128x128xf32, #tpu.memory_space<vmem_shared>>)
      tpu.yield
    }) : () -> ()
    %mul3A_11 = arith.constant 640 : i32
    %mul3A_12 = arith.muli %arg1, %mul3A_11 : i32
    %add3A_13 = arith.constant 128 : i32
    %add3A_14 = arith.addi %mul3A_12, %add3A_13 : i32
    "tpu.region"() ({
      %run_scoped3A_99 = tpu.sem_alloc : memref<!tpu.dma_semaphore, #tpu.memory_space<semaphore_mem>>
      %dma_start3A_100 = arith.constant 0 : i32
      %dma_start3A_101 = tpu.memref_slice %arg10[%add3A_14, %dma_start3A_100] : memref<10240x128xf32, #tpu.memory_space<vmem_shared>> -> memref<128x128xf32, #tpu.memory_space<vmem_shared>>
      %dma_start3A_102 = arith.constant 0 : i32
      %dma_start3A_103 = tpu.memref_slice %arg10[%add3A_14, %dma_start3A_102] : memref<10240x128xf32, #tpu.memory_space<vmem_shared>> -> memref<128x128xf32, #tpu.memory_space<vmem_shared>>
      tpu.enqueue_dma source(%arg8 : memref<128x128xf32, #tpu.memory_space<vmem>>) target(%dma_start3A_103 : memref<128x128xf32, #tpu.memory_space<vmem_shared>>) target_semaphore(%run_scoped3A_99 : memref<!tpu.dma_semaphore, #tpu.memory_space<semaphore_mem>>)
      %dma_wait3A_104 = arith.constant 0 : i32
      %dma_wait3A_105 = tpu.memref_slice %arg10[%add3A_14, %dma_wait3A_104] : memref<10240x128xf32, #tpu.memory_space<vmem_shared>> -> memref<128x128xf32, #tpu.memory_space<vmem_shared>>
      %dma_wait3A_106 = arith.constant 0 : i32
      %dma_wait3A_107 = tpu.memref_slice %arg10[%add3A_14, %dma_wait3A_106] : memref<10240x128xf32, #tpu.memory_space<vmem_shared>> -> memref<128x128xf32, #tpu.memory_space<vmem_shared>>
      tpu.wait_dma2 semaphore(%run_scoped3A_99 : memref<!tpu.dma_semaphore, #tpu.memory_space<semaphore_mem>>) src(%arg8 : memref<128x128xf32, #tpu.memory_space<vmem>>) dst(%dma_wait3A_107 : memref<128x128xf32, #tpu.memory_space<vmem_shared>>)
      tpu.yield
    }) : () -> ()
    %mul3A_15 = arith.constant 640 : i32
    %mul3A_16 = arith.muli %arg1, %mul3A_15 : i32
    %add3A_17 = arith.constant 256 : i32
    %add3A_18 = arith.addi %mul3A_16, %add3A_17 : i32
    "tpu.region"() ({
      %run_scoped3A_99 = tpu.sem_alloc : memref<!tpu.dma_semaphore, #tpu.memory_space<semaphore_mem>>
      %dma_start3A_100 = arith.constant 0 : i32
      %dma_start3A_101 = tpu.memref_slice %arg10[%add3A_18, %dma_start3A_100] : memref<10240x128xf32, #tpu.memory_space<vmem_shared>> -> memref<128x128xf32, #tpu.memory_space<vmem_shared>>
      %dma_start3A_102 = arith.constant 0 : i32
      %dma_start3A_103 = tpu.memref_slice %arg10[%add3A_18, %dma_start3A_102] : memref<10240x128xf32, #tpu.memory_space<vmem_shared>> -> memref<128x128xf32, #tpu.memory_space<vmem_shared>>
      tpu.enqueue_dma source(%arg8 : memref<128x128xf32, #tpu.memory_space<vmem>>) target(%dma_start3A_103 : memref<128x128xf32, #tpu.memory_space<vmem_shared>>) target_semaphore(%run_scoped3A_99 : memref<!tpu.dma_semaphore, #tpu.memory_space<semaphore_mem>>)
      %dma_wait3A_104 = arith.constant 0 : i32
      %dma_wait3A_105 = tpu.memref_slice %arg10[%add3A_18, %dma_wait3A_104] : memref<10240x128xf32, #tpu.memory_space<vmem_shared>> -> memref<128x128xf32, #tpu.memory_space<vmem_shared>>
      %dma_wait3A_106 = arith.constant 0 : i32
      %dma_wait3A_107 = tpu.memref_slice %arg10[%add3A_18, %dma_wait3A_106] : memref<10240x128xf32, #tpu.memory_space<vmem_shared>> -> memref<128x128xf32, #tpu.memory_space<vmem_shared>>
      tpu.wait_dma2 semaphore(%run_scoped3A_99 : memref<!tpu.dma_semaphore, #tpu.memory_space<semaphore_mem>>) src(%arg8 : memref<128x128xf32, #tpu.memory_space<vmem>>) dst(%dma_wait3A_107 : memref<128x128xf32, #tpu.memory_space<vmem_shared>>)
      tpu.yield
    }) : () -> ()
    %mul3A_19 = arith.constant 640 : i32
    %mul3A_20 = arith.muli %arg1, %mul3A_19 : i32
    %add3A_21 = arith.constant 384 : i32
    %add3A_22 = arith.addi %mul3A_20, %add3A_21 : i32
    "tpu.region"() ({
      %run_scoped3A_99 = tpu.sem_alloc : memref<!tpu.dma_semaphore, #tpu.memory_space<semaphore_mem>>
      %dma_start3A_100 = arith.constant 0 : i32
      %dma_start3A_101 = tpu.memref_slice %arg10[%add3A_22, %dma_start3A_100] : memref<10240x128xf32, #tpu.memory_space<vmem_shared>> -> memref<128x128xf32, #tpu.memory_space<vmem_shared>>
      %dma_start3A_102 = arith.constant 0 : i32
      %dma_start3A_103 = tpu.memref_slice %arg10[%add3A_22, %dma_start3A_102] : memref<10240x128xf32, #tpu.memory_space<vmem_shared>> -> memref<128x128xf32, #tpu.memory_space<vmem_shared>>
      tpu.enqueue_dma source(%arg8 : memref<128x128xf32, #tpu.memory_space<vmem>>) target(%dma_start3A_103 : memref<128x128xf32, #tpu.memory_space<vmem_shared>>) target_semaphore(%run_scoped3A_99 : memref<!tpu.dma_semaphore, #tpu.memory_space<semaphore_mem>>)
      %dma_wait3A_104 = arith.constant 0 : i32
      %dma_wait3A_105 = tpu.memref_slice %arg10[%add3A_22, %dma_wait3A_104] : memref<10240x128xf32, #tpu.memory_space<vmem_shared>> -> memref<128x128xf32, #tpu.memory_space<vmem_shared>>
      %dma_wait3A_106 = arith.constant 0 : i32
      %dma_wait3A_107 = tpu.memref_slice %arg10[%add3A_22, %dma_wait3A_106] : memref<10240x128xf32, #tpu.memory_space<vmem_shared>> -> memref<128x128xf32, #tpu.memory_space<vmem_shared>>
      tpu.wait_dma2 semaphore(%run_scoped3A_99 : memref<!tpu.dma_semaphore, #tpu.memory_space<semaphore_mem>>) src(%arg8 : memref<128x128xf32, #tpu.memory_space<vmem>>) dst(%dma_wait3A_107 : memref<128x128xf32, #tpu.memory_space<vmem_shared>>)
      tpu.yield
    }) : () -> ()
    %mul3A_23 = arith.constant 640 : i32
    %mul3A_24 = arith.muli %arg1, %mul3A_23 : i32
    %add3A_25 = arith.constant 512 : i32
    %add3A_26 = arith.addi %mul3A_24, %add3A_25 : i32
    "tpu.region"() ({
      %run_scoped3A_99 = tpu.sem_alloc : memref<!tpu.dma_semaphore, #tpu.memory_space<semaphore_mem>>
      %dma_start3A_100 = arith.constant 0 : i32
      %dma_start3A_101 = tpu.memref_slice %arg10[%add3A_26, %dma_start3A_100] : memref<10240x128xf32, #tpu.memory_space<vmem_shared>> -> memref<128x128xf32, #tpu.memory_space<vmem_shared>>
      %dma_start3A_102 = arith.constant 0 : i32
      %dma_start3A_103 = tpu.memref_slice %arg10[%add3A_26, %dma_start3A_102] : memref<10240x128xf32, #tpu.memory_space<vmem_shared>> -> memref<128x128xf32, #tpu.memory_space<vmem_shared>>
      tpu.enqueue_dma source(%arg8 : memref<128x128xf32, #tpu.memory_space<vmem>>) target(%dma_start3A_103 : memref<128x128xf32, #tpu.memory_space<vmem_shared>>) target_semaphore(%run_scoped3A_99 : memref<!tpu.dma_semaphore, #tpu.memory_space<semaphore_mem>>)
      %dma_wait3A_104 = arith.constant 0 : i32
      %dma_wait3A_105 = tpu.memref_slice %arg10[%add3A_26, %dma_wait3A_104] : memref<10240x128xf32, #tpu.memory_space<vmem_shared>> -> memref<128x128xf32, #tpu.memory_space<vmem_shared>>
      %dma_wait3A_106 = arith.constant 0 : i32
      %dma_wait3A_107 = tpu.memref_slice %arg10[%add3A_26, %dma_wait3A_106] : memref<10240x128xf32, #tpu.memory_space<vmem_shared>> -> memref<128x128xf32, #tpu.memory_space<vmem_shared>>
      tpu.wait_dma2 semaphore(%run_scoped3A_99 : memref<!tpu.dma_semaphore, #tpu.memory_space<semaphore_mem>>) src(%arg8 : memref<128x128xf32, #tpu.memory_space<vmem>>) dst(%dma_wait3A_107 : memref<128x128xf32, #tpu.memory_space<vmem_shared>>)
      tpu.yield
    }) : () -> ()
    %barrier3A = arith.constant 0 : index
    tpu.barrier barrier_id(%barrier3A)
    "tpu.region"() ({
      %run_scoped3A_99 = tpu.sem_alloc : memref<!tpu.dma_semaphore, #tpu.memory_space<semaphore_mem>>
      %dma_start3A_100 = arith.constant 0 : i32
      %dma_start3A_101 = arith.constant 0 : i32
      %dma_start3A_102 = tpu.memref_slice %arg3[%add3A, %dma_start3A_100, %dma_start3A_101] : memref<32x80x128xi32, #tpu.memory_space<hbm>> -> memref<1x80x128xi32, #tpu.memory_space<hbm>>
      %dma_start3A_103 = tpu.memref_squeeze %dma_start3A_102 : memref<1x80x128xi32, #tpu.memory_space<hbm>> -> memref<80x128xi32, #tpu.memory_space<hbm>>
      %dma_start3A_104 = arith.constant 0 : i32
      %dma_start3A_105 = arith.constant 0 : i32
      %dma_start3A_106 = tpu.memref_slice %dma_start3A_103[%dma_start3A_104, %dma_start3A_105] : memref<80x128xi32, #tpu.memory_space<hbm>> -> memref<40x128xi32, #tpu.memory_space<hbm>>
      %dma_start3A_107 = arith.constant 0 : i32
      %dma_start3A_108 = arith.constant 0 : i32
      %dma_start3A_109 = tpu.memref_slice %arg3[%add3A, %dma_start3A_107, %dma_start3A_108] : memref<32x80x128xi32, #tpu.memory_space<hbm>> -> memref<1x80x128xi32, #tpu.memory_space<hbm>>
      %dma_start3A_110 = tpu.memref_squeeze %dma_start3A_109 : memref<1x80x128xi32, #tpu.memory_space<hbm>> -> memref<80x128xi32, #tpu.memory_space<hbm>>
      %dma_start3A_111 = arith.constant 0 : i32
      %dma_start3A_112 = arith.constant 0 : i32
      %dma_start3A_113 = tpu.memref_slice %dma_start3A_110[%dma_start3A_111, %dma_start3A_112] : memref<80x128xi32, #tpu.memory_space<hbm>> -> memref<40x128xi32, #tpu.memory_space<hbm>>
      tpu.enqueue_dma source(%dma_start3A_113 : memref<40x128xi32, #tpu.memory_space<hbm>>) target(%arg6 : memref<40x128xi32, #tpu.memory_space<vmem>>) target_semaphore(%run_scoped3A_99 : memref<!tpu.dma_semaphore, #tpu.memory_space<semaphore_mem>>)
      %dma_wait3A_114 = arith.constant 0 : i32
      %dma_wait3A_115 = arith.constant 0 : i32
      %dma_wait3A_116 = tpu.memref_slice %arg3[%add3A, %dma_wait3A_114, %dma_wait3A_115] : memref<32x80x128xi32, #tpu.memory_space<hbm>> -> memref<1x80x128xi32, #tpu.memory_space<hbm>>
      %dma_wait3A_117 = tpu.memref_squeeze %dma_wait3A_116 : memref<1x80x128xi32, #tpu.memory_space<hbm>> -> memref<80x128xi32, #tpu.memory_space<hbm>>
      %dma_wait3A_118 = arith.constant 0 : i32
      %dma_wait3A_119 = arith.constant 0 : i32
      %dma_wait3A_120 = tpu.memref_slice %dma_wait3A_117[%dma_wait3A_118, %dma_wait3A_119] : memref<80x128xi32, #tpu.memory_space<hbm>> -> memref<40x128xi32, #tpu.memory_space<hbm>>
      %dma_wait3A_121 = arith.constant 0 : i32
      %dma_wait3A_122 = arith.constant 0 : i32
      %dma_wait3A_123 = tpu.memref_slice %arg3[%add3A, %dma_wait3A_121, %dma_wait3A_122] : memref<32x80x128xi32, #tpu.memory_space<hbm>> -> memref<1x80x128xi32, #tpu.memory_space<hbm>>
      %dma_wait3A_124 = tpu.memref_squeeze %dma_wait3A_123 : memref<1x80x128xi32, #tpu.memory_space<hbm>> -> memref<80x128xi32, #tpu.memory_space<hbm>>
      %dma_wait3A_125 = arith.constant 0 : i32
      %dma_wait3A_126 = arith.constant 0 : i32
      %dma_wait3A_127 = tpu.memref_slice %dma_wait3A_124[%dma_wait3A_125, %dma_wait3A_126] : memref<80x128xi32, #tpu.memory_space<hbm>> -> memref<40x128xi32, #tpu.memory_space<hbm>>
      tpu.wait_dma2 semaphore(%run_scoped3A_99 : memref<!tpu.dma_semaphore, #tpu.memory_space<semaphore_mem>>) src(%dma_wait3A_127 : memref<40x128xi32, #tpu.memory_space<hbm>>) dst(%arg6 : memref<40x128xi32, #tpu.memory_space<vmem>>)
      tpu.yield
    }) : () -> ()
    "tpu.region"() ({
      %run_scoped3A_99 = tpu.sem_alloc : memref<!tpu.dma_semaphore, #tpu.memory_space<semaphore_mem>>
      %dma_start3A_100 = arith.constant 0 : i32
      %dma_start3A_101 = arith.constant 0 : i32
      %dma_start3A_102 = tpu.memref_slice %arg4[%add3A, %dma_start3A_100, %dma_start3A_101] : memref<32x80x128xi32, #tpu.memory_space<hbm>> -> memref<1x80x128xi32, #tpu.memory_space<hbm>>
      %dma_start3A_103 = tpu.memref_squeeze %dma_start3A_102 : memref<1x80x128xi32, #tpu.memory_space<hbm>> -> memref<80x128xi32, #tpu.memory_space<hbm>>
      %dma_start3A_104 = arith.constant 0 : i32
      %dma_start3A_105 = arith.constant 0 : i32
      %dma_start3A_106 = tpu.memref_slice %dma_start3A_103[%dma_start3A_104, %dma_start3A_105] : memref<80x128xi32, #tpu.memory_space<hbm>> -> memref<40x128xi32, #tpu.memory_space<hbm>>
      %dma_start3A_107 = arith.constant 0 : i32
      %dma_start3A_108 = arith.constant 0 : i32
      %dma_start3A_109 = tpu.memref_slice %arg4[%add3A, %dma_start3A_107, %dma_start3A_108] : memref<32x80x128xi32, #tpu.memory_space<hbm>> -> memref<1x80x128xi32, #tpu.memory_space<hbm>>
      %dma_start3A_110 = tpu.memref_squeeze %dma_start3A_109 : memref<1x80x128xi32, #tpu.memory_space<hbm>> -> memref<80x128xi32, #tpu.memory_space<hbm>>
      %dma_start3A_111 = arith.constant 0 : i32
      %dma_start3A_112 = arith.constant 0 : i32
      %dma_start3A_113 = tpu.memref_slice %dma_start3A_110[%dma_start3A_111, %dma_start3A_112] : memref<80x128xi32, #tpu.memory_space<hbm>> -> memref<40x128xi32, #tpu.memory_space<hbm>>
      tpu.enqueue_dma source(%dma_start3A_113 : memref<40x128xi32, #tpu.memory_space<hbm>>) target(%arg7 : memref<40x128xi32, #tpu.memory_space<vmem>>) target_semaphore(%run_scoped3A_99 : memref<!tpu.dma_semaphore, #tpu.memory_space<semaphore_mem>>)
      %dma_wait3A_114 = arith.constant 0 : i32
      %dma_wait3A_115 = arith.constant 0 : i32
      %dma_wait3A_116 = tpu.memref_slice %arg4[%add3A, %dma_wait3A_114, %dma_wait3A_115] : memref<32x80x128xi32, #tpu.memory_space<hbm>> -> memref<1x80x128xi32, #tpu.memory_space<hbm>>
      %dma_wait3A_117 = tpu.memref_squeeze %dma_wait3A_116 : memref<1x80x128xi32, #tpu.memory_space<hbm>> -> memref<80x128xi32, #tpu.memory_space<hbm>>
      %dma_wait3A_118 = arith.constant 0 : i32
      %dma_wait3A_119 = arith.constant 0 : i32
      %dma_wait3A_120 = tpu.memref_slice %dma_wait3A_117[%dma_wait3A_118, %dma_wait3A_119] : memref<80x128xi32, #tpu.memory_space<hbm>> -> memref<40x128xi32, #tpu.memory_space<hbm>>
      %dma_wait3A_121 = arith.constant 0 : i32
      %dma_wait3A_122 = arith.constant 0 : i32
      %dma_wait3A_123 = tpu.memref_slice %arg4[%add3A, %dma_wait3A_121, %dma_wait3A_122] : memref<32x80x128xi32, #tpu.memory_space<hbm>> -> memref<1x80x128xi32, #tpu.memory_space<hbm>>
      %dma_wait3A_124 = tpu.memref_squeeze %dma_wait3A_123 : memref<1x80x128xi32, #tpu.memory_space<hbm>> -> memref<80x128xi32, #tpu.memory_space<hbm>>
      %dma_wait3A_125 = arith.constant 0 : i32
      %dma_wait3A_126 = arith.constant 0 : i32
      %dma_wait3A_127 = tpu.memref_slice %dma_wait3A_124[%dma_wait3A_125, %dma_wait3A_126] : memref<80x128xi32, #tpu.memory_space<hbm>> -> memref<40x128xi32, #tpu.memory_space<hbm>>
      tpu.wait_dma2 semaphore(%run_scoped3A_99 : memref<!tpu.dma_semaphore, #tpu.memory_space<semaphore_mem>>) src(%dma_wait3A_127 : memref<40x128xi32, #tpu.memory_space<hbm>>) dst(%arg7 : memref<40x128xi32, #tpu.memory_space<vmem>>)
      tpu.yield
    }) : () -> ()
    %dma_start3A = arith.constant 0 : i32
    %dma_start3A_27 = arith.constant 0 : i32
    %dma_start3A_28 = tpu.memref_slice %arg6[%dma_start3A, %dma_start3A_27] : memref<40x128xi32, #tpu.memory_space<vmem>> -> memref<1x128xi32, #tpu.memory_space<vmem>>
    %dma_start3A_29 = tpu.memref_squeeze %dma_start3A_28 : memref<1x128xi32, #tpu.memory_space<vmem>> -> memref<128xi32, #tpu.memory_space<vmem>>
    %dma_start3A_30 = arith.constant 0 : i32
    %dma_start3A_31 = arith.constant 0 : i32
    %dma_start3A_32 = tpu.memref_slice %arg2[%dma_start3A_30, %dma_start3A_31] : memref<10240x128xf32, #tpu.memory_space<hbm>> -> memref<10240x128xf32, #tpu.memory_space<hbm>>
    tpu.enqueue_indirect_dma source(%dma_start3A_32 : memref<10240x128xf32, #tpu.memory_space<hbm>>) target(%arg8 : memref<128x128xf32, #tpu.memory_space<vmem>>) offsets(%dma_start3A_29 : memref<128xi32, #tpu.memory_space<vmem>>) semaphore(%arg11 : memref<!tpu.dma_semaphore, #tpu.memory_space<semaphore_mem>>)
    %dma_start3A_33 = arith.constant 1 : i32
    %dma_start3A_34 = arith.constant 0 : i32
    %dma_start3A_35 = tpu.memref_slice %arg6[%dma_start3A_33, %dma_start3A_34] : memref<40x128xi32, #tpu.memory_space<vmem>> -> memref<1x128xi32, #tpu.memory_space<vmem>>
    %dma_start3A_36 = tpu.memref_squeeze %dma_start3A_35 : memref<1x128xi32, #tpu.memory_space<vmem>> -> memref<128xi32, #tpu.memory_space<vmem>>
    %dma_start3A_37 = arith.constant 0 : i32
    %dma_start3A_38 = arith.constant 0 : i32
    %dma_start3A_39 = tpu.memref_slice %arg2[%dma_start3A_37, %dma_start3A_38] : memref<10240x128xf32, #tpu.memory_space<hbm>> -> memref<10240x128xf32, #tpu.memory_space<hbm>>
    tpu.enqueue_indirect_dma source(%dma_start3A_39 : memref<10240x128xf32, #tpu.memory_space<hbm>>) target(%arg9 : memref<128x128xf32, #tpu.memory_space<vmem>>) offsets(%dma_start3A_36 : memref<128xi32, #tpu.memory_space<vmem>>) semaphore(%arg12 : memref<!tpu.dma_semaphore, #tpu.memory_space<semaphore_mem>>)
    %scan3A_40 = arith.constant 0 : i32
    %scan3A_41 = arith.constant 0 : i32
    %scan3A_42 = arith.constant 19 : i32
    %scan3A_43 = arith.addi %scan3A_41, %scan3A_42 : i32
    %scan3A_44 = arith.constant 1 : i32
    %scan3A_45 = scf.for %scan3A_99 = %scan3A_41 to %scan3A_43 step %scan3A_44 iter_args(%scan3A_100 = %scan3A_40) -> (i32)  : i32 {
      %mul3A_101 = arith.constant 2 : i32
      %mul3A_102 = arith.muli %mul3A_101, %scan3A_99 : i32
      %dma_wait3A_103 = arith.constant 0 : i32
      %dma_wait3A_104 = arith.constant 0 : i32
      %dma_wait3A_105 = tpu.memref_slice %arg2[%dma_wait3A_103, %dma_wait3A_104] : memref<10240x128xf32, #tpu.memory_space<hbm>> -> memref<128x128xf32, #tpu.memory_space<hbm>>
      %dma_wait3A_106 = arith.constant 0 : i32
      %dma_wait3A_107 = arith.constant 0 : i32
      %dma_wait3A_108 = tpu.memref_slice %arg2[%dma_wait3A_106, %dma_wait3A_107] : memref<10240x128xf32, #tpu.memory_space<hbm>> -> memref<128x128xf32, #tpu.memory_space<hbm>>
      tpu.wait_dma2 semaphore(%arg11 : memref<!tpu.dma_semaphore, #tpu.memory_space<semaphore_mem>>) src(%dma_wait3A_108 : memref<128x128xf32, #tpu.memory_space<hbm>>) dst(%arg8 : memref<128x128xf32, #tpu.memory_space<vmem>>)
      "tpu.region"() ({
        %run_scoped3A_134 = tpu.sem_alloc : memref<!tpu.dma_semaphore, #tpu.memory_space<semaphore_mem>>
        %dma_start3A_135 = arith.constant 0 : i32
        %dma_start3A_136 = tpu.memref_slice %arg7[%mul3A_102, %dma_start3A_135] : memref<40x128xi32, #tpu.memory_space<vmem>> -> memref<1x128xi32, #tpu.memory_space<vmem>>
        %dma_start3A_137 = tpu.memref_squeeze %dma_start3A_136 : memref<1x128xi32, #tpu.memory_space<vmem>> -> memref<128xi32, #tpu.memory_space<vmem>>
        %dma_start3A_138 = arith.constant 0 : i32
        %dma_start3A_139 = arith.constant 0 : i32
        %dma_start3A_140 = tpu.memref_slice %arg10[%dma_start3A_138, %dma_start3A_139] : memref<10240x128xf32, #tpu.memory_space<vmem_shared>> -> memref<10240x128xf32, #tpu.memory_space<vmem_shared>>
        tpu.enqueue_indirect_dma source(%arg8 : memref<128x128xf32, #tpu.memory_space<vmem>>) target(%dma_start3A_140 : memref<10240x128xf32, #tpu.memory_space<vmem_shared>>) offsets(%dma_start3A_137 : memref<128xi32, #tpu.memory_space<vmem>>) semaphore(%run_scoped3A_134 : memref<!tpu.dma_semaphore, #tpu.memory_space<semaphore_mem>>) {add = true}
        %dma_wait3A_141 = arith.constant 0 : i32
        %dma_wait3A_142 = tpu.memref_slice %arg7[%mul3A_102, %dma_wait3A_141] : memref<40x128xi32, #tpu.memory_space<vmem>> -> memref<1x128xi32, #tpu.memory_space<vmem>>
        %dma_wait3A_143 = tpu.memref_squeeze %dma_wait3A_142 : memref<1x128xi32, #tpu.memory_space<vmem>> -> memref<128xi32, #tpu.memory_space<vmem>>
        %dma_wait3A_144 = arith.constant 0 : i32
        %dma_wait3A_145 = arith.constant 0 : i32
        %dma_wait3A_146 = tpu.memref_slice %arg10[%dma_wait3A_144, %dma_wait3A_145] : memref<10240x128xf32, #tpu.memory_space<vmem_shared>> -> memref<10240x128xf32, #tpu.memory_space<vmem_shared>>
        tpu.wait_indirect_dma semaphore(%run_scoped3A_134 : memref<!tpu.dma_semaphore, #tpu.memory_space<semaphore_mem>>) src(%arg8 : memref<128x128xf32, #tpu.memory_space<vmem>>) dst(%dma_wait3A_146 : memref<10240x128xf32, #tpu.memory_space<vmem_shared>>)
        tpu.yield
      }) : () -> ()
      %add3A_109 = arith.constant 2 : i32
      %add3A_110 = arith.addi %mul3A_102, %add3A_109 : i32
      %dma_start3A_111 = arith.constant 0 : i32
      %dma_start3A_112 = tpu.memref_slice %arg6[%add3A_110, %dma_start3A_111] : memref<40x128xi32, #tpu.memory_space<vmem>> -> memref<1x128xi32, #tpu.memory_space<vmem>>
      %dma_start3A_113 = tpu.memref_squeeze %dma_start3A_112 : memref<1x128xi32, #tpu.memory_space<vmem>> -> memref<128xi32, #tpu.memory_space<vmem>>
      %dma_start3A_114 = arith.constant 0 : i32
      %dma_start3A_115 = arith.constant 0 : i32
      %dma_start3A_116 = tpu.memref_slice %arg2[%dma_start3A_114, %dma_start3A_115] : memref<10240x128xf32, #tpu.memory_space<hbm>> -> memref<10240x128xf32, #tpu.memory_space<hbm>>
      tpu.enqueue_indirect_dma source(%dma_start3A_116 : memref<10240x128xf32, #tpu.memory_space<hbm>>) target(%arg8 : memref<128x128xf32, #tpu.memory_space<vmem>>) offsets(%dma_start3A_113 : memref<128xi32, #tpu.memory_space<vmem>>) semaphore(%arg11 : memref<!tpu.dma_semaphore, #tpu.memory_space<semaphore_mem>>)
      %dma_wait3A_117 = arith.constant 0 : i32
      %dma_wait3A_118 = arith.constant 0 : i32
      %dma_wait3A_119 = tpu.memref_slice %arg2[%dma_wait3A_117, %dma_wait3A_118] : memref<10240x128xf32, #tpu.memory_space<hbm>> -> memref<128x128xf32, #tpu.memory_space<hbm>>
      %dma_wait3A_120 = arith.constant 0 : i32
      %dma_wait3A_121 = arith.constant 0 : i32
      %dma_wait3A_122 = tpu.memref_slice %arg2[%dma_wait3A_120, %dma_wait3A_121] : memref<10240x128xf32, #tpu.memory_space<hbm>> -> memref<128x128xf32, #tpu.memory_space<hbm>>
      tpu.wait_dma2 semaphore(%arg12 : memref<!tpu.dma_semaphore, #tpu.memory_space<semaphore_mem>>) src(%dma_wait3A_122 : memref<128x128xf32, #tpu.memory_space<hbm>>) dst(%arg9 : memref<128x128xf32, #tpu.memory_space<vmem>>)
      %add3A_123 = arith.constant 1 : i32
      %add3A_124 = arith.addi %mul3A_102, %add3A_123 : i32
      "tpu.region"() ({
        %run_scoped3A_134 = tpu.sem_alloc : memref<!tpu.dma_semaphore, #tpu.memory_space<semaphore_mem>>
        %dma_start3A_135 = arith.constant 0 : i32
        %dma_start3A_136 = tpu.memref_slice %arg7[%add3A_124, %dma_start3A_135] : memref<40x128xi32, #tpu.memory_space<vmem>> -> memref<1x128xi32, #tpu.memory_space<vmem>>
        %dma_start3A_137 = tpu.memref_squeeze %dma_start3A_136 : memref<1x128xi32, #tpu.memory_space<vmem>> -> memref<128xi32, #tpu.memory_space<vmem>>
        %dma_start3A_138 = arith.constant 0 : i32
        %dma_start3A_139 = arith.constant 0 : i32
        %dma_start3A_140 = tpu.memref_slice %arg10[%dma_start3A_138, %dma_start3A_139] : memref<10240x128xf32, #tpu.memory_space<vmem_shared>> -> memref<10240x128xf32, #tpu.memory_space<vmem_shared>>
        tpu.enqueue_indirect_dma source(%arg9 : memref<128x128xf32, #tpu.memory_space<vmem>>) target(%dma_start3A_140 : memref<10240x128xf32, #tpu.memory_space<vmem_shared>>) offsets(%dma_start3A_137 : memref<128xi32, #tpu.memory_space<vmem>>) semaphore(%run_scoped3A_134 : memref<!tpu.dma_semaphore, #tpu.memory_space<semaphore_mem>>) {add = true}
        %dma_wait3A_141 = arith.constant 0 : i32
        %dma_wait3A_142 = tpu.memref_slice %arg7[%add3A_124, %dma_wait3A_141] : memref<40x128xi32, #tpu.memory_space<vmem>> -> memref<1x128xi32, #tpu.memory_space<vmem>>
        %dma_wait3A_143 = tpu.memref_squeeze %dma_wait3A_142 : memref<1x128xi32, #tpu.memory_space<vmem>> -> memref<128xi32, #tpu.memory_space<vmem>>
        %dma_wait3A_144 = arith.constant 0 : i32
        %dma_wait3A_145 = arith.constant 0 : i32
        %dma_wait3A_146 = tpu.memref_slice %arg10[%dma_wait3A_144, %dma_wait3A_145] : memref<10240x128xf32, #tpu.memory_space<vmem_shared>> -> memref<10240x128xf32, #tpu.memory_space<vmem_shared>>
        tpu.wait_indirect_dma semaphore(%run_scoped3A_134 : memref<!tpu.dma_semaphore, #tpu.memory_space<semaphore_mem>>) src(%arg9 : memref<128x128xf32, #tpu.memory_space<vmem>>) dst(%dma_wait3A_146 : memref<10240x128xf32, #tpu.memory_space<vmem_shared>>)
        tpu.yield
      }) : () -> ()
      %add3A_125 = arith.constant 3 : i32
      %add3A_126 = arith.addi %mul3A_102, %add3A_125 : i32
      %dma_start3A_127 = arith.constant 0 : i32
      %dma_start3A_128 = tpu.memref_slice %arg6[%add3A_126, %dma_start3A_127] : memref<40x128xi32, #tpu.memory_space<vmem>> -> memref<1x128xi32, #tpu.memory_space<vmem>>
      %dma_start3A_129 = tpu.memref_squeeze %dma_start3A_128 : memref<1x128xi32, #tpu.memory_space<vmem>> -> memref<128xi32, #tpu.memory_space<vmem>>
      %dma_start3A_130 = arith.constant 0 : i32
      %dma_start3A_131 = arith.constant 0 : i32
      %dma_start3A_132 = tpu.memref_slice %arg2[%dma_start3A_130, %dma_start3A_131] : memref<10240x128xf32, #tpu.memory_space<hbm>> -> memref<10240x128xf32, #tpu.memory_space<hbm>>
      tpu.enqueue_indirect_dma source(%dma_start3A_132 : memref<10240x128xf32, #tpu.memory_space<hbm>>) target(%arg9 : memref<128x128xf32, #tpu.memory_space<vmem>>) offsets(%dma_start3A_129 : memref<128xi32, #tpu.memory_space<vmem>>) semaphore(%arg12 : memref<!tpu.dma_semaphore, #tpu.memory_space<semaphore_mem>>)
      %scan3A_133 = arith.constant 0 : i32
      scf.yield %scan3A_133 : i32
    }
    %scan3A_46 = arith.constant 19 : i32
    %dma_wait3A = arith.constant 0 : i32
    %dma_wait3A_47 = arith.constant 0 : i32
    %dma_wait3A_48 = tpu.memref_slice %arg2[%dma_wait3A, %dma_wait3A_47] : memref<10240x128xf32, #tpu.memory_space<hbm>> -> memref<128x128xf32, #tpu.memory_space<hbm>>
    %dma_wait3A_49 = arith.constant 0 : i32
    %dma_wait3A_50 = arith.constant 0 : i32
    %dma_wait3A_51 = tpu.memref_slice %arg2[%dma_wait3A_49, %dma_wait3A_50] : memref<10240x128xf32, #tpu.memory_space<hbm>> -> memref<128x128xf32, #tpu.memory_space<hbm>>
    tpu.wait_dma2 semaphore(%arg11 : memref<!tpu.dma_semaphore, #tpu.memory_space<semaphore_mem>>) src(%dma_wait3A_51 : memref<128x128xf32, #tpu.memory_space<hbm>>) dst(%arg8 : memref<128x128xf32, #tpu.memory_space<vmem>>)
    %run_scoped3A = arith.constant 38 : i32
    "tpu.region"() ({
      %run_scoped3A_99 = tpu.sem_alloc : memref<!tpu.dma_semaphore, #tpu.memory_space<semaphore_mem>>
      %dma_start3A_100 = arith.constant 0 : i32
      %dma_start3A_101 = tpu.memref_slice %arg7[%run_scoped3A, %dma_start3A_100] : memref<40x128xi32, #tpu.memory_space<vmem>> -> memref<1x128xi32, #tpu.memory_space<vmem>>
      %dma_start3A_102 = tpu.memref_squeeze %dma_start3A_101 : memref<1x128xi32, #tpu.memory_space<vmem>> -> memref<128xi32, #tpu.memory_space<vmem>>
      %dma_start3A_103 = arith.constant 0 : i32
      %dma_start3A_104 = arith.constant 0 : i32
      %dma_start3A_105 = tpu.memref_slice %arg10[%dma_start3A_103, %dma_start3A_104] : memref<10240x128xf32, #tpu.memory_space<vmem_shared>> -> memref<10240x128xf32, #tpu.memory_space<vmem_shared>>
      tpu.enqueue_indirect_dma source(%arg8 : memref<128x128xf32, #tpu.memory_space<vmem>>) target(%dma_start3A_105 : memref<10240x128xf32, #tpu.memory_space<vmem_shared>>) offsets(%dma_start3A_102 : memref<128xi32, #tpu.memory_space<vmem>>) semaphore(%run_scoped3A_99 : memref<!tpu.dma_semaphore, #tpu.memory_space<semaphore_mem>>) {add = true}
      %dma_wait3A_106 = arith.constant 0 : i32
      %dma_wait3A_107 = tpu.memref_slice %arg7[%run_scoped3A, %dma_wait3A_106] : memref<40x128xi32, #tpu.memory_space<vmem>> -> memref<1x128xi32, #tpu.memory_space<vmem>>
      %dma_wait3A_108 = tpu.memref_squeeze %dma_wait3A_107 : memref<1x128xi32, #tpu.memory_space<vmem>> -> memref<128xi32, #tpu.memory_space<vmem>>
      %dma_wait3A_109 = arith.constant 0 : i32
      %dma_wait3A_110 = arith.constant 0 : i32
      %dma_wait3A_111 = tpu.memref_slice %arg10[%dma_wait3A_109, %dma_wait3A_110] : memref<10240x128xf32, #tpu.memory_space<vmem_shared>> -> memref<10240x128xf32, #tpu.memory_space<vmem_shared>>
      tpu.wait_indirect_dma semaphore(%run_scoped3A_99 : memref<!tpu.dma_semaphore, #tpu.memory_space<semaphore_mem>>) src(%arg8 : memref<128x128xf32, #tpu.memory_space<vmem>>) dst(%dma_wait3A_111 : memref<10240x128xf32, #tpu.memory_space<vmem_shared>>)
      tpu.yield
    }) : () -> ()
    %dma_wait3A_52 = arith.constant 0 : i32
    %dma_wait3A_53 = arith.constant 0 : i32
    %dma_wait3A_54 = tpu.memref_slice %arg2[%dma_wait3A_52, %dma_wait3A_53] : memref<10240x128xf32, #tpu.memory_space<hbm>> -> memref<128x128xf32, #tpu.memory_space<hbm>>
    %dma_wait3A_55 = arith.constant 0 : i32
    %dma_wait3A_56 = arith.constant 0 : i32
    %dma_wait3A_57 = tpu.memref_slice %arg2[%dma_wait3A_55, %dma_wait3A_56] : memref<10240x128xf32, #tpu.memory_space<hbm>> -> memref<128x128xf32, #tpu.memory_space<hbm>>
    tpu.wait_dma2 semaphore(%arg12 : memref<!tpu.dma_semaphore, #tpu.memory_space<semaphore_mem>>) src(%dma_wait3A_57 : memref<128x128xf32, #tpu.memory_space<hbm>>) dst(%arg9 : memref<128x128xf32, #tpu.memory_space<vmem>>)
    %run_scoped3A_58 = arith.constant 39 : i32
    "tpu.region"() ({
      %run_scoped3A_99 = tpu.sem_alloc : memref<!tpu.dma_semaphore, #tpu.memory_space<semaphore_mem>>
      %dma_start3A_100 = arith.constant 0 : i32
      %dma_start3A_101 = tpu.memref_slice %arg7[%run_scoped3A_58, %dma_start3A_100] : memref<40x128xi32, #tpu.memory_space<vmem>> -> memref<1x128xi32, #tpu.memory_space<vmem>>
      %dma_start3A_102 = tpu.memref_squeeze %dma_start3A_101 : memref<1x128xi32, #tpu.memory_space<vmem>> -> memref<128xi32, #tpu.memory_space<vmem>>
      %dma_start3A_103 = arith.constant 0 : i32
      %dma_start3A_104 = arith.constant 0 : i32
      %dma_start3A_105 = tpu.memref_slice %arg10[%dma_start3A_103, %dma_start3A_104] : memref<10240x128xf32, #tpu.memory_space<vmem_shared>> -> memref<10240x128xf32, #tpu.memory_space<vmem_shared>>
      tpu.enqueue_indirect_dma source(%arg9 : memref<128x128xf32, #tpu.memory_space<vmem>>) target(%dma_start3A_105 : memref<10240x128xf32, #tpu.memory_space<vmem_shared>>) offsets(%dma_start3A_102 : memref<128xi32, #tpu.memory_space<vmem>>) semaphore(%run_scoped3A_99 : memref<!tpu.dma_semaphore, #tpu.memory_space<semaphore_mem>>) {add = true}
      %dma_wait3A_106 = arith.constant 0 : i32
      %dma_wait3A_107 = tpu.memref_slice %arg7[%run_scoped3A_58, %dma_wait3A_106] : memref<40x128xi32, #tpu.memory_space<vmem>> -> memref<1x128xi32, #tpu.memory_space<vmem>>
      %dma_wait3A_108 = tpu.memref_squeeze %dma_wait3A_107 : memref<1x128xi32, #tpu.memory_space<vmem>> -> memref<128xi32, #tpu.memory_space<vmem>>
      %dma_wait3A_109 = arith.constant 0 : i32
      %dma_wait3A_110 = arith.constant 0 : i32
      %dma_wait3A_111 = tpu.memref_slice %arg10[%dma_wait3A_109, %dma_wait3A_110] : memref<10240x128xf32, #tpu.memory_space<vmem_shared>> -> memref<10240x128xf32, #tpu.memory_space<vmem_shared>>
      tpu.wait_indirect_dma semaphore(%run_scoped3A_99 : memref<!tpu.dma_semaphore, #tpu.memory_space<semaphore_mem>>) src(%arg9 : memref<128x128xf32, #tpu.memory_space<vmem>>) dst(%dma_wait3A_111 : memref<10240x128xf32, #tpu.memory_space<vmem_shared>>)
      tpu.yield
    }) : () -> ()
    "tpu.region"() ({
      %run_scoped3A_99 = tpu.sem_alloc : memref<!tpu.dma_semaphore, #tpu.memory_space<semaphore_mem>>
      %dma_start3A_100 = arith.constant 0 : i32
      %dma_start3A_101 = arith.constant 0 : i32
      %dma_start3A_102 = tpu.memref_slice %arg3[%add3A, %dma_start3A_100, %dma_start3A_101] : memref<32x80x128xi32, #tpu.memory_space<hbm>> -> memref<1x80x128xi32, #tpu.memory_space<hbm>>
      %dma_start3A_103 = tpu.memref_squeeze %dma_start3A_102 : memref<1x80x128xi32, #tpu.memory_space<hbm>> -> memref<80x128xi32, #tpu.memory_space<hbm>>
      %dma_start3A_104 = arith.constant 40 : i32
      %dma_start3A_105 = arith.constant 0 : i32
      %dma_start3A_106 = tpu.memref_slice %dma_start3A_103[%dma_start3A_104, %dma_start3A_105] : memref<80x128xi32, #tpu.memory_space<hbm>> -> memref<40x128xi32, #tpu.memory_space<hbm>>
      %dma_start3A_107 = arith.constant 0 : i32
      %dma_start3A_108 = arith.constant 0 : i32
      %dma_start3A_109 = tpu.memref_slice %arg3[%add3A, %dma_start3A_107, %dma_start3A_108] : memref<32x80x128xi32, #tpu.memory_space<hbm>> -> memref<1x80x128xi32, #tpu.memory_space<hbm>>
      %dma_start3A_110 = tpu.memref_squeeze %dma_start3A_109 : memref<1x80x128xi32, #tpu.memory_space<hbm>> -> memref<80x128xi32, #tpu.memory_space<hbm>>
      %dma_start3A_111 = arith.constant 40 : i32
      %dma_start3A_112 = arith.constant 0 : i32
      %dma_start3A_113 = tpu.memref_slice %dma_start3A_110[%dma_start3A_111, %dma_start3A_112] : memref<80x128xi32, #tpu.memory_space<hbm>> -> memref<40x128xi32, #tpu.memory_space<hbm>>
      tpu.enqueue_dma source(%dma_start3A_113 : memref<40x128xi32, #tpu.memory_space<hbm>>) target(%arg6 : memref<40x128xi32, #tpu.memory_space<vmem>>) target_semaphore(%run_scoped3A_99 : memref<!tpu.dma_semaphore, #tpu.memory_space<semaphore_mem>>)
      %dma_wait3A_114 = arith.constant 0 : i32
      %dma_wait3A_115 = arith.constant 0 : i32
      %dma_wait3A_116 = tpu.memref_slice %arg3[%add3A, %dma_wait3A_114, %dma_wait3A_115] : memref<32x80x128xi32, #tpu.memory_space<hbm>> -> memref<1x80x128xi32, #tpu.memory_space<hbm>>
      %dma_wait3A_117 = tpu.memref_squeeze %dma_wait3A_116 : memref<1x80x128xi32, #tpu.memory_space<hbm>> -> memref<80x128xi32, #tpu.memory_space<hbm>>
      %dma_wait3A_118 = arith.constant 40 : i32
      %dma_wait3A_119 = arith.constant 0 : i32
      %dma_wait3A_120 = tpu.memref_slice %dma_wait3A_117[%dma_wait3A_118, %dma_wait3A_119] : memref<80x128xi32, #tpu.memory_space<hbm>> -> memref<40x128xi32, #tpu.memory_space<hbm>>
      %dma_wait3A_121 = arith.constant 0 : i32
      %dma_wait3A_122 = arith.constant 0 : i32
      %dma_wait3A_123 = tpu.memref_slice %arg3[%add3A, %dma_wait3A_121, %dma_wait3A_122] : memref<32x80x128xi32, #tpu.memory_space<hbm>> -> memref<1x80x128xi32, #tpu.memory_space<hbm>>
      %dma_wait3A_124 = tpu.memref_squeeze %dma_wait3A_123 : memref<1x80x128xi32, #tpu.memory_space<hbm>> -> memref<80x128xi32, #tpu.memory_space<hbm>>
      %dma_wait3A_125 = arith.constant 40 : i32
      %dma_wait3A_126 = arith.constant 0 : i32
      %dma_wait3A_127 = tpu.memref_slice %dma_wait3A_124[%dma_wait3A_125, %dma_wait3A_126] : memref<80x128xi32, #tpu.memory_space<hbm>> -> memref<40x128xi32, #tpu.memory_space<hbm>>
      tpu.wait_dma2 semaphore(%run_scoped3A_99 : memref<!tpu.dma_semaphore, #tpu.memory_space<semaphore_mem>>) src(%dma_wait3A_127 : memref<40x128xi32, #tpu.memory_space<hbm>>) dst(%arg6 : memref<40x128xi32, #tpu.memory_space<vmem>>)
      tpu.yield
    }) : () -> ()
    "tpu.region"() ({
      %run_scoped3A_99 = tpu.sem_alloc : memref<!tpu.dma_semaphore, #tpu.memory_space<semaphore_mem>>
      %dma_start3A_100 = arith.constant 0 : i32
      %dma_start3A_101 = arith.constant 0 : i32
      %dma_start3A_102 = tpu.memref_slice %arg4[%add3A, %dma_start3A_100, %dma_start3A_101] : memref<32x80x128xi32, #tpu.memory_space<hbm>> -> memref<1x80x128xi32, #tpu.memory_space<hbm>>
      %dma_start3A_103 = tpu.memref_squeeze %dma_start3A_102 : memref<1x80x128xi32, #tpu.memory_space<hbm>> -> memref<80x128xi32, #tpu.memory_space<hbm>>
      %dma_start3A_104 = arith.constant 40 : i32
      %dma_start3A_105 = arith.constant 0 : i32
      %dma_start3A_106 = tpu.memref_slice %dma_start3A_103[%dma_start3A_104, %dma_start3A_105] : memref<80x128xi32, #tpu.memory_space<hbm>> -> memref<40x128xi32, #tpu.memory_space<hbm>>
      %dma_start3A_107 = arith.constant 0 : i32
      %dma_start3A_108 = arith.constant 0 : i32
      %dma_start3A_109 = tpu.memref_slice %arg4[%add3A, %dma_start3A_107, %dma_start3A_108] : memref<32x80x128xi32, #tpu.memory_space<hbm>> -> memref<1x80x128xi32, #tpu.memory_space<hbm>>
      %dma_start3A_110 = tpu.memref_squeeze %dma_start3A_109 : memref<1x80x128xi32, #tpu.memory_space<hbm>> -> memref<80x128xi32, #tpu.memory_space<hbm>>
      %dma_start3A_111 = arith.constant 40 : i32
      %dma_start3A_112 = arith.constant 0 : i32
      %dma_start3A_113 = tpu.memref_slice %dma_start3A_110[%dma_start3A_111, %dma_start3A_112] : memref<80x128xi32, #tpu.memory_space<hbm>> -> memref<40x128xi32, #tpu.memory_space<hbm>>
      tpu.enqueue_dma source(%dma_start3A_113 : memref<40x128xi32, #tpu.memory_space<hbm>>) target(%arg7 : memref<40x128xi32, #tpu.memory_space<vmem>>) target_semaphore(%run_scoped3A_99 : memref<!tpu.dma_semaphore, #tpu.memory_space<semaphore_mem>>)
      %dma_wait3A_114 = arith.constant 0 : i32
      %dma_wait3A_115 = arith.constant 0 : i32
      %dma_wait3A_116 = tpu.memref_slice %arg4[%add3A, %dma_wait3A_114, %dma_wait3A_115] : memref<32x80x128xi32, #tpu.memory_space<hbm>> -> memref<1x80x128xi32, #tpu.memory_space<hbm>>
      %dma_wait3A_117 = tpu.memref_squeeze %dma_wait3A_116 : memref<1x80x128xi32, #tpu.memory_space<hbm>> -> memref<80x128xi32, #tpu.memory_space<hbm>>
      %dma_wait3A_118 = arith.constant 40 : i32
      %dma_wait3A_119 = arith.constant 0 : i32
      %dma_wait3A_120 = tpu.memref_slice %dma_wait3A_117[%dma_wait3A_118, %dma_wait3A_119] : memref<80x128xi32, #tpu.memory_space<hbm>> -> memref<40x128xi32, #tpu.memory_space<hbm>>
      %dma_wait3A_121 = arith.constant 0 : i32
      %dma_wait3A_122 = arith.constant 0 : i32
      %dma_wait3A_123 = tpu.memref_slice %arg4[%add3A, %dma_wait3A_121, %dma_wait3A_122] : memref<32x80x128xi32, #tpu.memory_space<hbm>> -> memref<1x80x128xi32, #tpu.memory_space<hbm>>
      %dma_wait3A_124 = tpu.memref_squeeze %dma_wait3A_123 : memref<1x80x128xi32, #tpu.memory_space<hbm>> -> memref<80x128xi32, #tpu.memory_space<hbm>>
      %dma_wait3A_125 = arith.constant 40 : i32
      %dma_wait3A_126 = arith.constant 0 : i32
      %dma_wait3A_127 = tpu.memref_slice %dma_wait3A_124[%dma_wait3A_125, %dma_wait3A_126] : memref<80x128xi32, #tpu.memory_space<hbm>> -> memref<40x128xi32, #tpu.memory_space<hbm>>
      tpu.wait_dma2 semaphore(%run_scoped3A_99 : memref<!tpu.dma_semaphore, #tpu.memory_space<semaphore_mem>>) src(%dma_wait3A_127 : memref<40x128xi32, #tpu.memory_space<hbm>>) dst(%arg7 : memref<40x128xi32, #tpu.memory_space<vmem>>)
      tpu.yield
    }) : () -> ()
    %dma_start3A_59 = arith.constant 0 : i32
    %dma_start3A_60 = arith.constant 0 : i32
    %dma_start3A_61 = tpu.memref_slice %arg6[%dma_start3A_59, %dma_start3A_60] : memref<40x128xi32, #tpu.memory_space<vmem>> -> memref<1x128xi32, #tpu.memory_space<vmem>>
    %dma_start3A_62 = tpu.memref_squeeze %dma_start3A_61 : memref<1x128xi32, #tpu.memory_space<vmem>> -> memref<128xi32, #tpu.memory_space<vmem>>
    %dma_start3A_63 = arith.constant 0 : i32
    %dma_start3A_64 = arith.constant 0 : i32
    %dma_start3A_65 = tpu.memref_slice %arg2[%dma_start3A_63, %dma_start3A_64] : memref<10240x128xf32, #tpu.memory_space<hbm>> -> memref<10240x128xf32, #tpu.memory_space<hbm>>
    tpu.enqueue_indirect_dma source(%dma_start3A_65 : memref<10240x128xf32, #tpu.memory_space<hbm>>) target(%arg8 : memref<128x128xf32, #tpu.memory_space<vmem>>) offsets(%dma_start3A_62 : memref<128xi32, #tpu.memory_space<vmem>>) semaphore(%arg11 : memref<!tpu.dma_semaphore, #tpu.memory_space<semaphore_mem>>)
    %dma_start3A_66 = arith.constant 1 : i32
    %dma_start3A_67 = arith.constant 0 : i32
    %dma_start3A_68 = tpu.memref_slice %arg6[%dma_start3A_66, %dma_start3A_67] : memref<40x128xi32, #tpu.memory_space<vmem>> -> memref<1x128xi32, #tpu.memory_space<vmem>>
    %dma_start3A_69 = tpu.memref_squeeze %dma_start3A_68 : memref<1x128xi32, #tpu.memory_space<vmem>> -> memref<128xi32, #tpu.memory_space<vmem>>
    %dma_start3A_70 = arith.constant 0 : i32
    %dma_start3A_71 = arith.constant 0 : i32
    %dma_start3A_72 = tpu.memref_slice %arg2[%dma_start3A_70, %dma_start3A_71] : memref<10240x128xf32, #tpu.memory_space<hbm>> -> memref<10240x128xf32, #tpu.memory_space<hbm>>
    tpu.enqueue_indirect_dma source(%dma_start3A_72 : memref<10240x128xf32, #tpu.memory_space<hbm>>) target(%arg9 : memref<128x128xf32, #tpu.memory_space<vmem>>) offsets(%dma_start3A_69 : memref<128xi32, #tpu.memory_space<vmem>>) semaphore(%arg12 : memref<!tpu.dma_semaphore, #tpu.memory_space<semaphore_mem>>)
    %scan3A_73 = arith.constant 0 : i32
    %scan3A_74 = arith.constant 0 : i32
    %scan3A_75 = arith.constant 19 : i32
    %scan3A_76 = arith.addi %scan3A_74, %scan3A_75 : i32
    %scan3A_77 = arith.constant 1 : i32
    %scan3A_78 = scf.for %scan3A_99 = %scan3A_74 to %scan3A_76 step %scan3A_77 iter_args(%scan3A_100 = %scan3A_73) -> (i32)  : i32 {
      %mul3A_101 = arith.constant 2 : i32
      %mul3A_102 = arith.muli %mul3A_101, %scan3A_99 : i32
      %dma_wait3A_103 = arith.constant 0 : i32
      %dma_wait3A_104 = arith.constant 0 : i32
      %dma_wait3A_105 = tpu.memref_slice %arg2[%dma_wait3A_103, %dma_wait3A_104] : memref<10240x128xf32, #tpu.memory_space<hbm>> -> memref<128x128xf32, #tpu.memory_space<hbm>>
      %dma_wait3A_106 = arith.constant 0 : i32
      %dma_wait3A_107 = arith.constant 0 : i32
      %dma_wait3A_108 = tpu.memref_slice %arg2[%dma_wait3A_106, %dma_wait3A_107] : memref<10240x128xf32, #tpu.memory_space<hbm>> -> memref<128x128xf32, #tpu.memory_space<hbm>>
      tpu.wait_dma2 semaphore(%arg11 : memref<!tpu.dma_semaphore, #tpu.memory_space<semaphore_mem>>) src(%dma_wait3A_108 : memref<128x128xf32, #tpu.memory_space<hbm>>) dst(%arg8 : memref<128x128xf32, #tpu.memory_space<vmem>>)
      "tpu.region"() ({
        %run_scoped3A_134 = tpu.sem_alloc : memref<!tpu.dma_semaphore, #tpu.memory_space<semaphore_mem>>
        %dma_start3A_135 = arith.constant 0 : i32
        %dma_start3A_136 = tpu.memref_slice %arg7[%mul3A_102, %dma_start3A_135] : memref<40x128xi32, #tpu.memory_space<vmem>> -> memref<1x128xi32, #tpu.memory_space<vmem>>
        %dma_start3A_137 = tpu.memref_squeeze %dma_start3A_136 : memref<1x128xi32, #tpu.memory_space<vmem>> -> memref<128xi32, #tpu.memory_space<vmem>>
        %dma_start3A_138 = arith.constant 0 : i32
        %dma_start3A_139 = arith.constant 0 : i32
        %dma_start3A_140 = tpu.memref_slice %arg10[%dma_start3A_138, %dma_start3A_139] : memref<10240x128xf32, #tpu.memory_space<vmem_shared>> -> memref<10240x128xf32, #tpu.memory_space<vmem_shared>>
        tpu.enqueue_indirect_dma source(%arg8 : memref<128x128xf32, #tpu.memory_space<vmem>>) target(%dma_start3A_140 : memref<10240x128xf32, #tpu.memory_space<vmem_shared>>) offsets(%dma_start3A_137 : memref<128xi32, #tpu.memory_space<vmem>>) semaphore(%run_scoped3A_134 : memref<!tpu.dma_semaphore, #tpu.memory_space<semaphore_mem>>) {add = true}
        %dma_wait3A_141 = arith.constant 0 : i32
        %dma_wait3A_142 = tpu.memref_slice %arg7[%mul3A_102, %dma_wait3A_141] : memref<40x128xi32, #tpu.memory_space<vmem>> -> memref<1x128xi32, #tpu.memory_space<vmem>>
        %dma_wait3A_143 = tpu.memref_squeeze %dma_wait3A_142 : memref<1x128xi32, #tpu.memory_space<vmem>> -> memref<128xi32, #tpu.memory_space<vmem>>
        %dma_wait3A_144 = arith.constant 0 : i32
        %dma_wait3A_145 = arith.constant 0 : i32
        %dma_wait3A_146 = tpu.memref_slice %arg10[%dma_wait3A_144, %dma_wait3A_145] : memref<10240x128xf32, #tpu.memory_space<vmem_shared>> -> memref<10240x128xf32, #tpu.memory_space<vmem_shared>>
        tpu.wait_indirect_dma semaphore(%run_scoped3A_134 : memref<!tpu.dma_semaphore, #tpu.memory_space<semaphore_mem>>) src(%arg8 : memref<128x128xf32, #tpu.memory_space<vmem>>) dst(%dma_wait3A_146 : memref<10240x128xf32, #tpu.memory_space<vmem_shared>>)
        tpu.yield
      }) : () -> ()
      %add3A_109 = arith.constant 2 : i32
      %add3A_110 = arith.addi %mul3A_102, %add3A_109 : i32
      %dma_start3A_111 = arith.constant 0 : i32
      %dma_start3A_112 = tpu.memref_slice %arg6[%add3A_110, %dma_start3A_111] : memref<40x128xi32, #tpu.memory_space<vmem>> -> memref<1x128xi32, #tpu.memory_space<vmem>>
      %dma_start3A_113 = tpu.memref_squeeze %dma_start3A_112 : memref<1x128xi32, #tpu.memory_space<vmem>> -> memref<128xi32, #tpu.memory_space<vmem>>
      %dma_start3A_114 = arith.constant 0 : i32
      %dma_start3A_115 = arith.constant 0 : i32
      %dma_start3A_116 = tpu.memref_slice %arg2[%dma_start3A_114, %dma_start3A_115] : memref<10240x128xf32, #tpu.memory_space<hbm>> -> memref<10240x128xf32, #tpu.memory_space<hbm>>
      tpu.enqueue_indirect_dma source(%dma_start3A_116 : memref<10240x128xf32, #tpu.memory_space<hbm>>) target(%arg8 : memref<128x128xf32, #tpu.memory_space<vmem>>) offsets(%dma_start3A_113 : memref<128xi32, #tpu.memory_space<vmem>>) semaphore(%arg11 : memref<!tpu.dma_semaphore, #tpu.memory_space<semaphore_mem>>)
      %dma_wait3A_117 = arith.constant 0 : i32
      %dma_wait3A_118 = arith.constant 0 : i32
      %dma_wait3A_119 = tpu.memref_slice %arg2[%dma_wait3A_117, %dma_wait3A_118] : memref<10240x128xf32, #tpu.memory_space<hbm>> -> memref<128x128xf32, #tpu.memory_space<hbm>>
      %dma_wait3A_120 = arith.constant 0 : i32
      %dma_wait3A_121 = arith.constant 0 : i32
      %dma_wait3A_122 = tpu.memref_slice %arg2[%dma_wait3A_120, %dma_wait3A_121] : memref<10240x128xf32, #tpu.memory_space<hbm>> -> memref<128x128xf32, #tpu.memory_space<hbm>>
      tpu.wait_dma2 semaphore(%arg12 : memref<!tpu.dma_semaphore, #tpu.memory_space<semaphore_mem>>) src(%dma_wait3A_122 : memref<128x128xf32, #tpu.memory_space<hbm>>) dst(%arg9 : memref<128x128xf32, #tpu.memory_space<vmem>>)
      %add3A_123 = arith.constant 1 : i32
      %add3A_124 = arith.addi %mul3A_102, %add3A_123 : i32
      "tpu.region"() ({
        %run_scoped3A_134 = tpu.sem_alloc : memref<!tpu.dma_semaphore, #tpu.memory_space<semaphore_mem>>
        %dma_start3A_135 = arith.constant 0 : i32
        %dma_start3A_136 = tpu.memref_slice %arg7[%add3A_124, %dma_start3A_135] : memref<40x128xi32, #tpu.memory_space<vmem>> -> memref<1x128xi32, #tpu.memory_space<vmem>>
        %dma_start3A_137 = tpu.memref_squeeze %dma_start3A_136 : memref<1x128xi32, #tpu.memory_space<vmem>> -> memref<128xi32, #tpu.memory_space<vmem>>
        %dma_start3A_138 = arith.constant 0 : i32
        %dma_start3A_139 = arith.constant 0 : i32
        %dma_start3A_140 = tpu.memref_slice %arg10[%dma_start3A_138, %dma_start3A_139] : memref<10240x128xf32, #tpu.memory_space<vmem_shared>> -> memref<10240x128xf32, #tpu.memory_space<vmem_shared>>
        tpu.enqueue_indirect_dma source(%arg9 : memref<128x128xf32, #tpu.memory_space<vmem>>) target(%dma_start3A_140 : memref<10240x128xf32, #tpu.memory_space<vmem_shared>>) offsets(%dma_start3A_137 : memref<128xi32, #tpu.memory_space<vmem>>) semaphore(%run_scoped3A_134 : memref<!tpu.dma_semaphore, #tpu.memory_space<semaphore_mem>>) {add = true}
        %dma_wait3A_141 = arith.constant 0 : i32
        %dma_wait3A_142 = tpu.memref_slice %arg7[%add3A_124, %dma_wait3A_141] : memref<40x128xi32, #tpu.memory_space<vmem>> -> memref<1x128xi32, #tpu.memory_space<vmem>>
        %dma_wait3A_143 = tpu.memref_squeeze %dma_wait3A_142 : memref<1x128xi32, #tpu.memory_space<vmem>> -> memref<128xi32, #tpu.memory_space<vmem>>
        %dma_wait3A_144 = arith.constant 0 : i32
        %dma_wait3A_145 = arith.constant 0 : i32
        %dma_wait3A_146 = tpu.memref_slice %arg10[%dma_wait3A_144, %dma_wait3A_145] : memref<10240x128xf32, #tpu.memory_space<vmem_shared>> -> memref<10240x128xf32, #tpu.memory_space<vmem_shared>>
        tpu.wait_indirect_dma semaphore(%run_scoped3A_134 : memref<!tpu.dma_semaphore, #tpu.memory_space<semaphore_mem>>) src(%arg9 : memref<128x128xf32, #tpu.memory_space<vmem>>) dst(%dma_wait3A_146 : memref<10240x128xf32, #tpu.memory_space<vmem_shared>>)
        tpu.yield
      }) : () -> ()
      %add3A_125 = arith.constant 3 : i32
      %add3A_126 = arith.addi %mul3A_102, %add3A_125 : i32
      %dma_start3A_127 = arith.constant 0 : i32
      %dma_start3A_128 = tpu.memref_slice %arg6[%add3A_126, %dma_start3A_127] : memref<40x128xi32, #tpu.memory_space<vmem>> -> memref<1x128xi32, #tpu.memory_space<vmem>>
      %dma_start3A_129 = tpu.memref_squeeze %dma_start3A_128 : memref<1x128xi32, #tpu.memory_space<vmem>> -> memref<128xi32, #tpu.memory_space<vmem>>
      %dma_start3A_130 = arith.constant 0 : i32
      %dma_start3A_131 = arith.constant 0 : i32
      %dma_start3A_132 = tpu.memref_slice %arg2[%dma_start3A_130, %dma_start3A_131] : memref<10240x128xf32, #tpu.memory_space<hbm>> -> memref<10240x128xf32, #tpu.memory_space<hbm>>
      tpu.enqueue_indirect_dma source(%dma_start3A_132 : memref<10240x128xf32, #tpu.memory_space<hbm>>) target(%arg9 : memref<128x128xf32, #tpu.memory_space<vmem>>) offsets(%dma_start3A_129 : memref<128xi32, #tpu.memory_space<vmem>>) semaphore(%arg12 : memref<!tpu.dma_semaphore, #tpu.memory_space<semaphore_mem>>)
      %scan3A_133 = arith.constant 0 : i32
      scf.yield %scan3A_133 : i32
    }
    %scan3A_79 = arith.constant 19 : i32
    %dma_wait3A_80 = arith.constant 0 : i32
    %dma_wait3A_81 = arith.constant 0 : i32
    %dma_wait3A_82 = tpu.memref_slice %arg2[%dma_wait3A_80, %dma_wait3A_81] : memref<10240x128xf32, #tpu.memory_space<hbm>> -> memref<128x128xf32, #tpu.memory_space<hbm>>
    %dma_wait3A_83 = arith.constant 0 : i32
    %dma_wait3A_84 = arith.constant 0 : i32
    %dma_wait3A_85 = tpu.memref_slice %arg2[%dma_wait3A_83, %dma_wait3A_84] : memref<10240x128xf32, #tpu.memory_space<hbm>> -> memref<128x128xf32, #tpu.memory_space<hbm>>
    tpu.wait_dma2 semaphore(%arg11 : memref<!tpu.dma_semaphore, #tpu.memory_space<semaphore_mem>>) src(%dma_wait3A_85 : memref<128x128xf32, #tpu.memory_space<hbm>>) dst(%arg8 : memref<128x128xf32, #tpu.memory_space<vmem>>)
    %run_scoped3A_86 = arith.constant 38 : i32
    "tpu.region"() ({
      %run_scoped3A_99 = tpu.sem_alloc : memref<!tpu.dma_semaphore, #tpu.memory_space<semaphore_mem>>
      %dma_start3A_100 = arith.constant 0 : i32
      %dma_start3A_101 = tpu.memref_slice %arg7[%run_scoped3A_86, %dma_start3A_100] : memref<40x128xi32, #tpu.memory_space<vmem>> -> memref<1x128xi32, #tpu.memory_space<vmem>>
      %dma_start3A_102 = tpu.memref_squeeze %dma_start3A_101 : memref<1x128xi32, #tpu.memory_space<vmem>> -> memref<128xi32, #tpu.memory_space<vmem>>
      %dma_start3A_103 = arith.constant 0 : i32
      %dma_start3A_104 = arith.constant 0 : i32
      %dma_start3A_105 = tpu.memref_slice %arg10[%dma_start3A_103, %dma_start3A_104] : memref<10240x128xf32, #tpu.memory_space<vmem_shared>> -> memref<10240x128xf32, #tpu.memory_space<vmem_shared>>
      tpu.enqueue_indirect_dma source(%arg8 : memref<128x128xf32, #tpu.memory_space<vmem>>) target(%dma_start3A_105 : memref<10240x128xf32, #tpu.memory_space<vmem_shared>>) offsets(%dma_start3A_102 : memref<128xi32, #tpu.memory_space<vmem>>) semaphore(%run_scoped3A_99 : memref<!tpu.dma_semaphore, #tpu.memory_space<semaphore_mem>>) {add = true}
      %dma_wait3A_106 = arith.constant 0 : i32
      %dma_wait3A_107 = tpu.memref_slice %arg7[%run_scoped3A_86, %dma_wait3A_106] : memref<40x128xi32, #tpu.memory_space<vmem>> -> memref<1x128xi32, #tpu.memory_space<vmem>>
      %dma_wait3A_108 = tpu.memref_squeeze %dma_wait3A_107 : memref<1x128xi32, #tpu.memory_space<vmem>> -> memref<128xi32, #tpu.memory_space<vmem>>
      %dma_wait3A_109 = arith.constant 0 : i32
      %dma_wait3A_110 = arith.constant 0 : i32
      %dma_wait3A_111 = tpu.memref_slice %arg10[%dma_wait3A_109, %dma_wait3A_110] : memref<10240x128xf32, #tpu.memory_space<vmem_shared>> -> memref<10240x128xf32, #tpu.memory_space<vmem_shared>>
      tpu.wait_indirect_dma semaphore(%run_scoped3A_99 : memref<!tpu.dma_semaphore, #tpu.memory_space<semaphore_mem>>) src(%arg8 : memref<128x128xf32, #tpu.memory_space<vmem>>) dst(%dma_wait3A_111 : memref<10240x128xf32, #tpu.memory_space<vmem_shared>>)
      tpu.yield
    }) : () -> ()
    %dma_wait3A_87 = arith.constant 0 : i32
    %dma_wait3A_88 = arith.constant 0 : i32
    %dma_wait3A_89 = tpu.memref_slice %arg2[%dma_wait3A_87, %dma_wait3A_88] : memref<10240x128xf32, #tpu.memory_space<hbm>> -> memref<128x128xf32, #tpu.memory_space<hbm>>
    %dma_wait3A_90 = arith.constant 0 : i32
    %dma_wait3A_91 = arith.constant 0 : i32
    %dma_wait3A_92 = tpu.memref_slice %arg2[%dma_wait3A_90, %dma_wait3A_91] : memref<10240x128xf32, #tpu.memory_space<hbm>> -> memref<128x128xf32, #tpu.memory_space<hbm>>
    tpu.wait_dma2 semaphore(%arg12 : memref<!tpu.dma_semaphore, #tpu.memory_space<semaphore_mem>>) src(%dma_wait3A_92 : memref<128x128xf32, #tpu.memory_space<hbm>>) dst(%arg9 : memref<128x128xf32, #tpu.memory_space<vmem>>)
    %run_scoped3A_93 = arith.constant 39 : i32
    "tpu.region"() ({
      %run_scoped3A_99 = tpu.sem_alloc : memref<!tpu.dma_semaphore, #tpu.memory_space<semaphore_mem>>
      %dma_start3A_100 = arith.constant 0 : i32
      %dma_start3A_101 = tpu.memref_slice %arg7[%run_scoped3A_93, %dma_start3A_100] : memref<40x128xi32, #tpu.memory_space<vmem>> -> memref<1x128xi32, #tpu.memory_space<vmem>>
      %dma_start3A_102 = tpu.memref_squeeze %dma_start3A_101 : memref<1x128xi32, #tpu.memory_space<vmem>> -> memref<128xi32, #tpu.memory_space<vmem>>
      %dma_start3A_103 = arith.constant 0 : i32
      %dma_start3A_104 = arith.constant 0 : i32
      %dma_start3A_105 = tpu.memref_slice %arg10[%dma_start3A_103, %dma_start3A_104] : memref<10240x128xf32, #tpu.memory_space<vmem_shared>> -> memref<10240x128xf32, #tpu.memory_space<vmem_shared>>
      tpu.enqueue_indirect_dma source(%arg9 : memref<128x128xf32, #tpu.memory_space<vmem>>) target(%dma_start3A_105 : memref<10240x128xf32, #tpu.memory_space<vmem_shared>>) offsets(%dma_start3A_102 : memref<128xi32, #tpu.memory_space<vmem>>) semaphore(%run_scoped3A_99 : memref<!tpu.dma_semaphore, #tpu.memory_space<semaphore_mem>>) {add = true}
      %dma_wait3A_106 = arith.constant 0 : i32
      %dma_wait3A_107 = tpu.memref_slice %arg7[%run_scoped3A_93, %dma_wait3A_106] : memref<40x128xi32, #tpu.memory_space<vmem>> -> memref<1x128xi32, #tpu.memory_space<vmem>>
      %dma_wait3A_108 = tpu.memref_squeeze %dma_wait3A_107 : memref<1x128xi32, #tpu.memory_space<vmem>> -> memref<128xi32, #tpu.memory_space<vmem>>
      %dma_wait3A_109 = arith.constant 0 : i32
      %dma_wait3A_110 = arith.constant 0 : i32
      %dma_wait3A_111 = tpu.memref_slice %arg10[%dma_wait3A_109, %dma_wait3A_110] : memref<10240x128xf32, #tpu.memory_space<vmem_shared>> -> memref<10240x128xf32, #tpu.memory_space<vmem_shared>>
      tpu.wait_indirect_dma semaphore(%run_scoped3A_99 : memref<!tpu.dma_semaphore, #tpu.memory_space<semaphore_mem>>) src(%arg9 : memref<128x128xf32, #tpu.memory_space<vmem>>) dst(%dma_wait3A_111 : memref<10240x128xf32, #tpu.memory_space<vmem_shared>>)
      tpu.yield
    }) : () -> ()
    %barrier3A_94 = arith.constant 0 : index
    tpu.barrier barrier_id(%barrier3A_94)
    %mul3A_95 = arith.constant 640 : i32
    %mul3A_96 = arith.muli %arg1, %mul3A_95 : i32
    %mul3A_97 = arith.constant 640 : i32
    %mul3A_98 = arith.muli %arg1, %mul3A_97 : i32
    "tpu.region"() ({
      %run_scoped3A_99 = tpu.sem_alloc : memref<!tpu.dma_semaphore, #tpu.memory_space<semaphore_mem>>
      %dma_start3A_100 = arith.constant 0 : i32
      %dma_start3A_101 = arith.constant 0 : i32
      %dma_start3A_102 = tpu.memref_slice %arg5[%arg0, %dma_start3A_100, %dma_start3A_101] : memref<2x10240x128xf32, #tpu.memory_space<hbm>> -> memref<1x10240x128xf32, #tpu.memory_space<hbm>>
      %dma_start3A_103 = tpu.memref_squeeze %dma_start3A_102 : memref<1x10240x128xf32, #tpu.memory_space<hbm>> -> memref<10240x128xf32, #tpu.memory_space<hbm>>
      %dma_start3A_104 = arith.constant 0 : i32
      %dma_start3A_105 = tpu.memref_slice %dma_start3A_103[%mul3A_98, %dma_start3A_104] : memref<10240x128xf32, #tpu.memory_space<hbm>> -> memref<640x128xf32, #tpu.memory_space<hbm>>
      %dma_start3A_106 = arith.constant 0 : i32
      %dma_start3A_107 = tpu.memref_slice %arg10[%mul3A_96, %dma_start3A_106] : memref<10240x128xf32, #tpu.memory_space<vmem_shared>> -> memref<640x128xf32, #tpu.memory_space<vmem_shared>>
      tpu.enqueue_dma source(%dma_start3A_107 : memref<640x128xf32, #tpu.memory_space<vmem_shared>>) target(%dma_start3A_105 : memref<640x128xf32, #tpu.memory_space<hbm>>) target_semaphore(%run_scoped3A_99 : memref<!tpu.dma_semaphore, #tpu.memory_space<semaphore_mem>>)
      %dma_wait3A_108 = arith.constant 0 : i32
      %dma_wait3A_109 = arith.constant 0 : i32
      %dma_wait3A_110 = tpu.memref_slice %arg5[%arg0, %dma_wait3A_108, %dma_wait3A_109] : memref<2x10240x128xf32, #tpu.memory_space<hbm>> -> memref<1x10240x128xf32, #tpu.memory_space<hbm>>
      %dma_wait3A_111 = tpu.memref_squeeze %dma_wait3A_110 : memref<1x10240x128xf32, #tpu.memory_space<hbm>> -> memref<10240x128xf32, #tpu.memory_space<hbm>>
      %dma_wait3A_112 = arith.constant 0 : i32
      %dma_wait3A_113 = tpu.memref_slice %dma_wait3A_111[%mul3A_98, %dma_wait3A_112] : memref<10240x128xf32, #tpu.memory_space<hbm>> -> memref<640x128xf32, #tpu.memory_space<hbm>>
      %dma_wait3A_114 = arith.constant 0 : i32
      %dma_wait3A_115 = tpu.memref_slice %arg10[%mul3A_96, %dma_wait3A_114] : memref<10240x128xf32, #tpu.memory_space<vmem_shared>> -> memref<640x128xf32, #tpu.memory_space<vmem_shared>>
      tpu.wait_dma2 semaphore(%run_scoped3A_99 : memref<!tpu.dma_semaphore, #tpu.memory_space<semaphore_mem>>) src(%dma_wait3A_115 : memref<640x128xf32, #tpu.memory_space<vmem_shared>>) dst(%dma_wait3A_113 : memref<640x128xf32, #tpu.memory_space<hbm>>)
      tpu.yield
    }) : () -> ()
    return
  }
}

#map = affine_map<(d0, d1) -> (0, 0)>
#map1 = affine_map<(d0, d1) -> (0, 0, 0)>
module attributes {stable_mosaic.version = 14 : i64} {
  func.func @_agg_kernel(%arg0: i32, %arg1: i32, %arg2: memref<10240x128xf32, #tpu.memory_space<hbm>>, %arg3: memref<32x80x128xi32, #tpu.memory_space<hbm>>, %arg4: memref<32x80x128xi32, #tpu.memory_space<hbm>>, %arg5: memref<2x10240x128xf32, #tpu.memory_space<hbm>>, %arg6: memref<40x128xi32, #tpu.memory_space<vmem>>, %arg7: memref<40x128xi32, #tpu.memory_space<vmem>>, %arg8: memref<128x128xf32, #tpu.memory_space<vmem>>, %arg9: memref<128x128xf32, #tpu.memory_space<vmem>>, %arg10: memref<10240x128xf32, #tpu.memory_space<vmem_shared>>, %arg11: memref<!tpu.dma_semaphore, #tpu.memory_space<semaphore_mem>>, %arg12: memref<!tpu.dma_semaphore, #tpu.memory_space<semaphore_mem>>) attributes {dimension_semantics = [#tpu.dimension_semantics<core_parallel>, #tpu.dimension_semantics<subcore_parallel>], iteration_bounds = array<i64: 2, 16>, scalar_prefetch = 0 : i64, scratch_operands = 7 : i64, tpu.core_type = #tpu.core_type<sc_vector_subcore>, window_params = [{transform_indices = #map}, {transform_indices = #map1}, {transform_indices = #map1}, {transform_indices = #map1}]} {
    %mul3A = arith.constant 16 : i32
    %mul3A_0 = arith.muli %arg0, %mul3A : i32
    %add3A = arith.addi %mul3A_0, %arg1 : i32
    %scan3A = arith.constant 0 : i32
    %scan3A_1 = arith.constant 0 : i32
    %scan3A_2 = arith.constant 128 : i32
    %scan3A_3 = arith.addi %scan3A_1, %scan3A_2 : i32
    %scan3A_4 = arith.constant 1 : i32
    %scan3A_5 = scf.for %scan3A_99 = %scan3A_1 to %scan3A_3 step %scan3A_4 iter_args(%scan3A_100 = %scan3A) -> (i32)  : i32 {
      %broadcast_in_dim3A = arith.constant 0.000000e+00 : f32
      %broadcast_in_dim3A_101 = vector.broadcast %broadcast_in_dim3A : f32 to vector<16xf32>
      %swap3A = arith.index_cast %scan3A_99 : i32 to index
      %swap3A_102 = arith.constant 0 : index
      %swap3A_103 = tpu.vector_load %arg8[%swap3A, %swap3A_102] {strides = array<i32>} : memref<128x128xf32, #tpu.memory_space<vmem>>, vector<1x16xf32>,
      %swap3A_104 = vector.shape_cast %swap3A_103 : vector<1x16xf32> to vector<16xf32>
      %swap3A_105 = vector.shape_cast %broadcast_in_dim3A_101 : vector<16xf32> to vector<1x16xf32>
      tpu.vector_store %arg8[%swap3A, %swap3A_102], %swap3A_105 {strides = array<i32>} : memref<128x128xf32, #tpu.memory_space<vmem>>, vector<1x16xf32>,
      %broadcast_in_dim3A_106 = arith.constant 0.000000e+00 : f32
      %broadcast_in_dim3A_107 = vector.broadcast %broadcast_in_dim3A_106 : f32 to vector<16xf32>
      %swap3A_108 = arith.index_cast %scan3A_99 : i32 to index
      %swap3A_109 = arith.constant 16 : index
      %swap3A_110 = tpu.vector_load %arg8[%swap3A_108, %swap3A_109] {strides = array<i32>} : memref<128x128xf32, #tpu.memory_space<vmem>>, vector<1x16xf32>,
      %swap3A_111 = vector.shape_cast %swap3A_110 : vector<1x16xf32> to vector<16xf32>
      %swap3A_112 = vector.shape_cast %broadcast_in_dim3A_107 : vector<16xf32> to vector<1x16xf32>
      tpu.vector_store %arg8[%swap3A_108, %swap3A_109], %swap3A_112 {strides = array<i32>} : memref<128x128xf32, #tpu.memory_space<vmem>>, vector<1x16xf32>,
      %broadcast_in_dim3A_113 = arith.constant 0.000000e+00 : f32
      %broadcast_in_dim3A_114 = vector.broadcast %broadcast_in_dim3A_113 : f32 to vector<16xf32>
      %swap3A_115 = arith.index_cast %scan3A_99 : i32 to index
      %swap3A_116 = arith.constant 32 : index
      %swap3A_117 = tpu.vector_load %arg8[%swap3A_115, %swap3A_116] {strides = array<i32>} : memref<128x128xf32, #tpu.memory_space<vmem>>, vector<1x16xf32>,
      %swap3A_118 = vector.shape_cast %swap3A_117 : vector<1x16xf32> to vector<16xf32>
      %swap3A_119 = vector.shape_cast %broadcast_in_dim3A_114 : vector<16xf32> to vector<1x16xf32>
      tpu.vector_store %arg8[%swap3A_115, %swap3A_116], %swap3A_119 {strides = array<i32>} : memref<128x128xf32, #tpu.memory_space<vmem>>, vector<1x16xf32>,
      %broadcast_in_dim3A_120 = arith.constant 0.000000e+00 : f32
      %broadcast_in_dim3A_121 = vector.broadcast %broadcast_in_dim3A_120 : f32 to vector<16xf32>
      %swap3A_122 = arith.index_cast %scan3A_99 : i32 to index
      %swap3A_123 = arith.constant 48 : index
      %swap3A_124 = tpu.vector_load %arg8[%swap3A_122, %swap3A_123] {strides = array<i32>} : memref<128x128xf32, #tpu.memory_space<vmem>>, vector<1x16xf32>,
      %swap3A_125 = vector.shape_cast %swap3A_124 : vector<1x16xf32> to vector<16xf32>
      %swap3A_126 = vector.shape_cast %broadcast_in_dim3A_121 : vector<16xf32> to vector<1x16xf32>
      tpu.vector_store %arg8[%swap3A_122, %swap3A_123], %swap3A_126 {strides = array<i32>} : memref<128x128xf32, #tpu.memory_space<vmem>>, vector<1x16xf32>,
      %broadcast_in_dim3A_127 = arith.constant 0.000000e+00 : f32
      %broadcast_in_dim3A_128 = vector.broadcast %broadcast_in_dim3A_127 : f32 to vector<16xf32>
      %swap3A_129 = arith.index_cast %scan3A_99 : i32 to index
      %swap3A_130 = arith.constant 64 : index
      %swap3A_131 = tpu.vector_load %arg8[%swap3A_129, %swap3A_130] {strides = array<i32>} : memref<128x128xf32, #tpu.memory_space<vmem>>, vector<1x16xf32>,
      %swap3A_132 = vector.shape_cast %swap3A_131 : vector<1x16xf32> to vector<16xf32>
      %swap3A_133 = vector.shape_cast %broadcast_in_dim3A_128 : vector<16xf32> to vector<1x16xf32>
      tpu.vector_store %arg8[%swap3A_129, %swap3A_130], %swap3A_133 {strides = array<i32>} : memref<128x128xf32, #tpu.memory_space<vmem>>, vector<1x16xf32>,
      %broadcast_in_dim3A_134 = arith.constant 0.000000e+00 : f32
      %broadcast_in_dim3A_135 = vector.broadcast %broadcast_in_dim3A_134 : f32 to vector<16xf32>
      %swap3A_136 = arith.index_cast %scan3A_99 : i32 to index
      %swap3A_137 = arith.constant 80 : index
      %swap3A_138 = tpu.vector_load %arg8[%swap3A_136, %swap3A_137] {strides = array<i32>} : memref<128x128xf32, #tpu.memory_space<vmem>>, vector<1x16xf32>,
      %swap3A_139 = vector.shape_cast %swap3A_138 : vector<1x16xf32> to vector<16xf32>
      %swap3A_140 = vector.shape_cast %broadcast_in_dim3A_135 : vector<16xf32> to vector<1x16xf32>
      tpu.vector_store %arg8[%swap3A_136, %swap3A_137], %swap3A_140 {strides = array<i32>} : memref<128x128xf32, #tpu.memory_space<vmem>>, vector<1x16xf32>,
      %broadcast_in_dim3A_141 = arith.constant 0.000000e+00 : f32
      %broadcast_in_dim3A_142 = vector.broadcast %broadcast_in_dim3A_141 : f32 to vector<16xf32>
      %swap3A_143 = arith.index_cast %scan3A_99 : i32 to index
      %swap3A_144 = arith.constant 96 : index
      %swap3A_145 = tpu.vector_load %arg8[%swap3A_143, %swap3A_144] {strides = array<i32>} : memref<128x128xf32, #tpu.memory_space<vmem>>, vector<1x16xf32>,
      %swap3A_146 = vector.shape_cast %swap3A_145 : vector<1x16xf32> to vector<16xf32>
      %swap3A_147 = vector.shape_cast %broadcast_in_dim3A_142 : vector<16xf32> to vector<1x16xf32>
      tpu.vector_store %arg8[%swap3A_143, %swap3A_144], %swap3A_147 {strides = array<i32>} : memref<128x128xf32, #tpu.memory_space<vmem>>, vector<1x16xf32>,
      %broadcast_in_dim3A_148 = arith.constant 0.000000e+00 : f32
      %broadcast_in_dim3A_149 = vector.broadcast %broadcast_in_dim3A_148 : f32 to vector<16xf32>
      %swap3A_150 = arith.index_cast %scan3A_99 : i32 to index
      %swap3A_151 = arith.constant 112 : index
      %swap3A_152 = tpu.vector_load %arg8[%swap3A_150, %swap3A_151] {strides = array<i32>} : memref<128x128xf32, #tpu.memory_space<vmem>>, vector<1x16xf32>,
      %swap3A_153 = vector.shape_cast %swap3A_152 : vector<1x16xf32> to vector<16xf32>
      %swap3A_154 = vector.shape_cast %broadcast_in_dim3A_149 : vector<16xf32> to vector<1x16xf32>
      tpu.vector_store %arg8[%swap3A_150, %swap3A_151], %swap3A_154 {strides = array<i32>} : memref<128x128xf32, #tpu.memory_space<vmem>>, vector<1x16xf32>,
      %scan3A_155 = arith.constant 0 : i32
      scf.yield %scan3A_155 : i32
    }
    %scan3A_6 = arith.constant 128 : i32
    %mul3A_7 = arith.constant 640 : i32
    %mul3A_8 = arith.muli %arg1, %mul3A_7 : i32
    %add3A_9 = arith.constant 0 : i32
    %add3A_10 = arith.addi %mul3A_8, %add3A_9 : i32
    "tpu.region"() ({
      %run_scoped3A_99 = tpu.sem_alloc : memref<!tpu.dma_semaphore, #tpu.memory_space<semaphore_mem>>
      %dma_start3A_100 = arith.constant 0 : i32
      %dma_start3A_101 = tpu.memref_slice %arg10[%add3A_10, %dma_start3A_100] : memref<10240x128xf32, #tpu.memory_space<vmem_shared>> -> memref<128x128xf32, #tpu.memory_space<vmem_shared>>
      %dma_start3A_102 = arith.constant 0 : i32
      %dma_start3A_103 = tpu.memref_slice %arg10[%add3A_10, %dma_start3A_102] : memref<10240x128xf32, #tpu.memory_space<vmem_shared>> -> memref<128x128xf32, #tpu.memory_space<vmem_shared>>
      tpu.enqueue_dma source(%arg8 : memref<128x128xf32, #tpu.memory_space<vmem>>) target(%dma_start3A_103 : memref<128x128xf32, #tpu.memory_space<vmem_shared>>) target_semaphore(%run_scoped3A_99 : memref<!tpu.dma_semaphore, #tpu.memory_space<semaphore_mem>>)
      %dma_wait3A_104 = arith.constant 0 : i32
      %dma_wait3A_105 = tpu.memref_slice %arg10[%add3A_10, %dma_wait3A_104] : memref<10240x128xf32, #tpu.memory_space<vmem_shared>> -> memref<128x128xf32, #tpu.memory_space<vmem_shared>>
      %dma_wait3A_106 = arith.constant 0 : i32
      %dma_wait3A_107 = tpu.memref_slice %arg10[%add3A_10, %dma_wait3A_106] : memref<10240x128xf32, #tpu.memory_space<vmem_shared>> -> memref<128x128xf32, #tpu.memory_space<vmem_shared>>
      tpu.wait_dma2 semaphore(%run_scoped3A_99 : memref<!tpu.dma_semaphore, #tpu.memory_space<semaphore_mem>>) src(%arg8 : memref<128x128xf32, #tpu.memory_space<vmem>>) dst(%dma_wait3A_107 : memref<128x128xf32, #tpu.memory_space<vmem_shared>>)
      tpu.yield
    }) : () -> ()
    %mul3A_11 = arith.constant 640 : i32
    %mul3A_12 = arith.muli %arg1, %mul3A_11 : i32
    %add3A_13 = arith.constant 128 : i32
    %add3A_14 = arith.addi %mul3A_12, %add3A_13 : i32
    "tpu.region"() ({
      %run_scoped3A_99 = tpu.sem_alloc : memref<!tpu.dma_semaphore, #tpu.memory_space<semaphore_mem>>
      %dma_start3A_100 = arith.constant 0 : i32
      %dma_start3A_101 = tpu.memref_slice %arg10[%add3A_14, %dma_start3A_100] : memref<10240x128xf32, #tpu.memory_space<vmem_shared>> -> memref<128x128xf32, #tpu.memory_space<vmem_shared>>
      %dma_start3A_102 = arith.constant 0 : i32
      %dma_start3A_103 = tpu.memref_slice %arg10[%add3A_14, %dma_start3A_102] : memref<10240x128xf32, #tpu.memory_space<vmem_shared>> -> memref<128x128xf32, #tpu.memory_space<vmem_shared>>
      tpu.enqueue_dma source(%arg8 : memref<128x128xf32, #tpu.memory_space<vmem>>) target(%dma_start3A_103 : memref<128x128xf32, #tpu.memory_space<vmem_shared>>) target_semaphore(%run_scoped3A_99 : memref<!tpu.dma_semaphore, #tpu.memory_space<semaphore_mem>>)
      %dma_wait3A_104 = arith.constant 0 : i32
      %dma_wait3A_105 = tpu.memref_slice %arg10[%add3A_14, %dma_wait3A_104] : memref<10240x128xf32, #tpu.memory_space<vmem_shared>> -> memref<128x128xf32, #tpu.memory_space<vmem_shared>>
      %dma_wait3A_106 = arith.constant 0 : i32
      %dma_wait3A_107 = tpu.memref_slice %arg10[%add3A_14, %dma_wait3A_106] : memref<10240x128xf32, #tpu.memory_space<vmem_shared>> -> memref<128x128xf32, #tpu.memory_space<vmem_shared>>
      tpu.wait_dma2 semaphore(%run_scoped3A_99 : memref<!tpu.dma_semaphore, #tpu.memory_space<semaphore_mem>>) src(%arg8 : memref<128x128xf32, #tpu.memory_space<vmem>>) dst(%dma_wait3A_107 : memref<128x128xf32, #tpu.memory_space<vmem_shared>>)
      tpu.yield
    }) : () -> ()
    %mul3A_15 = arith.constant 640 : i32
    %mul3A_16 = arith.muli %arg1, %mul3A_15 : i32
    %add3A_17 = arith.constant 256 : i32
    %add3A_18 = arith.addi %mul3A_16, %add3A_17 : i32
    "tpu.region"() ({
      %run_scoped3A_99 = tpu.sem_alloc : memref<!tpu.dma_semaphore, #tpu.memory_space<semaphore_mem>>
      %dma_start3A_100 = arith.constant 0 : i32
      %dma_start3A_101 = tpu.memref_slice %arg10[%add3A_18, %dma_start3A_100] : memref<10240x128xf32, #tpu.memory_space<vmem_shared>> -> memref<128x128xf32, #tpu.memory_space<vmem_shared>>
      %dma_start3A_102 = arith.constant 0 : i32
      %dma_start3A_103 = tpu.memref_slice %arg10[%add3A_18, %dma_start3A_102] : memref<10240x128xf32, #tpu.memory_space<vmem_shared>> -> memref<128x128xf32, #tpu.memory_space<vmem_shared>>
      tpu.enqueue_dma source(%arg8 : memref<128x128xf32, #tpu.memory_space<vmem>>) target(%dma_start3A_103 : memref<128x128xf32, #tpu.memory_space<vmem_shared>>) target_semaphore(%run_scoped3A_99 : memref<!tpu.dma_semaphore, #tpu.memory_space<semaphore_mem>>)
      %dma_wait3A_104 = arith.constant 0 : i32
      %dma_wait3A_105 = tpu.memref_slice %arg10[%add3A_18, %dma_wait3A_104] : memref<10240x128xf32, #tpu.memory_space<vmem_shared>> -> memref<128x128xf32, #tpu.memory_space<vmem_shared>>
      %dma_wait3A_106 = arith.constant 0 : i32
      %dma_wait3A_107 = tpu.memref_slice %arg10[%add3A_18, %dma_wait3A_106] : memref<10240x128xf32, #tpu.memory_space<vmem_shared>> -> memref<128x128xf32, #tpu.memory_space<vmem_shared>>
      tpu.wait_dma2 semaphore(%run_scoped3A_99 : memref<!tpu.dma_semaphore, #tpu.memory_space<semaphore_mem>>) src(%arg8 : memref<128x128xf32, #tpu.memory_space<vmem>>) dst(%dma_wait3A_107 : memref<128x128xf32, #tpu.memory_space<vmem_shared>>)
      tpu.yield
    }) : () -> ()
    %mul3A_19 = arith.constant 640 : i32
    %mul3A_20 = arith.muli %arg1, %mul3A_19 : i32
    %add3A_21 = arith.constant 384 : i32
    %add3A_22 = arith.addi %mul3A_20, %add3A_21 : i32
    "tpu.region"() ({
      %run_scoped3A_99 = tpu.sem_alloc : memref<!tpu.dma_semaphore, #tpu.memory_space<semaphore_mem>>
      %dma_start3A_100 = arith.constant 0 : i32
      %dma_start3A_101 = tpu.memref_slice %arg10[%add3A_22, %dma_start3A_100] : memref<10240x128xf32, #tpu.memory_space<vmem_shared>> -> memref<128x128xf32, #tpu.memory_space<vmem_shared>>
      %dma_start3A_102 = arith.constant 0 : i32
      %dma_start3A_103 = tpu.memref_slice %arg10[%add3A_22, %dma_start3A_102] : memref<10240x128xf32, #tpu.memory_space<vmem_shared>> -> memref<128x128xf32, #tpu.memory_space<vmem_shared>>
      tpu.enqueue_dma source(%arg8 : memref<128x128xf32, #tpu.memory_space<vmem>>) target(%dma_start3A_103 : memref<128x128xf32, #tpu.memory_space<vmem_shared>>) target_semaphore(%run_scoped3A_99 : memref<!tpu.dma_semaphore, #tpu.memory_space<semaphore_mem>>)
      %dma_wait3A_104 = arith.constant 0 : i32
      %dma_wait3A_105 = tpu.memref_slice %arg10[%add3A_22, %dma_wait3A_104] : memref<10240x128xf32, #tpu.memory_space<vmem_shared>> -> memref<128x128xf32, #tpu.memory_space<vmem_shared>>
      %dma_wait3A_106 = arith.constant 0 : i32
      %dma_wait3A_107 = tpu.memref_slice %arg10[%add3A_22, %dma_wait3A_106] : memref<10240x128xf32, #tpu.memory_space<vmem_shared>> -> memref<128x128xf32, #tpu.memory_space<vmem_shared>>
      tpu.wait_dma2 semaphore(%run_scoped3A_99 : memref<!tpu.dma_semaphore, #tpu.memory_space<semaphore_mem>>) src(%arg8 : memref<128x128xf32, #tpu.memory_space<vmem>>) dst(%dma_wait3A_107 : memref<128x128xf32, #tpu.memory_space<vmem_shared>>)
      tpu.yield
    }) : () -> ()
    %mul3A_23 = arith.constant 640 : i32
    %mul3A_24 = arith.muli %arg1, %mul3A_23 : i32
    %add3A_25 = arith.constant 512 : i32
    %add3A_26 = arith.addi %mul3A_24, %add3A_25 : i32
    "tpu.region"() ({
      %run_scoped3A_99 = tpu.sem_alloc : memref<!tpu.dma_semaphore, #tpu.memory_space<semaphore_mem>>
      %dma_start3A_100 = arith.constant 0 : i32
      %dma_start3A_101 = tpu.memref_slice %arg10[%add3A_26, %dma_start3A_100] : memref<10240x128xf32, #tpu.memory_space<vmem_shared>> -> memref<128x128xf32, #tpu.memory_space<vmem_shared>>
      %dma_start3A_102 = arith.constant 0 : i32
      %dma_start3A_103 = tpu.memref_slice %arg10[%add3A_26, %dma_start3A_102] : memref<10240x128xf32, #tpu.memory_space<vmem_shared>> -> memref<128x128xf32, #tpu.memory_space<vmem_shared>>
      tpu.enqueue_dma source(%arg8 : memref<128x128xf32, #tpu.memory_space<vmem>>) target(%dma_start3A_103 : memref<128x128xf32, #tpu.memory_space<vmem_shared>>) target_semaphore(%run_scoped3A_99 : memref<!tpu.dma_semaphore, #tpu.memory_space<semaphore_mem>>)
      %dma_wait3A_104 = arith.constant 0 : i32
      %dma_wait3A_105 = tpu.memref_slice %arg10[%add3A_26, %dma_wait3A_104] : memref<10240x128xf32, #tpu.memory_space<vmem_shared>> -> memref<128x128xf32, #tpu.memory_space<vmem_shared>>
      %dma_wait3A_106 = arith.constant 0 : i32
      %dma_wait3A_107 = tpu.memref_slice %arg10[%add3A_26, %dma_wait3A_106] : memref<10240x128xf32, #tpu.memory_space<vmem_shared>> -> memref<128x128xf32, #tpu.memory_space<vmem_shared>>
      tpu.wait_dma2 semaphore(%run_scoped3A_99 : memref<!tpu.dma_semaphore, #tpu.memory_space<semaphore_mem>>) src(%arg8 : memref<128x128xf32, #tpu.memory_space<vmem>>) dst(%dma_wait3A_107 : memref<128x128xf32, #tpu.memory_space<vmem_shared>>)
      tpu.yield
    }) : () -> ()
    %barrier3A = arith.constant 0 : index
    tpu.barrier barrier_id(%barrier3A)
    "tpu.region"() ({
      %run_scoped3A_99 = tpu.sem_alloc : memref<!tpu.dma_semaphore, #tpu.memory_space<semaphore_mem>>
      %dma_start3A_100 = arith.constant 0 : i32
      %dma_start3A_101 = arith.constant 0 : i32
      %dma_start3A_102 = tpu.memref_slice %arg3[%add3A, %dma_start3A_100, %dma_start3A_101] : memref<32x80x128xi32, #tpu.memory_space<hbm>> -> memref<1x80x128xi32, #tpu.memory_space<hbm>>
      %dma_start3A_103 = tpu.memref_squeeze %dma_start3A_102 : memref<1x80x128xi32, #tpu.memory_space<hbm>> -> memref<80x128xi32, #tpu.memory_space<hbm>>
      %dma_start3A_104 = arith.constant 0 : i32
      %dma_start3A_105 = arith.constant 0 : i32
      %dma_start3A_106 = tpu.memref_slice %dma_start3A_103[%dma_start3A_104, %dma_start3A_105] : memref<80x128xi32, #tpu.memory_space<hbm>> -> memref<40x128xi32, #tpu.memory_space<hbm>>
      %dma_start3A_107 = arith.constant 0 : i32
      %dma_start3A_108 = arith.constant 0 : i32
      %dma_start3A_109 = tpu.memref_slice %arg3[%add3A, %dma_start3A_107, %dma_start3A_108] : memref<32x80x128xi32, #tpu.memory_space<hbm>> -> memref<1x80x128xi32, #tpu.memory_space<hbm>>
      %dma_start3A_110 = tpu.memref_squeeze %dma_start3A_109 : memref<1x80x128xi32, #tpu.memory_space<hbm>> -> memref<80x128xi32, #tpu.memory_space<hbm>>
      %dma_start3A_111 = arith.constant 0 : i32
      %dma_start3A_112 = arith.constant 0 : i32
      %dma_start3A_113 = tpu.memref_slice %dma_start3A_110[%dma_start3A_111, %dma_start3A_112] : memref<80x128xi32, #tpu.memory_space<hbm>> -> memref<40x128xi32, #tpu.memory_space<hbm>>
      tpu.enqueue_dma source(%dma_start3A_113 : memref<40x128xi32, #tpu.memory_space<hbm>>) target(%arg6 : memref<40x128xi32, #tpu.memory_space<vmem>>) target_semaphore(%run_scoped3A_99 : memref<!tpu.dma_semaphore, #tpu.memory_space<semaphore_mem>>)
      %dma_wait3A_114 = arith.constant 0 : i32
      %dma_wait3A_115 = arith.constant 0 : i32
      %dma_wait3A_116 = tpu.memref_slice %arg3[%add3A, %dma_wait3A_114, %dma_wait3A_115] : memref<32x80x128xi32, #tpu.memory_space<hbm>> -> memref<1x80x128xi32, #tpu.memory_space<hbm>>
      %dma_wait3A_117 = tpu.memref_squeeze %dma_wait3A_116 : memref<1x80x128xi32, #tpu.memory_space<hbm>> -> memref<80x128xi32, #tpu.memory_space<hbm>>
      %dma_wait3A_118 = arith.constant 0 : i32
      %dma_wait3A_119 = arith.constant 0 : i32
      %dma_wait3A_120 = tpu.memref_slice %dma_wait3A_117[%dma_wait3A_118, %dma_wait3A_119] : memref<80x128xi32, #tpu.memory_space<hbm>> -> memref<40x128xi32, #tpu.memory_space<hbm>>
      %dma_wait3A_121 = arith.constant 0 : i32
      %dma_wait3A_122 = arith.constant 0 : i32
      %dma_wait3A_123 = tpu.memref_slice %arg3[%add3A, %dma_wait3A_121, %dma_wait3A_122] : memref<32x80x128xi32, #tpu.memory_space<hbm>> -> memref<1x80x128xi32, #tpu.memory_space<hbm>>
      %dma_wait3A_124 = tpu.memref_squeeze %dma_wait3A_123 : memref<1x80x128xi32, #tpu.memory_space<hbm>> -> memref<80x128xi32, #tpu.memory_space<hbm>>
      %dma_wait3A_125 = arith.constant 0 : i32
      %dma_wait3A_126 = arith.constant 0 : i32
      %dma_wait3A_127 = tpu.memref_slice %dma_wait3A_124[%dma_wait3A_125, %dma_wait3A_126] : memref<80x128xi32, #tpu.memory_space<hbm>> -> memref<40x128xi32, #tpu.memory_space<hbm>>
      tpu.wait_dma2 semaphore(%run_scoped3A_99 : memref<!tpu.dma_semaphore, #tpu.memory_space<semaphore_mem>>) src(%dma_wait3A_127 : memref<40x128xi32, #tpu.memory_space<hbm>>) dst(%arg6 : memref<40x128xi32, #tpu.memory_space<vmem>>)
      tpu.yield
    }) : () -> ()
    "tpu.region"() ({
      %run_scoped3A_99 = tpu.sem_alloc : memref<!tpu.dma_semaphore, #tpu.memory_space<semaphore_mem>>
      %dma_start3A_100 = arith.constant 0 : i32
      %dma_start3A_101 = arith.constant 0 : i32
      %dma_start3A_102 = tpu.memref_slice %arg4[%add3A, %dma_start3A_100, %dma_start3A_101] : memref<32x80x128xi32, #tpu.memory_space<hbm>> -> memref<1x80x128xi32, #tpu.memory_space<hbm>>
      %dma_start3A_103 = tpu.memref_squeeze %dma_start3A_102 : memref<1x80x128xi32, #tpu.memory_space<hbm>> -> memref<80x128xi32, #tpu.memory_space<hbm>>
      %dma_start3A_104 = arith.constant 0 : i32
      %dma_start3A_105 = arith.constant 0 : i32
      %dma_start3A_106 = tpu.memref_slice %dma_start3A_103[%dma_start3A_104, %dma_start3A_105] : memref<80x128xi32, #tpu.memory_space<hbm>> -> memref<40x128xi32, #tpu.memory_space<hbm>>
      %dma_start3A_107 = arith.constant 0 : i32
      %dma_start3A_108 = arith.constant 0 : i32
      %dma_start3A_109 = tpu.memref_slice %arg4[%add3A, %dma_start3A_107, %dma_start3A_108] : memref<32x80x128xi32, #tpu.memory_space<hbm>> -> memref<1x80x128xi32, #tpu.memory_space<hbm>>
      %dma_start3A_110 = tpu.memref_squeeze %dma_start3A_109 : memref<1x80x128xi32, #tpu.memory_space<hbm>> -> memref<80x128xi32, #tpu.memory_space<hbm>>
      %dma_start3A_111 = arith.constant 0 : i32
      %dma_start3A_112 = arith.constant 0 : i32
      %dma_start3A_113 = tpu.memref_slice %dma_start3A_110[%dma_start3A_111, %dma_start3A_112] : memref<80x128xi32, #tpu.memory_space<hbm>> -> memref<40x128xi32, #tpu.memory_space<hbm>>
      tpu.enqueue_dma source(%dma_start3A_113 : memref<40x128xi32, #tpu.memory_space<hbm>>) target(%arg7 : memref<40x128xi32, #tpu.memory_space<vmem>>) target_semaphore(%run_scoped3A_99 : memref<!tpu.dma_semaphore, #tpu.memory_space<semaphore_mem>>)
      %dma_wait3A_114 = arith.constant 0 : i32
      %dma_wait3A_115 = arith.constant 0 : i32
      %dma_wait3A_116 = tpu.memref_slice %arg4[%add3A, %dma_wait3A_114, %dma_wait3A_115] : memref<32x80x128xi32, #tpu.memory_space<hbm>> -> memref<1x80x128xi32, #tpu.memory_space<hbm>>
      %dma_wait3A_117 = tpu.memref_squeeze %dma_wait3A_116 : memref<1x80x128xi32, #tpu.memory_space<hbm>> -> memref<80x128xi32, #tpu.memory_space<hbm>>
      %dma_wait3A_118 = arith.constant 0 : i32
      %dma_wait3A_119 = arith.constant 0 : i32
      %dma_wait3A_120 = tpu.memref_slice %dma_wait3A_117[%dma_wait3A_118, %dma_wait3A_119] : memref<80x128xi32, #tpu.memory_space<hbm>> -> memref<40x128xi32, #tpu.memory_space<hbm>>
      %dma_wait3A_121 = arith.constant 0 : i32
      %dma_wait3A_122 = arith.constant 0 : i32
      %dma_wait3A_123 = tpu.memref_slice %arg4[%add3A, %dma_wait3A_121, %dma_wait3A_122] : memref<32x80x128xi32, #tpu.memory_space<hbm>> -> memref<1x80x128xi32, #tpu.memory_space<hbm>>
      %dma_wait3A_124 = tpu.memref_squeeze %dma_wait3A_123 : memref<1x80x128xi32, #tpu.memory_space<hbm>> -> memref<80x128xi32, #tpu.memory_space<hbm>>
      %dma_wait3A_125 = arith.constant 0 : i32
      %dma_wait3A_126 = arith.constant 0 : i32
      %dma_wait3A_127 = tpu.memref_slice %dma_wait3A_124[%dma_wait3A_125, %dma_wait3A_126] : memref<80x128xi32, #tpu.memory_space<hbm>> -> memref<40x128xi32, #tpu.memory_space<hbm>>
      tpu.wait_dma2 semaphore(%run_scoped3A_99 : memref<!tpu.dma_semaphore, #tpu.memory_space<semaphore_mem>>) src(%dma_wait3A_127 : memref<40x128xi32, #tpu.memory_space<hbm>>) dst(%arg7 : memref<40x128xi32, #tpu.memory_space<vmem>>)
      tpu.yield
    }) : () -> ()
    %dma_start3A = arith.constant 0 : i32
    %dma_start3A_27 = arith.constant 0 : i32
    %dma_start3A_28 = tpu.memref_slice %arg6[%dma_start3A, %dma_start3A_27] : memref<40x128xi32, #tpu.memory_space<vmem>> -> memref<1x128xi32, #tpu.memory_space<vmem>>
    %dma_start3A_29 = tpu.memref_squeeze %dma_start3A_28 : memref<1x128xi32, #tpu.memory_space<vmem>> -> memref<128xi32, #tpu.memory_space<vmem>>
    %dma_start3A_30 = arith.constant 0 : i32
    %dma_start3A_31 = arith.constant 0 : i32
    %dma_start3A_32 = tpu.memref_slice %arg2[%dma_start3A_30, %dma_start3A_31] : memref<10240x128xf32, #tpu.memory_space<hbm>> -> memref<10240x128xf32, #tpu.memory_space<hbm>>
    tpu.enqueue_indirect_dma source(%dma_start3A_32 : memref<10240x128xf32, #tpu.memory_space<hbm>>) target(%arg8 : memref<128x128xf32, #tpu.memory_space<vmem>>) offsets(%dma_start3A_29 : memref<128xi32, #tpu.memory_space<vmem>>) semaphore(%arg11 : memref<!tpu.dma_semaphore, #tpu.memory_space<semaphore_mem>>)
    %dma_start3A_33 = arith.constant 1 : i32
    %dma_start3A_34 = arith.constant 0 : i32
    %dma_start3A_35 = tpu.memref_slice %arg6[%dma_start3A_33, %dma_start3A_34] : memref<40x128xi32, #tpu.memory_space<vmem>> -> memref<1x128xi32, #tpu.memory_space<vmem>>
    %dma_start3A_36 = tpu.memref_squeeze %dma_start3A_35 : memref<1x128xi32, #tpu.memory_space<vmem>> -> memref<128xi32, #tpu.memory_space<vmem>>
    %dma_start3A_37 = arith.constant 0 : i32
    %dma_start3A_38 = arith.constant 0 : i32
    %dma_start3A_39 = tpu.memref_slice %arg2[%dma_start3A_37, %dma_start3A_38] : memref<10240x128xf32, #tpu.memory_space<hbm>> -> memref<10240x128xf32, #tpu.memory_space<hbm>>
    tpu.enqueue_indirect_dma source(%dma_start3A_39 : memref<10240x128xf32, #tpu.memory_space<hbm>>) target(%arg9 : memref<128x128xf32, #tpu.memory_space<vmem>>) offsets(%dma_start3A_36 : memref<128xi32, #tpu.memory_space<vmem>>) semaphore(%arg12 : memref<!tpu.dma_semaphore, #tpu.memory_space<semaphore_mem>>)
    %scan3A_40 = arith.constant 0 : i32
    %scan3A_41 = arith.constant 0 : i32
    %scan3A_42 = arith.constant 19 : i32
    %scan3A_43 = arith.addi %scan3A_41, %scan3A_42 : i32
    %scan3A_44 = arith.constant 1 : i32
    %scan3A_45 = scf.for %scan3A_99 = %scan3A_41 to %scan3A_43 step %scan3A_44 iter_args(%scan3A_100 = %scan3A_40) -> (i32)  : i32 {
      %mul3A_101 = arith.constant 2 : i32
      %mul3A_102 = arith.muli %mul3A_101, %scan3A_99 : i32
      %dma_wait3A_103 = arith.constant 0 : i32
      %dma_wait3A_104 = arith.constant 0 : i32
      %dma_wait3A_105 = tpu.memref_slice %arg2[%dma_wait3A_103, %dma_wait3A_104] : memref<10240x128xf32, #tpu.memory_space<hbm>> -> memref<128x128xf32, #tpu.memory_space<hbm>>
      %dma_wait3A_106 = arith.constant 0 : i32
      %dma_wait3A_107 = arith.constant 0 : i32
      %dma_wait3A_108 = tpu.memref_slice %arg2[%dma_wait3A_106, %dma_wait3A_107] : memref<10240x128xf32, #tpu.memory_space<hbm>> -> memref<128x128xf32, #tpu.memory_space<hbm>>
      tpu.wait_dma2 semaphore(%arg11 : memref<!tpu.dma_semaphore, #tpu.memory_space<semaphore_mem>>) src(%dma_wait3A_108 : memref<128x128xf32, #tpu.memory_space<hbm>>) dst(%arg8 : memref<128x128xf32, #tpu.memory_space<vmem>>)
      "tpu.region"() ({
        %run_scoped3A_134 = tpu.sem_alloc : memref<!tpu.dma_semaphore, #tpu.memory_space<semaphore_mem>>
        %dma_start3A_135 = arith.constant 0 : i32
        %dma_start3A_136 = tpu.memref_slice %arg7[%mul3A_102, %dma_start3A_135] : memref<40x128xi32, #tpu.memory_space<vmem>> -> memref<1x128xi32, #tpu.memory_space<vmem>>
        %dma_start3A_137 = tpu.memref_squeeze %dma_start3A_136 : memref<1x128xi32, #tpu.memory_space<vmem>> -> memref<128xi32, #tpu.memory_space<vmem>>
        %dma_start3A_138 = arith.constant 0 : i32
        %dma_start3A_139 = arith.constant 0 : i32
        %dma_start3A_140 = tpu.memref_slice %arg10[%dma_start3A_138, %dma_start3A_139] : memref<10240x128xf32, #tpu.memory_space<vmem_shared>> -> memref<10240x128xf32, #tpu.memory_space<vmem_shared>>
        tpu.enqueue_indirect_dma source(%arg8 : memref<128x128xf32, #tpu.memory_space<vmem>>) target(%dma_start3A_140 : memref<10240x128xf32, #tpu.memory_space<vmem_shared>>) offsets(%dma_start3A_137 : memref<128xi32, #tpu.memory_space<vmem>>) semaphore(%run_scoped3A_134 : memref<!tpu.dma_semaphore, #tpu.memory_space<semaphore_mem>>) {add = true}
        %dma_wait3A_141 = arith.constant 0 : i32
        %dma_wait3A_142 = tpu.memref_slice %arg7[%mul3A_102, %dma_wait3A_141] : memref<40x128xi32, #tpu.memory_space<vmem>> -> memref<1x128xi32, #tpu.memory_space<vmem>>
        %dma_wait3A_143 = tpu.memref_squeeze %dma_wait3A_142 : memref<1x128xi32, #tpu.memory_space<vmem>> -> memref<128xi32, #tpu.memory_space<vmem>>
        %dma_wait3A_144 = arith.constant 0 : i32
        %dma_wait3A_145 = arith.constant 0 : i32
        %dma_wait3A_146 = tpu.memref_slice %arg10[%dma_wait3A_144, %dma_wait3A_145] : memref<10240x128xf32, #tpu.memory_space<vmem_shared>> -> memref<10240x128xf32, #tpu.memory_space<vmem_shared>>
        tpu.wait_indirect_dma semaphore(%run_scoped3A_134 : memref<!tpu.dma_semaphore, #tpu.memory_space<semaphore_mem>>) src(%arg8 : memref<128x128xf32, #tpu.memory_space<vmem>>) dst(%dma_wait3A_146 : memref<10240x128xf32, #tpu.memory_space<vmem_shared>>)
        tpu.yield
      }) : () -> ()
      %add3A_109 = arith.constant 2 : i32
      %add3A_110 = arith.addi %mul3A_102, %add3A_109 : i32
      %dma_start3A_111 = arith.constant 0 : i32
      %dma_start3A_112 = tpu.memref_slice %arg6[%add3A_110, %dma_start3A_111] : memref<40x128xi32, #tpu.memory_space<vmem>> -> memref<1x128xi32, #tpu.memory_space<vmem>>
      %dma_start3A_113 = tpu.memref_squeeze %dma_start3A_112 : memref<1x128xi32, #tpu.memory_space<vmem>> -> memref<128xi32, #tpu.memory_space<vmem>>
      %dma_start3A_114 = arith.constant 0 : i32
      %dma_start3A_115 = arith.constant 0 : i32
      %dma_start3A_116 = tpu.memref_slice %arg2[%dma_start3A_114, %dma_start3A_115] : memref<10240x128xf32, #tpu.memory_space<hbm>> -> memref<10240x128xf32, #tpu.memory_space<hbm>>
      tpu.enqueue_indirect_dma source(%dma_start3A_116 : memref<10240x128xf32, #tpu.memory_space<hbm>>) target(%arg8 : memref<128x128xf32, #tpu.memory_space<vmem>>) offsets(%dma_start3A_113 : memref<128xi32, #tpu.memory_space<vmem>>) semaphore(%arg11 : memref<!tpu.dma_semaphore, #tpu.memory_space<semaphore_mem>>)
      %dma_wait3A_117 = arith.constant 0 : i32
      %dma_wait3A_118 = arith.constant 0 : i32
      %dma_wait3A_119 = tpu.memref_slice %arg2[%dma_wait3A_117, %dma_wait3A_118] : memref<10240x128xf32, #tpu.memory_space<hbm>> -> memref<128x128xf32, #tpu.memory_space<hbm>>
      %dma_wait3A_120 = arith.constant 0 : i32
      %dma_wait3A_121 = arith.constant 0 : i32
      %dma_wait3A_122 = tpu.memref_slice %arg2[%dma_wait3A_120, %dma_wait3A_121] : memref<10240x128xf32, #tpu.memory_space<hbm>> -> memref<128x128xf32, #tpu.memory_space<hbm>>
      tpu.wait_dma2 semaphore(%arg12 : memref<!tpu.dma_semaphore, #tpu.memory_space<semaphore_mem>>) src(%dma_wait3A_122 : memref<128x128xf32, #tpu.memory_space<hbm>>) dst(%arg9 : memref<128x128xf32, #tpu.memory_space<vmem>>)
      %add3A_123 = arith.constant 1 : i32
      %add3A_124 = arith.addi %mul3A_102, %add3A_123 : i32
      "tpu.region"() ({
        %run_scoped3A_134 = tpu.sem_alloc : memref<!tpu.dma_semaphore, #tpu.memory_space<semaphore_mem>>
        %dma_start3A_135 = arith.constant 0 : i32
        %dma_start3A_136 = tpu.memref_slice %arg7[%add3A_124, %dma_start3A_135] : memref<40x128xi32, #tpu.memory_space<vmem>> -> memref<1x128xi32, #tpu.memory_space<vmem>>
        %dma_start3A_137 = tpu.memref_squeeze %dma_start3A_136 : memref<1x128xi32, #tpu.memory_space<vmem>> -> memref<128xi32, #tpu.memory_space<vmem>>
        %dma_start3A_138 = arith.constant 0 : i32
        %dma_start3A_139 = arith.constant 0 : i32
        %dma_start3A_140 = tpu.memref_slice %arg10[%dma_start3A_138, %dma_start3A_139] : memref<10240x128xf32, #tpu.memory_space<vmem_shared>> -> memref<10240x128xf32, #tpu.memory_space<vmem_shared>>
        tpu.enqueue_indirect_dma source(%arg9 : memref<128x128xf32, #tpu.memory_space<vmem>>) target(%dma_start3A_140 : memref<10240x128xf32, #tpu.memory_space<vmem_shared>>) offsets(%dma_start3A_137 : memref<128xi32, #tpu.memory_space<vmem>>) semaphore(%run_scoped3A_134 : memref<!tpu.dma_semaphore, #tpu.memory_space<semaphore_mem>>) {add = true}
        %dma_wait3A_141 = arith.constant 0 : i32
        %dma_wait3A_142 = tpu.memref_slice %arg7[%add3A_124, %dma_wait3A_141] : memref<40x128xi32, #tpu.memory_space<vmem>> -> memref<1x128xi32, #tpu.memory_space<vmem>>
        %dma_wait3A_143 = tpu.memref_squeeze %dma_wait3A_142 : memref<1x128xi32, #tpu.memory_space<vmem>> -> memref<128xi32, #tpu.memory_space<vmem>>
        %dma_wait3A_144 = arith.constant 0 : i32
        %dma_wait3A_145 = arith.constant 0 : i32
        %dma_wait3A_146 = tpu.memref_slice %arg10[%dma_wait3A_144, %dma_wait3A_145] : memref<10240x128xf32, #tpu.memory_space<vmem_shared>> -> memref<10240x128xf32, #tpu.memory_space<vmem_shared>>
        tpu.wait_indirect_dma semaphore(%run_scoped3A_134 : memref<!tpu.dma_semaphore, #tpu.memory_space<semaphore_mem>>) src(%arg9 : memref<128x128xf32, #tpu.memory_space<vmem>>) dst(%dma_wait3A_146 : memref<10240x128xf32, #tpu.memory_space<vmem_shared>>)
        tpu.yield
      }) : () -> ()
      %add3A_125 = arith.constant 3 : i32
      %add3A_126 = arith.addi %mul3A_102, %add3A_125 : i32
      %dma_start3A_127 = arith.constant 0 : i32
      %dma_start3A_128 = tpu.memref_slice %arg6[%add3A_126, %dma_start3A_127] : memref<40x128xi32, #tpu.memory_space<vmem>> -> memref<1x128xi32, #tpu.memory_space<vmem>>
      %dma_start3A_129 = tpu.memref_squeeze %dma_start3A_128 : memref<1x128xi32, #tpu.memory_space<vmem>> -> memref<128xi32, #tpu.memory_space<vmem>>
      %dma_start3A_130 = arith.constant 0 : i32
      %dma_start3A_131 = arith.constant 0 : i32
      %dma_start3A_132 = tpu.memref_slice %arg2[%dma_start3A_130, %dma_start3A_131] : memref<10240x128xf32, #tpu.memory_space<hbm>> -> memref<10240x128xf32, #tpu.memory_space<hbm>>
      tpu.enqueue_indirect_dma source(%dma_start3A_132 : memref<10240x128xf32, #tpu.memory_space<hbm>>) target(%arg9 : memref<128x128xf32, #tpu.memory_space<vmem>>) offsets(%dma_start3A_129 : memref<128xi32, #tpu.memory_space<vmem>>) semaphore(%arg12 : memref<!tpu.dma_semaphore, #tpu.memory_space<semaphore_mem>>)
      %scan3A_133 = arith.constant 0 : i32
      scf.yield %scan3A_133 : i32
    }
    %scan3A_46 = arith.constant 19 : i32
    %dma_wait3A = arith.constant 0 : i32
    %dma_wait3A_47 = arith.constant 0 : i32
    %dma_wait3A_48 = tpu.memref_slice %arg2[%dma_wait3A, %dma_wait3A_47] : memref<10240x128xf32, #tpu.memory_space<hbm>> -> memref<128x128xf32, #tpu.memory_space<hbm>>
    %dma_wait3A_49 = arith.constant 0 : i32
    %dma_wait3A_50 = arith.constant 0 : i32
    %dma_wait3A_51 = tpu.memref_slice %arg2[%dma_wait3A_49, %dma_wait3A_50] : memref<10240x128xf32, #tpu.memory_space<hbm>> -> memref<128x128xf32, #tpu.memory_space<hbm>>
    tpu.wait_dma2 semaphore(%arg11 : memref<!tpu.dma_semaphore, #tpu.memory_space<semaphore_mem>>) src(%dma_wait3A_51 : memref<128x128xf32, #tpu.memory_space<hbm>>) dst(%arg8 : memref<128x128xf32, #tpu.memory_space<vmem>>)
    %run_scoped3A = arith.constant 38 : i32
    "tpu.region"() ({
      %run_scoped3A_99 = tpu.sem_alloc : memref<!tpu.dma_semaphore, #tpu.memory_space<semaphore_mem>>
      %dma_start3A_100 = arith.constant 0 : i32
      %dma_start3A_101 = tpu.memref_slice %arg7[%run_scoped3A, %dma_start3A_100] : memref<40x128xi32, #tpu.memory_space<vmem>> -> memref<1x128xi32, #tpu.memory_space<vmem>>
      %dma_start3A_102 = tpu.memref_squeeze %dma_start3A_101 : memref<1x128xi32, #tpu.memory_space<vmem>> -> memref<128xi32, #tpu.memory_space<vmem>>
      %dma_start3A_103 = arith.constant 0 : i32
      %dma_start3A_104 = arith.constant 0 : i32
      %dma_start3A_105 = tpu.memref_slice %arg10[%dma_start3A_103, %dma_start3A_104] : memref<10240x128xf32, #tpu.memory_space<vmem_shared>> -> memref<10240x128xf32, #tpu.memory_space<vmem_shared>>
      tpu.enqueue_indirect_dma source(%arg8 : memref<128x128xf32, #tpu.memory_space<vmem>>) target(%dma_start3A_105 : memref<10240x128xf32, #tpu.memory_space<vmem_shared>>) offsets(%dma_start3A_102 : memref<128xi32, #tpu.memory_space<vmem>>) semaphore(%run_scoped3A_99 : memref<!tpu.dma_semaphore, #tpu.memory_space<semaphore_mem>>) {add = true}
      %dma_wait3A_106 = arith.constant 0 : i32
      %dma_wait3A_107 = tpu.memref_slice %arg7[%run_scoped3A, %dma_wait3A_106] : memref<40x128xi32, #tpu.memory_space<vmem>> -> memref<1x128xi32, #tpu.memory_space<vmem>>
      %dma_wait3A_108 = tpu.memref_squeeze %dma_wait3A_107 : memref<1x128xi32, #tpu.memory_space<vmem>> -> memref<128xi32, #tpu.memory_space<vmem>>
      %dma_wait3A_109 = arith.constant 0 : i32
      %dma_wait3A_110 = arith.constant 0 : i32
      %dma_wait3A_111 = tpu.memref_slice %arg10[%dma_wait3A_109, %dma_wait3A_110] : memref<10240x128xf32, #tpu.memory_space<vmem_shared>> -> memref<10240x128xf32, #tpu.memory_space<vmem_shared>>
      tpu.wait_indirect_dma semaphore(%run_scoped3A_99 : memref<!tpu.dma_semaphore, #tpu.memory_space<semaphore_mem>>) src(%arg8 : memref<128x128xf32, #tpu.memory_space<vmem>>) dst(%dma_wait3A_111 : memref<10240x128xf32, #tpu.memory_space<vmem_shared>>)
      tpu.yield
    }) : () -> ()
    %dma_wait3A_52 = arith.constant 0 : i32
    %dma_wait3A_53 = arith.constant 0 : i32
    %dma_wait3A_54 = tpu.memref_slice %arg2[%dma_wait3A_52, %dma_wait3A_53] : memref<10240x128xf32, #tpu.memory_space<hbm>> -> memref<128x128xf32, #tpu.memory_space<hbm>>
    %dma_wait3A_55 = arith.constant 0 : i32
    %dma_wait3A_56 = arith.constant 0 : i32
    %dma_wait3A_57 = tpu.memref_slice %arg2[%dma_wait3A_55, %dma_wait3A_56] : memref<10240x128xf32, #tpu.memory_space<hbm>> -> memref<128x128xf32, #tpu.memory_space<hbm>>
    tpu.wait_dma2 semaphore(%arg12 : memref<!tpu.dma_semaphore, #tpu.memory_space<semaphore_mem>>) src(%dma_wait3A_57 : memref<128x128xf32, #tpu.memory_space<hbm>>) dst(%arg9 : memref<128x128xf32, #tpu.memory_space<vmem>>)
    %run_scoped3A_58 = arith.constant 39 : i32
    "tpu.region"() ({
      %run_scoped3A_99 = tpu.sem_alloc : memref<!tpu.dma_semaphore, #tpu.memory_space<semaphore_mem>>
      %dma_start3A_100 = arith.constant 0 : i32
      %dma_start3A_101 = tpu.memref_slice %arg7[%run_scoped3A_58, %dma_start3A_100] : memref<40x128xi32, #tpu.memory_space<vmem>> -> memref<1x128xi32, #tpu.memory_space<vmem>>
      %dma_start3A_102 = tpu.memref_squeeze %dma_start3A_101 : memref<1x128xi32, #tpu.memory_space<vmem>> -> memref<128xi32, #tpu.memory_space<vmem>>
      %dma_start3A_103 = arith.constant 0 : i32
      %dma_start3A_104 = arith.constant 0 : i32
      %dma_start3A_105 = tpu.memref_slice %arg10[%dma_start3A_103, %dma_start3A_104] : memref<10240x128xf32, #tpu.memory_space<vmem_shared>> -> memref<10240x128xf32, #tpu.memory_space<vmem_shared>>
      tpu.enqueue_indirect_dma source(%arg9 : memref<128x128xf32, #tpu.memory_space<vmem>>) target(%dma_start3A_105 : memref<10240x128xf32, #tpu.memory_space<vmem_shared>>) offsets(%dma_start3A_102 : memref<128xi32, #tpu.memory_space<vmem>>) semaphore(%run_scoped3A_99 : memref<!tpu.dma_semaphore, #tpu.memory_space<semaphore_mem>>) {add = true}
      %dma_wait3A_106 = arith.constant 0 : i32
      %dma_wait3A_107 = tpu.memref_slice %arg7[%run_scoped3A_58, %dma_wait3A_106] : memref<40x128xi32, #tpu.memory_space<vmem>> -> memref<1x128xi32, #tpu.memory_space<vmem>>
      %dma_wait3A_108 = tpu.memref_squeeze %dma_wait3A_107 : memref<1x128xi32, #tpu.memory_space<vmem>> -> memref<128xi32, #tpu.memory_space<vmem>>
      %dma_wait3A_109 = arith.constant 0 : i32
      %dma_wait3A_110 = arith.constant 0 : i32
      %dma_wait3A_111 = tpu.memref_slice %arg10[%dma_wait3A_109, %dma_wait3A_110] : memref<10240x128xf32, #tpu.memory_space<vmem_shared>> -> memref<10240x128xf32, #tpu.memory_space<vmem_shared>>
      tpu.wait_indirect_dma semaphore(%run_scoped3A_99 : memref<!tpu.dma_semaphore, #tpu.memory_space<semaphore_mem>>) src(%arg9 : memref<128x128xf32, #tpu.memory_space<vmem>>) dst(%dma_wait3A_111 : memref<10240x128xf32, #tpu.memory_space<vmem_shared>>)
      tpu.yield
    }) : () -> ()
    "tpu.region"() ({
      %run_scoped3A_99 = tpu.sem_alloc : memref<!tpu.dma_semaphore, #tpu.memory_space<semaphore_mem>>
      %dma_start3A_100 = arith.constant 0 : i32
      %dma_start3A_101 = arith.constant 0 : i32
      %dma_start3A_102 = tpu.memref_slice %arg3[%add3A, %dma_start3A_100, %dma_start3A_101] : memref<32x80x128xi32, #tpu.memory_space<hbm>> -> memref<1x80x128xi32, #tpu.memory_space<hbm>>
      %dma_start3A_103 = tpu.memref_squeeze %dma_start3A_102 : memref<1x80x128xi32, #tpu.memory_space<hbm>> -> memref<80x128xi32, #tpu.memory_space<hbm>>
      %dma_start3A_104 = arith.constant 40 : i32
      %dma_start3A_105 = arith.constant 0 : i32
      %dma_start3A_106 = tpu.memref_slice %dma_start3A_103[%dma_start3A_104, %dma_start3A_105] : memref<80x128xi32, #tpu.memory_space<hbm>> -> memref<40x128xi32, #tpu.memory_space<hbm>>
      %dma_start3A_107 = arith.constant 0 : i32
      %dma_start3A_108 = arith.constant 0 : i32
      %dma_start3A_109 = tpu.memref_slice %arg3[%add3A, %dma_start3A_107, %dma_start3A_108] : memref<32x80x128xi32, #tpu.memory_space<hbm>> -> memref<1x80x128xi32, #tpu.memory_space<hbm>>
      %dma_start3A_110 = tpu.memref_squeeze %dma_start3A_109 : memref<1x80x128xi32, #tpu.memory_space<hbm>> -> memref<80x128xi32, #tpu.memory_space<hbm>>
      %dma_start3A_111 = arith.constant 40 : i32
      %dma_start3A_112 = arith.constant 0 : i32
      %dma_start3A_113 = tpu.memref_slice %dma_start3A_110[%dma_start3A_111, %dma_start3A_112] : memref<80x128xi32, #tpu.memory_space<hbm>> -> memref<40x128xi32, #tpu.memory_space<hbm>>
      tpu.enqueue_dma source(%dma_start3A_113 : memref<40x128xi32, #tpu.memory_space<hbm>>) target(%arg6 : memref<40x128xi32, #tpu.memory_space<vmem>>) target_semaphore(%run_scoped3A_99 : memref<!tpu.dma_semaphore, #tpu.memory_space<semaphore_mem>>)
      %dma_wait3A_114 = arith.constant 0 : i32
      %dma_wait3A_115 = arith.constant 0 : i32
      %dma_wait3A_116 = tpu.memref_slice %arg3[%add3A, %dma_wait3A_114, %dma_wait3A_115] : memref<32x80x128xi32, #tpu.memory_space<hbm>> -> memref<1x80x128xi32, #tpu.memory_space<hbm>>
      %dma_wait3A_117 = tpu.memref_squeeze %dma_wait3A_116 : memref<1x80x128xi32, #tpu.memory_space<hbm>> -> memref<80x128xi32, #tpu.memory_space<hbm>>
      %dma_wait3A_118 = arith.constant 40 : i32
      %dma_wait3A_119 = arith.constant 0 : i32
      %dma_wait3A_120 = tpu.memref_slice %dma_wait3A_117[%dma_wait3A_118, %dma_wait3A_119] : memref<80x128xi32, #tpu.memory_space<hbm>> -> memref<40x128xi32, #tpu.memory_space<hbm>>
      %dma_wait3A_121 = arith.constant 0 : i32
      %dma_wait3A_122 = arith.constant 0 : i32
      %dma_wait3A_123 = tpu.memref_slice %arg3[%add3A, %dma_wait3A_121, %dma_wait3A_122] : memref<32x80x128xi32, #tpu.memory_space<hbm>> -> memref<1x80x128xi32, #tpu.memory_space<hbm>>
      %dma_wait3A_124 = tpu.memref_squeeze %dma_wait3A_123 : memref<1x80x128xi32, #tpu.memory_space<hbm>> -> memref<80x128xi32, #tpu.memory_space<hbm>>
      %dma_wait3A_125 = arith.constant 40 : i32
      %dma_wait3A_126 = arith.constant 0 : i32
      %dma_wait3A_127 = tpu.memref_slice %dma_wait3A_124[%dma_wait3A_125, %dma_wait3A_126] : memref<80x128xi32, #tpu.memory_space<hbm>> -> memref<40x128xi32, #tpu.memory_space<hbm>>
      tpu.wait_dma2 semaphore(%run_scoped3A_99 : memref<!tpu.dma_semaphore, #tpu.memory_space<semaphore_mem>>) src(%dma_wait3A_127 : memref<40x128xi32, #tpu.memory_space<hbm>>) dst(%arg6 : memref<40x128xi32, #tpu.memory_space<vmem>>)
      tpu.yield
    }) : () -> ()
    "tpu.region"() ({
      %run_scoped3A_99 = tpu.sem_alloc : memref<!tpu.dma_semaphore, #tpu.memory_space<semaphore_mem>>
      %dma_start3A_100 = arith.constant 0 : i32
      %dma_start3A_101 = arith.constant 0 : i32
      %dma_start3A_102 = tpu.memref_slice %arg4[%add3A, %dma_start3A_100, %dma_start3A_101] : memref<32x80x128xi32, #tpu.memory_space<hbm>> -> memref<1x80x128xi32, #tpu.memory_space<hbm>>
      %dma_start3A_103 = tpu.memref_squeeze %dma_start3A_102 : memref<1x80x128xi32, #tpu.memory_space<hbm>> -> memref<80x128xi32, #tpu.memory_space<hbm>>
      %dma_start3A_104 = arith.constant 40 : i32
      %dma_start3A_105 = arith.constant 0 : i32
      %dma_start3A_106 = tpu.memref_slice %dma_start3A_103[%dma_start3A_104, %dma_start3A_105] : memref<80x128xi32, #tpu.memory_space<hbm>> -> memref<40x128xi32, #tpu.memory_space<hbm>>
      %dma_start3A_107 = arith.constant 0 : i32
      %dma_start3A_108 = arith.constant 0 : i32
      %dma_start3A_109 = tpu.memref_slice %arg4[%add3A, %dma_start3A_107, %dma_start3A_108] : memref<32x80x128xi32, #tpu.memory_space<hbm>> -> memref<1x80x128xi32, #tpu.memory_space<hbm>>
      %dma_start3A_110 = tpu.memref_squeeze %dma_start3A_109 : memref<1x80x128xi32, #tpu.memory_space<hbm>> -> memref<80x128xi32, #tpu.memory_space<hbm>>
      %dma_start3A_111 = arith.constant 40 : i32
      %dma_start3A_112 = arith.constant 0 : i32
      %dma_start3A_113 = tpu.memref_slice %dma_start3A_110[%dma_start3A_111, %dma_start3A_112] : memref<80x128xi32, #tpu.memory_space<hbm>> -> memref<40x128xi32, #tpu.memory_space<hbm>>
      tpu.enqueue_dma source(%dma_start3A_113 : memref<40x128xi32, #tpu.memory_space<hbm>>) target(%arg7 : memref<40x128xi32, #tpu.memory_space<vmem>>) target_semaphore(%run_scoped3A_99 : memref<!tpu.dma_semaphore, #tpu.memory_space<semaphore_mem>>)
      %dma_wait3A_114 = arith.constant 0 : i32
      %dma_wait3A_115 = arith.constant 0 : i32
      %dma_wait3A_116 = tpu.memref_slice %arg4[%add3A, %dma_wait3A_114, %dma_wait3A_115] : memref<32x80x128xi32, #tpu.memory_space<hbm>> -> memref<1x80x128xi32, #tpu.memory_space<hbm>>
      %dma_wait3A_117 = tpu.memref_squeeze %dma_wait3A_116 : memref<1x80x128xi32, #tpu.memory_space<hbm>> -> memref<80x128xi32, #tpu.memory_space<hbm>>
      %dma_wait3A_118 = arith.constant 40 : i32
      %dma_wait3A_119 = arith.constant 0 : i32
      %dma_wait3A_120 = tpu.memref_slice %dma_wait3A_117[%dma_wait3A_118, %dma_wait3A_119] : memref<80x128xi32, #tpu.memory_space<hbm>> -> memref<40x128xi32, #tpu.memory_space<hbm>>
      %dma_wait3A_121 = arith.constant 0 : i32
      %dma_wait3A_122 = arith.constant 0 : i32
      %dma_wait3A_123 = tpu.memref_slice %arg4[%add3A, %dma_wait3A_121, %dma_wait3A_122] : memref<32x80x128xi32, #tpu.memory_space<hbm>> -> memref<1x80x128xi32, #tpu.memory_space<hbm>>
      %dma_wait3A_124 = tpu.memref_squeeze %dma_wait3A_123 : memref<1x80x128xi32, #tpu.memory_space<hbm>> -> memref<80x128xi32, #tpu.memory_space<hbm>>
      %dma_wait3A_125 = arith.constant 40 : i32
      %dma_wait3A_126 = arith.constant 0 : i32
      %dma_wait3A_127 = tpu.memref_slice %dma_wait3A_124[%dma_wait3A_125, %dma_wait3A_126] : memref<80x128xi32, #tpu.memory_space<hbm>> -> memref<40x128xi32, #tpu.memory_space<hbm>>
      tpu.wait_dma2 semaphore(%run_scoped3A_99 : memref<!tpu.dma_semaphore, #tpu.memory_space<semaphore_mem>>) src(%dma_wait3A_127 : memref<40x128xi32, #tpu.memory_space<hbm>>) dst(%arg7 : memref<40x128xi32, #tpu.memory_space<vmem>>)
      tpu.yield
    }) : () -> ()
    %dma_start3A_59 = arith.constant 0 : i32
    %dma_start3A_60 = arith.constant 0 : i32
    %dma_start3A_61 = tpu.memref_slice %arg6[%dma_start3A_59, %dma_start3A_60] : memref<40x128xi32, #tpu.memory_space<vmem>> -> memref<1x128xi32, #tpu.memory_space<vmem>>
    %dma_start3A_62 = tpu.memref_squeeze %dma_start3A_61 : memref<1x128xi32, #tpu.memory_space<vmem>> -> memref<128xi32, #tpu.memory_space<vmem>>
    %dma_start3A_63 = arith.constant 0 : i32
    %dma_start3A_64 = arith.constant 0 : i32
    %dma_start3A_65 = tpu.memref_slice %arg2[%dma_start3A_63, %dma_start3A_64] : memref<10240x128xf32, #tpu.memory_space<hbm>> -> memref<10240x128xf32, #tpu.memory_space<hbm>>
    tpu.enqueue_indirect_dma source(%dma_start3A_65 : memref<10240x128xf32, #tpu.memory_space<hbm>>) target(%arg8 : memref<128x128xf32, #tpu.memory_space<vmem>>) offsets(%dma_start3A_62 : memref<128xi32, #tpu.memory_space<vmem>>) semaphore(%arg11 : memref<!tpu.dma_semaphore, #tpu.memory_space<semaphore_mem>>)
    %dma_start3A_66 = arith.constant 1 : i32
    %dma_start3A_67 = arith.constant 0 : i32
    %dma_start3A_68 = tpu.memref_slice %arg6[%dma_start3A_66, %dma_start3A_67] : memref<40x128xi32, #tpu.memory_space<vmem>> -> memref<1x128xi32, #tpu.memory_space<vmem>>
    %dma_start3A_69 = tpu.memref_squeeze %dma_start3A_68 : memref<1x128xi32, #tpu.memory_space<vmem>> -> memref<128xi32, #tpu.memory_space<vmem>>
    %dma_start3A_70 = arith.constant 0 : i32
    %dma_start3A_71 = arith.constant 0 : i32
    %dma_start3A_72 = tpu.memref_slice %arg2[%dma_start3A_70, %dma_start3A_71] : memref<10240x128xf32, #tpu.memory_space<hbm>> -> memref<10240x128xf32, #tpu.memory_space<hbm>>
    tpu.enqueue_indirect_dma source(%dma_start3A_72 : memref<10240x128xf32, #tpu.memory_space<hbm>>) target(%arg9 : memref<128x128xf32, #tpu.memory_space<vmem>>) offsets(%dma_start3A_69 : memref<128xi32, #tpu.memory_space<vmem>>) semaphore(%arg12 : memref<!tpu.dma_semaphore, #tpu.memory_space<semaphore_mem>>)
    %scan3A_73 = arith.constant 0 : i32
    %scan3A_74 = arith.constant 0 : i32
    %scan3A_75 = arith.constant 19 : i32
    %scan3A_76 = arith.addi %scan3A_74, %scan3A_75 : i32
    %scan3A_77 = arith.constant 1 : i32
    %scan3A_78 = scf.for %scan3A_99 = %scan3A_74 to %scan3A_76 step %scan3A_77 iter_args(%scan3A_100 = %scan3A_73) -> (i32)  : i32 {
      %mul3A_101 = arith.constant 2 : i32
      %mul3A_102 = arith.muli %mul3A_101, %scan3A_99 : i32
      %dma_wait3A_103 = arith.constant 0 : i32
      %dma_wait3A_104 = arith.constant 0 : i32
      %dma_wait3A_105 = tpu.memref_slice %arg2[%dma_wait3A_103, %dma_wait3A_104] : memref<10240x128xf32, #tpu.memory_space<hbm>> -> memref<128x128xf32, #tpu.memory_space<hbm>>
      %dma_wait3A_106 = arith.constant 0 : i32
      %dma_wait3A_107 = arith.constant 0 : i32
      %dma_wait3A_108 = tpu.memref_slice %arg2[%dma_wait3A_106, %dma_wait3A_107] : memref<10240x128xf32, #tpu.memory_space<hbm>> -> memref<128x128xf32, #tpu.memory_space<hbm>>
      tpu.wait_dma2 semaphore(%arg11 : memref<!tpu.dma_semaphore, #tpu.memory_space<semaphore_mem>>) src(%dma_wait3A_108 : memref<128x128xf32, #tpu.memory_space<hbm>>) dst(%arg8 : memref<128x128xf32, #tpu.memory_space<vmem>>)
      "tpu.region"() ({
        %run_scoped3A_134 = tpu.sem_alloc : memref<!tpu.dma_semaphore, #tpu.memory_space<semaphore_mem>>
        %dma_start3A_135 = arith.constant 0 : i32
        %dma_start3A_136 = tpu.memref_slice %arg7[%mul3A_102, %dma_start3A_135] : memref<40x128xi32, #tpu.memory_space<vmem>> -> memref<1x128xi32, #tpu.memory_space<vmem>>
        %dma_start3A_137 = tpu.memref_squeeze %dma_start3A_136 : memref<1x128xi32, #tpu.memory_space<vmem>> -> memref<128xi32, #tpu.memory_space<vmem>>
        %dma_start3A_138 = arith.constant 0 : i32
        %dma_start3A_139 = arith.constant 0 : i32
        %dma_start3A_140 = tpu.memref_slice %arg10[%dma_start3A_138, %dma_start3A_139] : memref<10240x128xf32, #tpu.memory_space<vmem_shared>> -> memref<10240x128xf32, #tpu.memory_space<vmem_shared>>
        tpu.enqueue_indirect_dma source(%arg8 : memref<128x128xf32, #tpu.memory_space<vmem>>) target(%dma_start3A_140 : memref<10240x128xf32, #tpu.memory_space<vmem_shared>>) offsets(%dma_start3A_137 : memref<128xi32, #tpu.memory_space<vmem>>) semaphore(%run_scoped3A_134 : memref<!tpu.dma_semaphore, #tpu.memory_space<semaphore_mem>>) {add = true}
        %dma_wait3A_141 = arith.constant 0 : i32
        %dma_wait3A_142 = tpu.memref_slice %arg7[%mul3A_102, %dma_wait3A_141] : memref<40x128xi32, #tpu.memory_space<vmem>> -> memref<1x128xi32, #tpu.memory_space<vmem>>
        %dma_wait3A_143 = tpu.memref_squeeze %dma_wait3A_142 : memref<1x128xi32, #tpu.memory_space<vmem>> -> memref<128xi32, #tpu.memory_space<vmem>>
        %dma_wait3A_144 = arith.constant 0 : i32
        %dma_wait3A_145 = arith.constant 0 : i32
        %dma_wait3A_146 = tpu.memref_slice %arg10[%dma_wait3A_144, %dma_wait3A_145] : memref<10240x128xf32, #tpu.memory_space<vmem_shared>> -> memref<10240x128xf32, #tpu.memory_space<vmem_shared>>
        tpu.wait_indirect_dma semaphore(%run_scoped3A_134 : memref<!tpu.dma_semaphore, #tpu.memory_space<semaphore_mem>>) src(%arg8 : memref<128x128xf32, #tpu.memory_space<vmem>>) dst(%dma_wait3A_146 : memref<10240x128xf32, #tpu.memory_space<vmem_shared>>)
        tpu.yield
      }) : () -> ()
      %add3A_109 = arith.constant 2 : i32
      %add3A_110 = arith.addi %mul3A_102, %add3A_109 : i32
      %dma_start3A_111 = arith.constant 0 : i32
      %dma_start3A_112 = tpu.memref_slice %arg6[%add3A_110, %dma_start3A_111] : memref<40x128xi32, #tpu.memory_space<vmem>> -> memref<1x128xi32, #tpu.memory_space<vmem>>
      %dma_start3A_113 = tpu.memref_squeeze %dma_start3A_112 : memref<1x128xi32, #tpu.memory_space<vmem>> -> memref<128xi32, #tpu.memory_space<vmem>>
      %dma_start3A_114 = arith.constant 0 : i32
      %dma_start3A_115 = arith.constant 0 : i32
      %dma_start3A_116 = tpu.memref_slice %arg2[%dma_start3A_114, %dma_start3A_115] : memref<10240x128xf32, #tpu.memory_space<hbm>> -> memref<10240x128xf32, #tpu.memory_space<hbm>>
      tpu.enqueue_indirect_dma source(%dma_start3A_116 : memref<10240x128xf32, #tpu.memory_space<hbm>>) target(%arg8 : memref<128x128xf32, #tpu.memory_space<vmem>>) offsets(%dma_start3A_113 : memref<128xi32, #tpu.memory_space<vmem>>) semaphore(%arg11 : memref<!tpu.dma_semaphore, #tpu.memory_space<semaphore_mem>>)
      %dma_wait3A_117 = arith.constant 0 : i32
      %dma_wait3A_118 = arith.constant 0 : i32
      %dma_wait3A_119 = tpu.memref_slice %arg2[%dma_wait3A_117, %dma_wait3A_118] : memref<10240x128xf32, #tpu.memory_space<hbm>> -> memref<128x128xf32, #tpu.memory_space<hbm>>
      %dma_wait3A_120 = arith.constant 0 : i32
      %dma_wait3A_121 = arith.constant 0 : i32
      %dma_wait3A_122 = tpu.memref_slice %arg2[%dma_wait3A_120, %dma_wait3A_121] : memref<10240x128xf32, #tpu.memory_space<hbm>> -> memref<128x128xf32, #tpu.memory_space<hbm>>
      tpu.wait_dma2 semaphore(%arg12 : memref<!tpu.dma_semaphore, #tpu.memory_space<semaphore_mem>>) src(%dma_wait3A_122 : memref<128x128xf32, #tpu.memory_space<hbm>>) dst(%arg9 : memref<128x128xf32, #tpu.memory_space<vmem>>)
      %add3A_123 = arith.constant 1 : i32
      %add3A_124 = arith.addi %mul3A_102, %add3A_123 : i32
      "tpu.region"() ({
        %run_scoped3A_134 = tpu.sem_alloc : memref<!tpu.dma_semaphore, #tpu.memory_space<semaphore_mem>>
        %dma_start3A_135 = arith.constant 0 : i32
        %dma_start3A_136 = tpu.memref_slice %arg7[%add3A_124, %dma_start3A_135] : memref<40x128xi32, #tpu.memory_space<vmem>> -> memref<1x128xi32, #tpu.memory_space<vmem>>
        %dma_start3A_137 = tpu.memref_squeeze %dma_start3A_136 : memref<1x128xi32, #tpu.memory_space<vmem>> -> memref<128xi32, #tpu.memory_space<vmem>>
        %dma_start3A_138 = arith.constant 0 : i32
        %dma_start3A_139 = arith.constant 0 : i32
        %dma_start3A_140 = tpu.memref_slice %arg10[%dma_start3A_138, %dma_start3A_139] : memref<10240x128xf32, #tpu.memory_space<vmem_shared>> -> memref<10240x128xf32, #tpu.memory_space<vmem_shared>>
        tpu.enqueue_indirect_dma source(%arg9 : memref<128x128xf32, #tpu.memory_space<vmem>>) target(%dma_start3A_140 : memref<10240x128xf32, #tpu.memory_space<vmem_shared>>) offsets(%dma_start3A_137 : memref<128xi32, #tpu.memory_space<vmem>>) semaphore(%run_scoped3A_134 : memref<!tpu.dma_semaphore, #tpu.memory_space<semaphore_mem>>) {add = true}
        %dma_wait3A_141 = arith.constant 0 : i32
        %dma_wait3A_142 = tpu.memref_slice %arg7[%add3A_124, %dma_wait3A_141] : memref<40x128xi32, #tpu.memory_space<vmem>> -> memref<1x128xi32, #tpu.memory_space<vmem>>
        %dma_wait3A_143 = tpu.memref_squeeze %dma_wait3A_142 : memref<1x128xi32, #tpu.memory_space<vmem>> -> memref<128xi32, #tpu.memory_space<vmem>>
        %dma_wait3A_144 = arith.constant 0 : i32
        %dma_wait3A_145 = arith.constant 0 : i32
        %dma_wait3A_146 = tpu.memref_slice %arg10[%dma_wait3A_144, %dma_wait3A_145] : memref<10240x128xf32, #tpu.memory_space<vmem_shared>> -> memref<10240x128xf32, #tpu.memory_space<vmem_shared>>
        tpu.wait_indirect_dma semaphore(%run_scoped3A_134 : memref<!tpu.dma_semaphore, #tpu.memory_space<semaphore_mem>>) src(%arg9 : memref<128x128xf32, #tpu.memory_space<vmem>>) dst(%dma_wait3A_146 : memref<10240x128xf32, #tpu.memory_space<vmem_shared>>)
        tpu.yield
      }) : () -> ()
      %add3A_125 = arith.constant 3 : i32
      %add3A_126 = arith.addi %mul3A_102, %add3A_125 : i32
      %dma_start3A_127 = arith.constant 0 : i32
      %dma_start3A_128 = tpu.memref_slice %arg6[%add3A_126, %dma_start3A_127] : memref<40x128xi32, #tpu.memory_space<vmem>> -> memref<1x128xi32, #tpu.memory_space<vmem>>
      %dma_start3A_129 = tpu.memref_squeeze %dma_start3A_128 : memref<1x128xi32, #tpu.memory_space<vmem>> -> memref<128xi32, #tpu.memory_space<vmem>>
      %dma_start3A_130 = arith.constant 0 : i32
      %dma_start3A_131 = arith.constant 0 : i32
      %dma_start3A_132 = tpu.memref_slice %arg2[%dma_start3A_130, %dma_start3A_131] : memref<10240x128xf32, #tpu.memory_space<hbm>> -> memref<10240x128xf32, #tpu.memory_space<hbm>>
      tpu.enqueue_indirect_dma source(%dma_start3A_132 : memref<10240x128xf32, #tpu.memory_space<hbm>>) target(%arg9 : memref<128x128xf32, #tpu.memory_space<vmem>>) offsets(%dma_start3A_129 : memref<128xi32, #tpu.memory_space<vmem>>) semaphore(%arg12 : memref<!tpu.dma_semaphore, #tpu.memory_space<semaphore_mem>>)
      %scan3A_133 = arith.constant 0 : i32
      scf.yield %scan3A_133 : i32
    }
    %scan3A_79 = arith.constant 19 : i32
    %dma_wait3A_80 = arith.constant 0 : i32
    %dma_wait3A_81 = arith.constant 0 : i32
    %dma_wait3A_82 = tpu.memref_slice %arg2[%dma_wait3A_80, %dma_wait3A_81] : memref<10240x128xf32, #tpu.memory_space<hbm>> -> memref<128x128xf32, #tpu.memory_space<hbm>>
    %dma_wait3A_83 = arith.constant 0 : i32
    %dma_wait3A_84 = arith.constant 0 : i32
    %dma_wait3A_85 = tpu.memref_slice %arg2[%dma_wait3A_83, %dma_wait3A_84] : memref<10240x128xf32, #tpu.memory_space<hbm>> -> memref<128x128xf32, #tpu.memory_space<hbm>>
    tpu.wait_dma2 semaphore(%arg11 : memref<!tpu.dma_semaphore, #tpu.memory_space<semaphore_mem>>) src(%dma_wait3A_85 : memref<128x128xf32, #tpu.memory_space<hbm>>) dst(%arg8 : memref<128x128xf32, #tpu.memory_space<vmem>>)
    %run_scoped3A_86 = arith.constant 38 : i32
    "tpu.region"() ({
      %run_scoped3A_99 = tpu.sem_alloc : memref<!tpu.dma_semaphore, #tpu.memory_space<semaphore_mem>>
      %dma_start3A_100 = arith.constant 0 : i32
      %dma_start3A_101 = tpu.memref_slice %arg7[%run_scoped3A_86, %dma_start3A_100] : memref<40x128xi32, #tpu.memory_space<vmem>> -> memref<1x128xi32, #tpu.memory_space<vmem>>
      %dma_start3A_102 = tpu.memref_squeeze %dma_start3A_101 : memref<1x128xi32, #tpu.memory_space<vmem>> -> memref<128xi32, #tpu.memory_space<vmem>>
      %dma_start3A_103 = arith.constant 0 : i32
      %dma_start3A_104 = arith.constant 0 : i32
      %dma_start3A_105 = tpu.memref_slice %arg10[%dma_start3A_103, %dma_start3A_104] : memref<10240x128xf32, #tpu.memory_space<vmem_shared>> -> memref<10240x128xf32, #tpu.memory_space<vmem_shared>>
      tpu.enqueue_indirect_dma source(%arg8 : memref<128x128xf32, #tpu.memory_space<vmem>>) target(%dma_start3A_105 : memref<10240x128xf32, #tpu.memory_space<vmem_shared>>) offsets(%dma_start3A_102 : memref<128xi32, #tpu.memory_space<vmem>>) semaphore(%run_scoped3A_99 : memref<!tpu.dma_semaphore, #tpu.memory_space<semaphore_mem>>) {add = true}
      %dma_wait3A_106 = arith.constant 0 : i32
      %dma_wait3A_107 = tpu.memref_slice %arg7[%run_scoped3A_86, %dma_wait3A_106] : memref<40x128xi32, #tpu.memory_space<vmem>> -> memref<1x128xi32, #tpu.memory_space<vmem>>
      %dma_wait3A_108 = tpu.memref_squeeze %dma_wait3A_107 : memref<1x128xi32, #tpu.memory_space<vmem>> -> memref<128xi32, #tpu.memory_space<vmem>>
      %dma_wait3A_109 = arith.constant 0 : i32
      %dma_wait3A_110 = arith.constant 0 : i32
      %dma_wait3A_111 = tpu.memref_slice %arg10[%dma_wait3A_109, %dma_wait3A_110] : memref<10240x128xf32, #tpu.memory_space<vmem_shared>> -> memref<10240x128xf32, #tpu.memory_space<vmem_shared>>
      tpu.wait_indirect_dma semaphore(%run_scoped3A_99 : memref<!tpu.dma_semaphore, #tpu.memory_space<semaphore_mem>>) src(%arg8 : memref<128x128xf32, #tpu.memory_space<vmem>>) dst(%dma_wait3A_111 : memref<10240x128xf32, #tpu.memory_space<vmem_shared>>)
      tpu.yield
    }) : () -> ()
    %dma_wait3A_87 = arith.constant 0 : i32
    %dma_wait3A_88 = arith.constant 0 : i32
    %dma_wait3A_89 = tpu.memref_slice %arg2[%dma_wait3A_87, %dma_wait3A_88] : memref<10240x128xf32, #tpu.memory_space<hbm>> -> memref<128x128xf32, #tpu.memory_space<hbm>>
    %dma_wait3A_90 = arith.constant 0 : i32
    %dma_wait3A_91 = arith.constant 0 : i32
    %dma_wait3A_92 = tpu.memref_slice %arg2[%dma_wait3A_90, %dma_wait3A_91] : memref<10240x128xf32, #tpu.memory_space<hbm>> -> memref<128x128xf32, #tpu.memory_space<hbm>>
    tpu.wait_dma2 semaphore(%arg12 : memref<!tpu.dma_semaphore, #tpu.memory_space<semaphore_mem>>) src(%dma_wait3A_92 : memref<128x128xf32, #tpu.memory_space<hbm>>) dst(%arg9 : memref<128x128xf32, #tpu.memory_space<vmem>>)
    %run_scoped3A_93 = arith.constant 39 : i32
    "tpu.region"() ({
      %run_scoped3A_99 = tpu.sem_alloc : memref<!tpu.dma_semaphore, #tpu.memory_space<semaphore_mem>>
      %dma_start3A_100 = arith.constant 0 : i32
      %dma_start3A_101 = tpu.memref_slice %arg7[%run_scoped3A_93, %dma_start3A_100] : memref<40x128xi32, #tpu.memory_space<vmem>> -> memref<1x128xi32, #tpu.memory_space<vmem>>
      %dma_start3A_102 = tpu.memref_squeeze %dma_start3A_101 : memref<1x128xi32, #tpu.memory_space<vmem>> -> memref<128xi32, #tpu.memory_space<vmem>>
      %dma_start3A_103 = arith.constant 0 : i32
      %dma_start3A_104 = arith.constant 0 : i32
      %dma_start3A_105 = tpu.memref_slice %arg10[%dma_start3A_103, %dma_start3A_104] : memref<10240x128xf32, #tpu.memory_space<vmem_shared>> -> memref<10240x128xf32, #tpu.memory_space<vmem_shared>>
      tpu.enqueue_indirect_dma source(%arg9 : memref<128x128xf32, #tpu.memory_space<vmem>>) target(%dma_start3A_105 : memref<10240x128xf32, #tpu.memory_space<vmem_shared>>) offsets(%dma_start3A_102 : memref<128xi32, #tpu.memory_space<vmem>>) semaphore(%run_scoped3A_99 : memref<!tpu.dma_semaphore, #tpu.memory_space<semaphore_mem>>) {add = true}
      %dma_wait3A_106 = arith.constant 0 : i32
      %dma_wait3A_107 = tpu.memref_slice %arg7[%run_scoped3A_93, %dma_wait3A_106] : memref<40x128xi32, #tpu.memory_space<vmem>> -> memref<1x128xi32, #tpu.memory_space<vmem>>
      %dma_wait3A_108 = tpu.memref_squeeze %dma_wait3A_107 : memref<1x128xi32, #tpu.memory_space<vmem>> -> memref<128xi32, #tpu.memory_space<vmem>>
      %dma_wait3A_109 = arith.constant 0 : i32
      %dma_wait3A_110 = arith.constant 0 : i32
      %dma_wait3A_111 = tpu.memref_slice %arg10[%dma_wait3A_109, %dma_wait3A_110] : memref<10240x128xf32, #tpu.memory_space<vmem_shared>> -> memref<10240x128xf32, #tpu.memory_space<vmem_shared>>
      tpu.wait_indirect_dma semaphore(%run_scoped3A_99 : memref<!tpu.dma_semaphore, #tpu.memory_space<semaphore_mem>>) src(%arg9 : memref<128x128xf32, #tpu.memory_space<vmem>>) dst(%dma_wait3A_111 : memref<10240x128xf32, #tpu.memory_space<vmem_shared>>)
      tpu.yield
    }) : () -> ()
    %barrier3A_94 = arith.constant 0 : index
    tpu.barrier barrier_id(%barrier3A_94)
    %mul3A_95 = arith.constant 640 : i32
    %mul3A_96 = arith.muli %arg1, %mul3A_95 : i32
    %mul3A_97 = arith.constant 640 : i32
    %mul3A_98 = arith.muli %arg1, %mul3A_97 : i32
    "tpu.region"() ({
      %run_scoped3A_99 = tpu.sem_alloc : memref<!tpu.dma_semaphore, #tpu.memory_space<semaphore_mem>>
      %dma_start3A_100 = arith.constant 0 : i32
      %dma_start3A_101 = arith.constant 0 : i32
      %dma_start3A_102 = tpu.memref_slice %arg5[%arg0, %dma_start3A_100, %dma_start3A_101] : memref<2x10240x128xf32, #tpu.memory_space<hbm>> -> memref<1x10240x128xf32, #tpu.memory_space<hbm>>
      %dma_start3A_103 = tpu.memref_squeeze %dma_start3A_102 : memref<1x10240x128xf32, #tpu.memory_space<hbm>> -> memref<10240x128xf32, #tpu.memory_space<hbm>>
      %dma_start3A_104 = arith.constant 0 : i32
      %dma_start3A_105 = tpu.memref_slice %dma_start3A_103[%mul3A_98, %dma_start3A_104] : memref<10240x128xf32, #tpu.memory_space<hbm>> -> memref<640x128xf32, #tpu.memory_space<hbm>>
      %dma_start3A_106 = arith.constant 0 : i32
      %dma_start3A_107 = tpu.memref_slice %arg10[%mul3A_96, %dma_start3A_106] : memref<10240x128xf32, #tpu.memory_space<vmem_shared>> -> memref<640x128xf32, #tpu.memory_space<vmem_shared>>
      tpu.enqueue_dma source(%dma_start3A_107 : memref<640x128xf32, #tpu.memory_space<vmem_shared>>) target(%dma_start3A_105 : memref<640x128xf32, #tpu.memory_space<hbm>>) target_semaphore(%run_scoped3A_99 : memref<!tpu.dma_semaphore, #tpu.memory_space<semaphore_mem>>)
      %dma_wait3A_108 = arith.constant 0 : i32
      %dma_wait3A_109 = arith.constant 0 : i32
      %dma_wait3A_110 = tpu.memref_slice %arg5[%arg0, %dma_wait3A_108, %dma_wait3A_109] : memref<2x10240x128xf32, #tpu.memory_space<hbm>> -> memref<1x10240x128xf32, #tpu.memory_space<hbm>>
      %dma_wait3A_111 = tpu.memref_squeeze %dma_wait3A_110 : memref<1x10240x128xf32, #tpu.memory_space<hbm>> -> memref<10240x128xf32, #tpu.memory_space<hbm>>
      %dma_wait3A_112 = arith.constant 0 : i32
      %dma_wait3A_113 = tpu.memref_slice %dma_wait3A_111[%mul3A_98, %dma_wait3A_112] : memref<10240x128xf32, #tpu.memory_space<hbm>> -> memref<640x128xf32, #tpu.memory_space<hbm>>
      %dma_wait3A_114 = arith.constant 0 : i32
      %dma_wait3A_115 = tpu.memref_slice %arg10[%mul3A_96, %dma_wait3A_114] : memref<10240x128xf32, #tpu.memory_space<vmem_shared>> -> memref<640x128xf32, #tpu.memory_space<vmem_shared>>
      tpu.wait_dma2 semaphore(%run_scoped3A_99 : memref<!tpu.dma_semaphore, #tpu.memory_space<semaphore_mem>>) src(%dma_wait3A_115 : memref<640x128xf32, #tpu.memory_space<vmem_shared>>) dst(%dma_wait3A_113 : memref<640x128xf32, #tpu.memory_space<hbm>>)
      tpu.yield
    }) : () -> ()
    return
  }
}

module attributes {stable_mosaic.version = 14 : i64} {
  func.func @_tc_in_body(%arg0: i32, %arg1: memref<1024x128xf32, #tpu.memory_space<vmem>>, %arg2: memref<128x128xf32, #tpu.memory_space<vmem>>, %arg3: memref<2x1024x128xf32, #tpu.memory_space<vmem>>, %arg4: memref<1024x128xf32, #tpu.memory_space<vmem>>, %arg5: memref<1024x1xf32, #tpu.memory_space<vmem>>) attributes {dimension_semantics = [#tpu.dimension_semantics<arbitrary>], iteration_bounds = array<i64: 10>, scalar_prefetch = 0 : i64, scratch_operands = 0 : i64, tpu.core_type = #tpu.core_type<tc>, window_params = [{transform_indices = @transform_0, window_bounds = array<i64: 1024, 128>}, {pipeline_mode = #tpu.pipeline_mode<synchronous>, transform_indices = @transform_1, window_bounds = array<i64: 128, 128>}, {transform_indices = @transform_2, window_bounds = array<i64: 2, 1024, 128>}, {transform_indices = @transform_3, window_bounds = array<i64: 1024, 128>}, {transform_indices = @transform_4, window_bounds = array<i64: 1024, 1>}]} {
    %get3A = arith.constant 0 : index
    %get3A_0 = arith.constant 0 : index
    %get3A_1 = arith.constant 0 : index
    %get3A_2 = vector.load %arg3[%get3A, %get3A_0, %get3A_1] : memref<2x1024x128xf32, #tpu.memory_space<vmem>>, vector<1x1024x128xf32>
    %get3A_3 = vector.shape_cast %get3A_2 : vector<1x1024x128xf32> to vector<1024x128xf32>
    %slice3A = vector.extract_strided_slice %get3A_3 {offsets = [0, 0], sizes = [1024, 1], strides = [1, 1]} : vector<1024x128xf32> to vector<1024x1xf32>
    %get3A_4 = arith.constant 1 : index
    %get3A_5 = arith.constant 0 : index
    %get3A_6 = arith.constant 0 : index
    %get3A_7 = vector.load %arg3[%get3A_4, %get3A_5, %get3A_6] : memref<2x1024x128xf32, #tpu.memory_space<vmem>>, vector<1x1024x128xf32>
    %get3A_8 = vector.shape_cast %get3A_7 : vector<1x1024x128xf32> to vector<1024x128xf32>
    %slice3A_9 = vector.extract_strided_slice %get3A_8 {offsets = [0, 0], sizes = [1024, 1], strides = [1, 1]} : vector<1024x128xf32> to vector<1024x1xf32>
    %add3A = arith.addf %slice3A, %slice3A_9 : vector<1024x1xf32>
    %add3A_10 = arith.constant 1.000000e+00 : f32
    %add3A_11 = vector.broadcast %add3A_10 : f32 to vector<1024x1xf32>
    %add3A_12 = arith.addf %add3A, %add3A_11 : vector<1024x1xf32>
    %rsqrt3A = math.rsqrt %add3A_12 : vector<1024x1xf32>
    %get3A_13 = arith.constant 0 : index
    %get3A_14 = arith.constant 0 : index
    %get3A_15 = vector.load %arg1[%get3A_13, %get3A_14] : memref<1024x128xf32, #tpu.memory_space<vmem>>, vector<1024x128xf32>
    %get3A_16 = arith.constant 0 : index
    %get3A_17 = arith.constant 0 : index
    %get3A_18 = vector.load %arg2[%get3A_16, %get3A_17] : memref<128x128xf32, #tpu.memory_space<vmem>>, vector<128x128xf32>
    %dot_general3A = arith.constant dense<0.000000e+00> : vector<1024x128xf32>
    %dot_general3A_19 = tpu.matmul %get3A_15, %get3A_18, %dot_general3A {dimension_numbers = #tpu.dot_dimension_numbers<[1], [0], [0], [1], [0, 0, 1, 1], [], []>, transpose_lhs_hint = false} : vector<1024x128xf32>, vector<128x128xf32>, vector<1024x128xf32> -> vector<1024x128xf32>
    %mul3A = vector.broadcast %rsqrt3A : vector<1024x1xf32> to vector<1024x128xf32>
    %mul3A_20 = arith.mulf %mul3A, %dot_general3A_19 : vector<1024x128xf32>
    %swap3A = arith.constant 0 : index
    %swap3A_21 = arith.constant 0 : index
    %swap3A_22 = vector.load %arg4[%swap3A, %swap3A_21] : memref<1024x128xf32, #tpu.memory_space<vmem>>, vector<1024x128xf32>
    tpu.vector_store %arg4[%swap3A, %swap3A_21], %mul3A_20 {strides = array<i32>} : memref<1024x128xf32, #tpu.memory_space<vmem>>, vector<1024x128xf32>,
    %swap3A_23 = arith.constant 0 : index
    %swap3A_24 = arith.constant 0 : index
    %swap3A_25 = vector.load %arg5[%swap3A_23, %swap3A_24] : memref<1024x1xf32, #tpu.memory_space<vmem>>, vector<1024x1xf32>
    tpu.vector_store %arg5[%swap3A_23, %swap3A_24], %rsqrt3A {strides = array<i32>} : memref<1024x1xf32, #tpu.memory_space<vmem>>, vector<1024x1xf32>,
    return
  }
  func.func @transform_0(%arg0: i32) -> (i32, i32) {
    %c0_i32 = arith.constant 0 : i32
    %c0_i32_0 = arith.constant 0 : i32
    return %arg0, %c0_i32 : i32, i32
  }
  func.func @transform_1(%arg0: i32) -> (i32, i32) {
    %c0_i32 = arith.constant 0 : i32
    %c0_i32_0 = arith.constant 0 : i32
    %c0_i32_1 = arith.constant 0 : i32
    return %c0_i32, %c0_i32_0 : i32, i32
  }
  func.func @transform_2(%arg0: i32) -> (i32, i32, i32) {
    %c0_i32 = arith.constant 0 : i32
    %c0_i32_0 = arith.constant 0 : i32
    %c0_i32_1 = arith.constant 0 : i32
    return %c0_i32, %arg0, %c0_i32_0 : i32, i32, i32
  }
  func.func @transform_3(%arg0: i32) -> (i32, i32) {
    %c0_i32 = arith.constant 0 : i32
    %c0_i32_0 = arith.constant 0 : i32
    return %arg0, %c0_i32 : i32, i32
  }
  func.func @transform_4(%arg0: i32) -> (i32, i32) {
    %c0_i32 = arith.constant 0 : i32
    %c0_i32_0 = arith.constant 0 : i32
    return %arg0, %c0_i32 : i32, i32
  }
}

module attributes {stable_mosaic.version = 14 : i64} {
  func.func @_tc_mid_body(%arg0: i32, %arg1: memref<2x1024x128xf32, #tpu.memory_space<vmem>>, %arg2: memref<1024x128xf32, #tpu.memory_space<vmem>>, %arg3: memref<1024x1xf32, #tpu.memory_space<vmem>>, %arg4: memref<128x128xf32, #tpu.memory_space<vmem>>, %arg5: memref<1x128xf32, #tpu.memory_space<vmem>>, %arg6: memref<1024x128xf32, #tpu.memory_space<vmem>>) attributes {dimension_semantics = [#tpu.dimension_semantics<arbitrary>], iteration_bounds = array<i64: 10>, scalar_prefetch = 0 : i64, scratch_operands = 0 : i64, tpu.core_type = #tpu.core_type<tc>, window_params = [{transform_indices = @transform_0, window_bounds = array<i64: 2, 1024, 128>}, {transform_indices = @transform_1, window_bounds = array<i64: 1024, 128>}, {transform_indices = @transform_2, window_bounds = array<i64: 1024, 1>}, {pipeline_mode = #tpu.pipeline_mode<synchronous>, transform_indices = @transform_3, window_bounds = array<i64: 128, 128>}, {pipeline_mode = #tpu.pipeline_mode<synchronous>, transform_indices = @transform_4, window_bounds = array<i64: 1, 128>}, {transform_indices = @transform_5, window_bounds = array<i64: 1024, 128>}]} {
    %get3A = arith.constant 0 : index
    %get3A_0 = arith.constant 0 : index
    %get3A_1 = arith.constant 0 : index
    %get3A_2 = vector.load %arg1[%get3A, %get3A_0, %get3A_1] : memref<2x1024x128xf32, #tpu.memory_space<vmem>>, vector<1x1024x128xf32>
    %get3A_3 = vector.shape_cast %get3A_2 : vector<1x1024x128xf32> to vector<1024x128xf32>
    %get3A_4 = arith.constant 1 : index
    %get3A_5 = arith.constant 0 : index
    %get3A_6 = arith.constant 0 : index
    %get3A_7 = vector.load %arg1[%get3A_4, %get3A_5, %get3A_6] : memref<2x1024x128xf32, #tpu.memory_space<vmem>>, vector<1x1024x128xf32>
    %get3A_8 = vector.shape_cast %get3A_7 : vector<1x1024x128xf32> to vector<1024x128xf32>
    %add3A = arith.addf %get3A_3, %get3A_8 : vector<1024x128xf32>
    %get3A_9 = arith.constant 0 : index
    %get3A_10 = arith.constant 0 : index
    %get3A_11 = vector.load %arg2[%get3A_9, %get3A_10] : memref<1024x128xf32, #tpu.memory_space<vmem>>, vector<1024x128xf32>
    %add3A_12 = arith.addf %add3A, %get3A_11 : vector<1024x128xf32>
    %get3A_13 = arith.constant 0 : index
    %get3A_14 = arith.constant 0 : index
    %get3A_15 = vector.load %arg3[%get3A_13, %get3A_14] : memref<1024x1xf32, #tpu.memory_space<vmem>>, vector<1024x1xf32>
    %mul3A = vector.broadcast %get3A_15 : vector<1024x1xf32> to vector<1024x128xf32>
    %mul3A_16 = arith.mulf %mul3A, %add3A_12 : vector<1024x128xf32>
    %get3A_17 = arith.constant 0 : index
    %get3A_18 = arith.constant 0 : index
    %get3A_19 = vector.load %arg5[%get3A_17, %get3A_18] : memref<1x128xf32, #tpu.memory_space<vmem>>, vector<1x128xf32>
    %add3A_20 = vector.broadcast %get3A_19 : vector<1x128xf32> to vector<1024x128xf32>
    %add3A_21 = arith.addf %mul3A_16, %add3A_20 : vector<1024x128xf32>
    %max3A = arith.constant 0.000000e+00 : f32
    %max3A_22 = vector.broadcast %max3A : f32 to vector<1024x128xf32>
    %max3A_23 = arith.maximumf %add3A_21, %max3A_22 : vector<1024x128xf32>
    %get3A_24 = arith.constant 0 : index
    %get3A_25 = arith.constant 0 : index
    %get3A_26 = vector.load %arg4[%get3A_24, %get3A_25] : memref<128x128xf32, #tpu.memory_space<vmem>>, vector<128x128xf32>
    %dot_general3A = arith.constant dense<0.000000e+00> : vector<1024x128xf32>
    %dot_general3A_27 = tpu.matmul %max3A_23, %get3A_26, %dot_general3A {dimension_numbers = #tpu.dot_dimension_numbers<[1], [0], [0], [1], [0, 0, 1, 1], [], []>, transpose_lhs_hint = false} : vector<1024x128xf32>, vector<128x128xf32>, vector<1024x128xf32> -> vector<1024x128xf32>
    %mul3A_28 = vector.broadcast %get3A_15 : vector<1024x1xf32> to vector<1024x128xf32>
    %mul3A_29 = arith.mulf %mul3A_28, %dot_general3A_27 : vector<1024x128xf32>
    %swap3A = arith.constant 0 : index
    %swap3A_30 = arith.constant 0 : index
    %swap3A_31 = vector.load %arg6[%swap3A, %swap3A_30] : memref<1024x128xf32, #tpu.memory_space<vmem>>, vector<1024x128xf32>
    tpu.vector_store %arg6[%swap3A, %swap3A_30], %mul3A_29 {strides = array<i32>} : memref<1024x128xf32, #tpu.memory_space<vmem>>, vector<1024x128xf32>,
    return
  }
  func.func @transform_0(%arg0: i32) -> (i32, i32, i32) {
    %c0_i32 = arith.constant 0 : i32
    %c0_i32_0 = arith.constant 0 : i32
    %c0_i32_1 = arith.constant 0 : i32
    return %c0_i32, %arg0, %c0_i32_0 : i32, i32, i32
  }
  func.func @transform_1(%arg0: i32) -> (i32, i32) {
    %c0_i32 = arith.constant 0 : i32
    %c0_i32_0 = arith.constant 0 : i32
    return %arg0, %c0_i32 : i32, i32
  }
  func.func @transform_2(%arg0: i32) -> (i32, i32) {
    %c0_i32 = arith.constant 0 : i32
    %c0_i32_0 = arith.constant 0 : i32
    return %arg0, %c0_i32 : i32, i32
  }
  func.func @transform_3(%arg0: i32) -> (i32, i32) {
    %c0_i32 = arith.constant 0 : i32
    %c0_i32_0 = arith.constant 0 : i32
    %c0_i32_1 = arith.constant 0 : i32
    return %c0_i32, %c0_i32_0 : i32, i32
  }
  func.func @transform_4(%arg0: i32) -> (i32, i32) {
    %c0_i32 = arith.constant 0 : i32
    %c0_i32_0 = arith.constant 0 : i32
    %c0_i32_1 = arith.constant 0 : i32
    return %c0_i32, %c0_i32_0 : i32, i32
  }
  func.func @transform_5(%arg0: i32) -> (i32, i32) {
    %c0_i32 = arith.constant 0 : i32
    %c0_i32_0 = arith.constant 0 : i32
    return %arg0, %c0_i32 : i32, i32
  }
}

module attributes {stable_mosaic.version = 14 : i64} {
  func.func @_tc_out_body(%arg0: i32, %arg1: memref<2x1024x128xf32, #tpu.memory_space<vmem>>, %arg2: memref<1024x128xf32, #tpu.memory_space<vmem>>, %arg3: memref<1024x1xf32, #tpu.memory_space<vmem>>, %arg4: memref<1x128xf32, #tpu.memory_space<vmem>>, %arg5: memref<1024x128xf32, #tpu.memory_space<vmem>>) attributes {dimension_semantics = [#tpu.dimension_semantics<arbitrary>], iteration_bounds = array<i64: 10>, scalar_prefetch = 0 : i64, scratch_operands = 0 : i64, tpu.core_type = #tpu.core_type<tc>, window_params = [{transform_indices = @transform_0, window_bounds = array<i64: 2, 1024, 128>}, {transform_indices = @transform_1, window_bounds = array<i64: 1024, 128>}, {transform_indices = @transform_2, window_bounds = array<i64: 1024, 1>}, {pipeline_mode = #tpu.pipeline_mode<synchronous>, transform_indices = @transform_3, window_bounds = array<i64: 1, 128>}, {transform_indices = @transform_4, window_bounds = array<i64: 1024, 128>}]} {
    %get3A = arith.constant 0 : index
    %get3A_0 = arith.constant 0 : index
    %get3A_1 = arith.constant 0 : index
    %get3A_2 = vector.load %arg1[%get3A, %get3A_0, %get3A_1] : memref<2x1024x128xf32, #tpu.memory_space<vmem>>, vector<1x1024x128xf32>
    %get3A_3 = vector.shape_cast %get3A_2 : vector<1x1024x128xf32> to vector<1024x128xf32>
    %get3A_4 = arith.constant 1 : index
    %get3A_5 = arith.constant 0 : index
    %get3A_6 = arith.constant 0 : index
    %get3A_7 = vector.load %arg1[%get3A_4, %get3A_5, %get3A_6] : memref<2x1024x128xf32, #tpu.memory_space<vmem>>, vector<1x1024x128xf32>
    %get3A_8 = vector.shape_cast %get3A_7 : vector<1x1024x128xf32> to vector<1024x128xf32>
    %add3A = arith.addf %get3A_3, %get3A_8 : vector<1024x128xf32>
    %get3A_9 = arith.constant 0 : index
    %get3A_10 = arith.constant 0 : index
    %get3A_11 = vector.load %arg2[%get3A_9, %get3A_10] : memref<1024x128xf32, #tpu.memory_space<vmem>>, vector<1024x128xf32>
    %add3A_12 = arith.addf %add3A, %get3A_11 : vector<1024x128xf32>
    %get3A_13 = arith.constant 0 : index
    %get3A_14 = arith.constant 0 : index
    %get3A_15 = vector.load %arg3[%get3A_13, %get3A_14] : memref<1024x1xf32, #tpu.memory_space<vmem>>, vector<1024x1xf32>
    %mul3A = vector.broadcast %get3A_15 : vector<1024x1xf32> to vector<1024x128xf32>
    %mul3A_16 = arith.mulf %mul3A, %add3A_12 : vector<1024x128xf32>
    %get3A_17 = arith.constant 0 : index
    %get3A_18 = arith.constant 0 : index
    %get3A_19 = vector.load %arg4[%get3A_17, %get3A_18] : memref<1x128xf32, #tpu.memory_space<vmem>>, vector<1x128xf32>
    %add3A_20 = vector.broadcast %get3A_19 : vector<1x128xf32> to vector<1024x128xf32>
    %add3A_21 = arith.addf %mul3A_16, %add3A_20 : vector<1024x128xf32>
    %swap3A = arith.constant 0 : index
    %swap3A_22 = arith.constant 0 : index
    %swap3A_23 = vector.load %arg5[%swap3A, %swap3A_22] : memref<1024x128xf32, #tpu.memory_space<vmem>>, vector<1024x128xf32>
    tpu.vector_store %arg5[%swap3A, %swap3A_22], %add3A_21 {strides = array<i32>} : memref<1024x128xf32, #tpu.memory_space<vmem>>, vector<1024x128xf32>,
    return
  }
  func.func @transform_0(%arg0: i32) -> (i32, i32, i32) {
    %c0_i32 = arith.constant 0 : i32
    %c0_i32_0 = arith.constant 0 : i32
    %c0_i32_1 = arith.constant 0 : i32
    return %c0_i32, %arg0, %c0_i32_0 : i32, i32, i32
  }
  func.func @transform_1(%arg0: i32) -> (i32, i32) {
    %c0_i32 = arith.constant 0 : i32
    %c0_i32_0 = arith.constant 0 : i32
    return %arg0, %c0_i32 : i32, i32
  }
  func.func @transform_2(%arg0: i32) -> (i32, i32) {
    %c0_i32 = arith.constant 0 : i32
    %c0_i32_0 = arith.constant 0 : i32
    return %arg0, %c0_i32 : i32, i32
  }
  func.func @transform_3(%arg0: i32) -> (i32, i32) {
    %c0_i32 = arith.constant 0 : i32
    %c0_i32_0 = arith.constant 0 : i32
    %c0_i32_1 = arith.constant 0 : i32
    return %c0_i32, %c0_i32_0 : i32, i32
  }
  func.func @transform_4(%arg0: i32) -> (i32, i32) {
    %c0_i32 = arith.constant 0 : i32
    %c0_i32_0 = arith.constant 0 : i32
    return %arg0, %c0_i32 : i32, i32
  }
}

</mosaic_0001>

<sc_bundles>
// kernel: kernel.11.cloned.1.call-start
scs
__scs_entry_jumppad:
0x0: {  	(pc) =	sbr.rel $0x88, $3  }
0x1: {  	(tag) =	ssettag $0x0;
	lr =	simm.s32 $0x1  }
0x2: {  	[smem:$0x3F9B] =	sst lr;
	_ =	strace $0xD0000000  }
0x3: {  	_ = 	snop  }
0x4: {  	_ = 	snop  }
0x5: {  	_ = 	snop  }
0x6: {  	_ = 	snop  }
0x7: {  	_ = 	snop  }
__scs_overlays_trampoline_lowered:
0x8: {  	[smem:$0x3FAA] =	sst s0  }
0x9: {  	[smem:$0x3FAB] =	sst s1  }
0xa: {  	[smem:$0x3FAC] =	sst s2  }
0xb: {  	[smem:$0x3FAD] =	sst s3  }
0xc: {  	[smem:$0x3FAE] =	sst s4  }
0xd: {  	[smem:$0x3FAF] =	sst s5  }
0xe: {  	[smem:$0x3FB0] =	sst s6  }
0xf: {  	[smem:$0x3FB1] =	sst s7  }
0x10: {  	[smem:$0x3FB2] =	sst s8  }
0x11: {  	[smem:$0x3FB3] =	sst s9;
	s0 =	simm.s32 @!p0 $0x0  }
0x12: {  	s1 =	sld [smem:$0x3F99];
	s0 =	simm.s32 @p0 $0x1  }
0x13: {  	[smem:$0x3FB4] =	sst s0;
	s0 =	simm.s32 @!p1 $0x0  }
0x14: {  	s2 =	sld [smem:$0x3F98];
	s0 =	simm.s32 @p1 $0x1  }
0x15: {  	[smem:$0x3FB5] =	sst s0;
	s0 =	simm.s32 @!p2 $0x0  }
0x16: {  	s3 =	sld [smem:$0x3FDB];
	s0 =	simm.s32 @p2 $0x1  }
0x17: {  	s4 =	simm.s32 $0x1BF5;
	[smem:$0x3FB7] =	sst s0  }
0x18: {  	s0 =	sld [smem:$0x3F9A];
	_ =	swait.ge [sflag:s4], $0x0  }
0x19: {  	s7 =	sld [smem:$0x3F9B]  }
0x1a: {  	s8 =	sadd.s32 $0xFFFFE003, lr  }
0x1b: {  	s9 =	sadd.s32 $0xFFFFFEF7, lr;
	s5 =	simm.s32 $0xFFFFFFFF;
	p2 =	slt.u32 s8, $0xFFFFF086  }
0x1c: {  	p1 =	slt.u32 s9, $0xF7A;
	s5 =	simm.s32 @!p2 $0x0  }
0x1d: {  	s5 =	simm.s32 @p1 $0x1;
	p0 =	seq.s32 s7, s2  }
0x1e: {  	s7 =	smul.u32 @!p0 $0xF7A, s2;
	p2 =	seq.s32 @!p0 s5, $0x0  }
0x1f: {  	s9 =	smul.u32 $0xF7A, s1;
	s8 =	simm.s32 @!p0 $0x1BF5;
	p2 =	por !p2, p0  }
0x20: {  	[sflag:s8] =	ssyncset.s32 @!p0 $0xFFFFF086;
	s6 =	sadd.s32 @!p0 s3, s7;
	s7 =	simm.s32 @!p0 $0x108  }
0x21: {  	s3 =	sadd.s32 s3, s9;
	s6 =	sadd.s32 @!p0 $0x88, s6;
	s7 =	simm.s32 @p2 $0x1082  }
0x22: {  	[simem:s7], [sflag:s8] =	dma.local @!p0 [hbm:s6], $0xF7A  }
0x23: {  	s9 =	sor.u32 $0xD0000000, s2;
	s6 =	simm.s32 $0x108;
	_ =	swait.ge @!p0 [sflag:s8], $0x0  }
0x24: {  	s3 =	sadd.s32 $0x88, s3;
	s6 =	simm.s32 @!p1 $0x1082;
	[sflag:s4] =	ssyncset.s32 $0xFFFFF086  }
0x25: {  	[simem:s6], [sflag:s4] =	dma.local [hbm:s3], $0xF7A  }
0x26: {  	[smem:$0x3F9B] =	sst s1;
	(tag) =	ssettag s2;
	_ =	strace s9  }
0x27: {  	s1 =	sld [smem:$0x3FAB]  }
0x28: {  	s2 =	sld [smem:$0x3FAC]  }
0x29: {  	s4 =	sld [smem:$0x3FAE]  }
0x2a: {  	p0 =	seq.s32 s5, $0x0;
	s5 =	sld [smem:$0x3FAF]  }
0x2b: {  	s6 =	sld [smem:$0x3FB0]  }
0x2c: {  	s7 =	sld [smem:$0x3FB1]  }
0x2d: {  	s3 =	simm.s32 $0x108;
	s8 =	sld [smem:$0x3FB2]  }
0x2e: {  	s3 =	simm.s32 @!p0 $0x1082;
	s9 =	sld [smem:$0x3FB3]  }
0x2f: {  	lr =	sadd.s32 s0, s3;
	s0 =	sld [smem:$0x3FAA]  }
0x30: {  	s3 =	sld [smem:$0x3FAD]  }
0x31: {  	[smem:$0x3FB6] =	sst s10  }
0x32: {  	s10 =	sld [smem:$0x3FB4];
	_ =	sdelay $0x3  }
0x33: {  	p0 =	seq.s32 s10, $0x1;
	s10 =	sld [smem:$0x3FB6];
	_ =	sdelay $0x3  }
0x34: {  	[smem:$0x3FB6] =	sst s10  }
0x35: {  	s10 =	sld [smem:$0x3FB5];
	_ =	sdelay $0x3  }
0x36: {  	p1 =	seq.s32 s10, $0x1;
	s10 =	sld [smem:$0x3FB6];
	_ =	sdelay $0x3  }
0x37: {  	[smem:$0x3FB6] =	sst s10  }
0x38: {  	s10 =	sld [smem:$0x3FB7]  }
0x39: {  	_ = 	snop;
	(pc) =	sbr.ind lr, $3  }
0x3a: {  	_ = 	snop  }
0x3b: {  	_ = 	snop  }
0x3c: {  	p2 =	seq.s32 s10, $0x1;
	s10 =	sld [smem:$0x3FB6]  }
0x3d: {  	_ =	shalt  }
0x3e: {  	_ =	shalt  }
0x3f: {  	_ =	shalt  }
0x40: {  	_ =	shalt  }
0x41: {  	_ =	shalt  }
0x42: {  	_ =	shalt  }
0x43: {  	_ =	shalt  }
0x44: {  	_ =	shalt  }
0x45: {  	_ =	shalt  }
0x46: {  	_ =	shalt  }
0x47: {  	_ =	shalt  }
0x48: {  	_ =	shalt  }
0x49: {  	_ =	shalt  }
0x4a: {  	_ =	shalt  }
0x4b: {  	_ =	shalt  }
0x4c: {  	_ =	shalt  }
0x4d: {  	_ =	shalt  }
0x4e: {  	_ =	shalt  }
0x4f: {  	_ =	shalt  }
0x50: {  	_ =	shalt  }
0x51: {  	_ =	shalt  }
0x52: {  	_ =	shalt  }
0x53: {  	_ =	shalt  }
0x54: {  	_ =	shalt  }
0x55: {  	_ =	shalt  }
0x56: {  	_ =	shalt  }
0x57: {  	_ =	shalt  }
0x58: {  	_ =	shalt  }
0x59: {  	_ =	shalt  }
0x5a: {  	_ =	shalt  }
0x5b: {  	_ =	shalt  }
0x5c: {  	_ =	shalt  }
0x5d: {  	_ =	shalt  }
0x5e: {  	_ =	shalt  }
0x5f: {  	_ =	shalt  }
0x60: {  	_ =	shalt  }
0x61: {  	_ =	shalt  }
0x62: {  	_ =	shalt  }
0x63: {  	_ =	shalt  }
0x64: {  	_ =	shalt  }
0x65: {  	_ =	shalt  }
0x66: {  	_ =	shalt  }
0x67: {  	_ =	shalt  }
0x68: {  	_ =	shalt  }
0x69: {  	_ =	shalt  }
0x6a: {  	_ =	shalt  }
0x6b: {  	_ =	shalt  }
0x6c: {  	_ =	shalt  }
0x6d: {  	_ =	shalt  }
0x6e: {  	_ =	shalt  }
0x6f: {  	_ =	shalt  }
0x70: {  	_ =	shalt  }
0x71: {  	_ =	shalt  }
0x72: {  	_ =	shalt  }
0x73: {  	_ =	shalt  }
0x74: {  	_ =	shalt  }
0x75: {  	_ =	shalt  }
0x76: {  	_ =	shalt  }
0x77: {  	_ =	shalt  }
0x78: {  	_ =	shalt  }
0x79: {  	_ =	shalt  }
0x7a: {  	_ =	shalt  }
0x7b: {  	_ =	shalt  }
0x7c: {  	_ =	shalt  }
0x7d: {  	_ =	shalt  }
0x7e: {  	_ =	shalt  }
0x7f: {  	_ =	shalt  }
0x80: {  	_ =	shalt  }
0x81: {  	_ =	shalt  }
0x82: {  	_ =	shalt  }
0x83: {  	_ =	shalt  }
0x84: {  	_ =	shalt  }
0x85: {  	_ =	shalt  }
0x86: {  	_ =	shalt  }
0x87: {  	_ =	shalt  }
.Lfunc_end0:
.L_simem_size_0:
called_computation.1_lowered:
.L_overlay_start_0:
0x88: {  	s2 =	sld [smem:$0x3FD9]  }
0x89: {  	s3 =	sld [smem:$0x3FFE];
	_ =	sdelay $0x1  }
0x8a: {  	s1 =	srdreg.scid  }
0x8b: {  	s0 =	sand.u32 $0x1, s1  }
0x8c: {  	s17 =	sshll.u32 s0, $0xA;
	s2 =	sadd.s32 s3, s2  }
0x8d: {  	s2 =	sadd.s32 s2, s17  }
0x8e: {  	[smem:$0x3FC2] =	sst s2  }
0x8f: {  	_ = 	snop  }
0x90: {  	s2 =	sld [smem:$0x3FD0];
	(tm) =	ssettm $0x1  }
0x91: {  	s18 =	sld [smem:$0x3FFB];
	_ =	sdelay $0x3  }
0x92: {  	_ =	strace s18  }
0x93: {  	s3 =	sld [smem:$0x3FFC];
	_ =	sdelay $0x3  }
0x94: {  	_ =	strace s3  }
0x95: {  	s3 =	sld [smem:$0x3FFD];
	_ =	sdelay $0x3  }
0x96: {  	_ =	strace s3  }
0x97: {  	_ =	strace $0x8FFFFFFF  }
0x98: {  	s19 =	sld [smem:$0x3FDB];
	_ =	sdelay $0x1  }
0x99: {  	s4 =	simm.s32 $_scs_section_size  }
0x9a: {  	s5 =	simm.s32 $_size__tile_overlayer_lowered;
	s6 =	simm.s32 $_tile_overlayer_lowered  }
0x9b: {  	s22 =	simm.s32 $0x1BFF;
	s21 =	sshll.u32 s6, $0x1;
	s3 =	sadd.s32 s4, s19  }
0x9c: {  	s7 =	simm.s32 $0x0;
	s20 =	sshll.u32 s5, $0x1;
	s5 =	sadd.s32 s21, s3  }
0x9d: {  	[timem:s7], [sflag:s22] =	dma.local [hbm:s5], s20  }
0x9e: {  	_ =	swait.ge [sflag:s22], s20  }
0x9f: {  	s4 =	ssub.s32 $0x0, s20;
	[sflag:s22] =	ssyncset.done $0x0  }
0xa0: {  	[sflag:s22] =	ssyncadd.s32 s4;
	_ =	sdelay $0x1  }
0xa1: {  	s23 =	simm.s32 $0x1B8B  }
0xa2: {  	_ =	swait.ge [sflag:s23], $0x1  }
0xa3: {  	[sflag:s23] =	ssyncset.done $0x0  }
0xa4: {  	s25 =	simm.s32 $0x1B8E;
	s24 =	sld [smem:$0x3FFE];
	[sflag:s23] =	ssyncadd.s32 $0xFFFFFFFF  }
0xa5: {  	s26 =	simm.s32 $execute0_lowered;
	[smem:$0x3FD2] =	sst s25  }
0xa6: {  	s5 =	sshll.u32 s26, $0x1;
	_ =	strace $0x80000049;
	[dreg:$0x1] =	wrdreg $0xFFFFFFFF  }
0xa7: {  	s28 =	simm.s32 $_size_execute0_lowered;
	s3 =	sadd.s32 s3, s5;
	[dreg:$0x0] =	wrdreg $0x0  }
0xa8: {  	s5 =	sshll.u32 s28, $0x1;
	[dreg:$0x2] =	wrdreg s3  }
0xa9: {  	[dreg:$0x3] =	wrdreg s5  }
0xaa: {  	[dreg:$0x4] =	wrdreg $0xC0  }
0xab: {  	_ =	task [dreg:s7], $0x5FFFF  }
0xac: {  	[dreg:$0x1] =	wrdreg $0xFFFFFFFF  }
0xad: {  	[dreg:$0x0] =	wrdreg $0x60  }
0xae: {  	[dreg:$0x2] =	wrdreg s24  }
0xaf: {  	[dreg:$0x3] =	wrdreg s2  }
0xb0: {  	[dreg:$0x4] =	wrdreg $0xA8000  }
0xb1: {  	[dreg:$0x5] =	wrdreg $0x9  }
0xb2: {  	_ =	task.clear_ibuf [dreg:s7], $0x6FFFF;
	_ =	strace $0x90000049  }
0xb3: {  	s29 =	simm.s32 $0x9;
	_ =	strace $0x8000004B  }
0xb4: {  	_ =	swait.ge [sflag:s29], $0x1  }
0xb5: {  	[sflag:s29] =	ssyncadd.s32 $0xFFFFFFFF  }
0xb6: {  	_ =	strace $0x9000004B  }
0xb7: {  	_ =	sfence  }
0xb8: {  	s30 =	sld [smem:$0x0];
	_ =	sdelay $0x2  }
0xb9: {  	s31 =	sshll.u32 s1, $0xD;
	s1 =	sshrl.u32 s1, $0x2  }
0xba: {  	s3 =	sand.u32 $0x4000, s31;
	s1 =	sadd.s32 s1, s30  }
0xbb: {  	s0 =	sor.u32 s3, s0;
	s1 =	sshll.u32 s1, $0x11  }
0xbc: {  	s0 =	sor.u32 s1, s0  }
0xbd: {  	s0 =	sadd.s32 $0x8F2B, s0  }
0xbe: {  	[sflag:s0] =	ssyncadd.remote.s32 $0x1  }
0xbf: {  	_ =	sfence.sel $0xFFFF  }
0xc0: {  	[dreg:$0x0] =	wrdreg $0xFFFFFFFF;
	(pc) =	sbr.abs _section_cstart, $3  }
0xc1: {  	[dreg:$0x1] =	wrdreg $0xFFFFFFFF  }
0xc2: {  	_ =	task.clear_ibuf [dreg:s7], $0x2FFFF;
	_ =	strace $0x9FFFFFFF  }
0xc3: {  	(tm) =	ssettm $0x7FFFFFFF  }
tec
execute0_lowered:
.L_overlay_start_1:
0x0: {  	(tag) =	ssettag $0x1  }
0x1: {  	s6 =	rddreg [dreg:$0x0]  }
0x2: {  	s10 =	rddreg [dreg:$0x1]  }
0x3: {  	s1 =	rddreg [dreg:$0x2]  }
0x4: {  	s2 =	srdreg.scid;
	s0 =	rddreg [dreg:$0x3];
	s3 =	simm.s32 $0x0  }
0x5: {  	s15 =	simm.s32 $0x1400;
	s16 =	simm.s32 $0x80;
	s17 =	simm.s32 $0x6800  }
0x6: {  	s18 =	simm.s32 $0x1;
	s19 =	simm.s32 $0x2;
	s20 =	simm.s32 $0x2700  }
0x7: {  	s21 =	simm.s32 $0x2780;
	s5 =	sand.u32 $0x1, s2;
	s2 =	stileid.u32  }
0x8: {  	[smem:$0x7FF] =	sst s3;
	s4 =	sshll.u32 s5, $0x4;
	s8 =	smul.u32 $0x50000, s2  }
0x9: {  	_ =	strace $0x8000004A;
	s29 =	smul.u32 $0x28000, s5;
	s9 =	ssub.s32 $0x2, s5  }
0xa: {  	s23 =	smul.u32 $0x2800, s2;
	s7 =	sor.u32 s2, s4;
	s4 =	sadd.s32 $0xC600, s6  }
0xb: {  	s31 =	sshrl.u32 s9, $0x1;
	s11 =	smul.u32 $0x500, s7;
	s30 =	sshrl.u32 s8, $0x2  }
0xc: {  	s13 =	sadd.s32 s29, s6;
	s14 =	ssub.s32 s9, s31;
	s5 =	sadd.s32 s30, s1  }
0xd: {  	s22 =	sadd.s32 $0x34600, s13;
	s13 =	simm.s32 $0x2800;
	s12 =	sadd.s32 s11, s6  }
0xe: {  	s6 =	sadd.s32 $0x4000, s5;
	s7 =	sadd.s32 $0x8000, s5;
	s8 =	sadd.s32 $0xC000, s5  }
0xf: {  	s9 =	sadd.s32 $0x10000, s5;
	s10 =	sadd.s32 s10, s11;
	s22 =	sadd.s32 s23, s22  }
0x10: {  	v0 =	vimm.f32 $0.0e+00;
	s11 =	sadd.s32 $0x2600, s12;
	s12 =	smax.u32 s14, $0x1;
	s14 =	simm.s32 $0x3  }
.LBB2_1:
0x11: {  	s23 =	simm.s32 $0x0;
	s24 =	simm.s32 $0x200  }
.LBB2_2:
0x12: {  	p0 =	sne.s32 s24, $0xFE00;
	[tilespmem:s23+$0x2870] =	vst v0  }
0x13: {  	[tilespmem:s23+$0x2800] =	vst v0  }
0x14: {  	[tilespmem:s23+$0x2810] =	vst v0  }
.Ltmp0:
0x15: {  	[tilespmem:s23+$0x2820] =	vst v0;
	(pc) =	sbr.rel @p0 .LBB2_2-.Ltmp0, $4  }
0x16: {  	[tilespmem:s23+$0x2830] =	vst v0  }
0x17: {  	[tilespmem:s23+$0x2840] =	vst v0  }
0x18: {  	[tilespmem:s23+$0x2850] =	vst v0  }
0x19: {  	[tilespmem:s23+$0x2860] =	vst v0;
	s23 =	sshra.s32 s24, $0x2;
	s24 =	sadd.s32 $0x200, s24  }
0x1a: {  	[tilespmem:s23+$0x2870] =	vst v0  }
0x1b: {  	[tilespmem:s23+$0x2800] =	vst v0  }
0x1c: {  	[tilespmem:s23+$0x2810] =	vst v0  }
0x1d: {  	[tilespmem:s23+$0x2820] =	vst v0  }
0x1e: {  	[tilespmem:s23+$0x2830] =	vst v0  }
0x1f: {  	[tilespmem:s23+$0x2840] =	vst v0  }
0x20: {  	[tilespmem:s23+$0x2850] =	vst v0  }
0x21: {  	[tilespmem:s23+$0x2860] =	vst v0  }
0x22: {  	[spmem:s5] =	stream.linear.scatter [tilespmem:s13], [sflag:$0x3], $0x4000, $0x38;
	[tilespmem:$0x1E800] =	vst v63  }
0x23: {  	_ =	swait.ge [sflag:s14], $0x4000  }
0x24: {  	[sflag:s14] =	ssyncset.done $0x0  }
0x25: {  	[sflag:s14] =	ssyncadd.s32 $0xFFFFC000  }
0x26: {  	[spmem:s6] =	stream.linear.scatter [tilespmem:s13], [sflag:$0x3], $0x4000, $0x38;
	[tilespmem:$0x1E800] =	vst v63  }
0x27: {  	_ =	swait.ge [sflag:s14], $0x4000  }
0x28: {  	[sflag:s14] =	ssyncset.done $0x0  }
0x29: {  	[sflag:s14] =	ssyncadd.s32 $0xFFFFC000  }
0x2a: {  	[spmem:s7] =	stream.linear.scatter [tilespmem:s13], [sflag:$0x3], $0x4000, $0x38;
	[tilespmem:$0x1E800] =	vst v63  }
0x2b: {  	_ =	swait.ge [sflag:s14], $0x4000  }
0x2c: {  	[sflag:s14] =	ssyncset.done $0x0  }
0x2d: {  	[sflag:s14] =	ssyncadd.s32 $0xFFFFC000  }
0x2e: {  	[spmem:s8] =	stream.linear.scatter [tilespmem:s13], [sflag:$0x3], $0x4000, $0x38;
	[tilespmem:$0x1E800] =	vst v63  }
0x2f: {  	_ =	swait.ge [sflag:s14], $0x4000  }
0x30: {  	[sflag:s14] =	ssyncset.done $0x0  }
0x31: {  	[sflag:s14] =	ssyncadd.s32 $0xFFFFC000  }
0x32: {  	[spmem:s9] =	stream.linear.scatter [tilespmem:s13], [sflag:$0x3], $0x4000, $0x38;
	[tilespmem:$0x1E800] =	vst v63  }
0x33: {  	_ =	swait.ge [sflag:s14], $0x4000  }
0x34: {  	[sflag:s14] =	ssyncset.done $0x0  }
0x35: {  	[sflag:s14] =	ssyncadd.s32 $0xFFFFC000  }
0x36: {  	s28 =	simm.s32 $0x0;
	[bflag:$0x0] =	sbarrier.arrive $0xFFFF  }
0x37: {  	[tilespmem:s28], [sflag:$0x3] =	stream.linear.gather [hbm4b:s10+s28], $0x1400, $0x38;
	[tilespmem:$0x1E800] =	vst v63  }
0x38: {  	_ =	swait.ge [sflag:s14], $0x1400  }
0x39: {  	[sflag:s14] =	ssyncset.done $0x0  }
0x3a: {  	[sflag:s14] =	ssyncadd.s32 $0xFFFFEC00  }
0x3b: {  	[tilespmem:s15], [sflag:$0x3] =	stream.linear.gather [hbm4b:s11+s28], $0x1400, $0x38;
	[tilespmem:$0x1E800] =	vst v63  }
0x3c: {  	_ =	swait.ge [sflag:s14], $0x1400  }
0x3d: {  	[sflag:s14] =	ssyncset.done $0x0  }
0x3e: {  	[sflag:s14] =	ssyncadd.s32 $0xFFFFEC00  }
0x3f: {  	[tilespmem:s13], [sflag:$0x1] =	stream.indirect.gather [hbm4b:s4+s16], $0x80, s28, s16, $0xb8;
	[tilespmem:$0x1E800] =	vst v63  }
0x40: {  	_ = 	snop  }
0x41: {  	[tilespmem:s17], [sflag:$0x2] =	stream.indirect.gather [hbm4b:s4+s16], $0x80, s16, s16, $0xb8;
	[tilespmem:$0x1E800] =	vst v63  }
0x42: {  	_ =	swait.ge [sflag:s18], $0x4000  }
0x43: {  	[sflag:s18] =	ssyncset.done $0x0  }
0x44: {  	s29 =	simm.s32 $0x1400;
	[sflag:s18] =	ssyncadd.s32 $0xFFFFC000  }
0x45: {  	[spmem:s1] =	stream.indirect.scatter.add.f32 [tilespmem:s13], [sflag:$0x3], $0x80, s29, s16, $0xb8;
	[tilespmem:$0x1E800] =	vst v63  }
0x46: {  	_ =	swait.ge [sflag:s14], $0x4000  }
0x47: {  	[sflag:s14] =	ssyncset.done $0x0  }
0x48: {  	s30 =	simm.s32 $0x100;
	[sflag:s14] =	ssyncadd.s32 $0xFFFFC000  }
0x49: {  	[tilespmem:s13], [sflag:$0x1] =	stream.indirect.gather [hbm4b:s4+s16], $0x80, s30, s16, $0xb8;
	[tilespmem:$0x1E800] =	vst v63  }
0x4a: {  	_ =	swait.ge [sflag:s19], $0x4000  }
0x4b: {  	[sflag:s19] =	ssyncset.done $0x0  }
0x4c: {  	s31 =	simm.s32 $0x1480;
	[sflag:s19] =	ssyncadd.s32 $0xFFFFC000  }
0x4d: {  	[spmem:s1] =	stream.indirect.scatter.add.f32 [tilespmem:s17], [sflag:$0x3], $0x80, s31, s16, $0xb8;
	[tilespmem:$0x1E800] =	vst v63  }
0x4e: {  	_ =	swait.ge [sflag:s14], $0x4000  }
0x4f: {  	[sflag:s14] =	ssyncset.done $0x0  }
0x50: {  	s23 =	simm.s32 $0x400;
	s24 =	simm.s32 $0x180;
	[sflag:s14] =	ssyncadd.s32 $0xFFFFC000  }
.LBB2_4:
0x51: {  	[tilespmem:s17], [sflag:$0x2] =	stream.indirect.gather [hbm4b:s4+s16], $0x80, s24, s16, $0xb8;
	[tilespmem:$0x1E800] =	vst v63  }
0x52: {  	s24 =	smov.u32 s23  }
0x53: {  	p0 =	sne.s32 s23, $0x4800;
	s23 =	sadd.s32 $0x400, s23;
	_ =	swait.ge [sflag:s18], $0x4000  }
0x54: {  	s24 =	sshra.s32 s24, $0x2;
	[sflag:s18] =	ssyncset.done $0x0  }
0x55: {  	s25 =	sadd.s32 $0x1400, s24;
	[sflag:s18] =	ssyncadd.s32 $0xFFFFC000  }
0x56: {  	[spmem:s1] =	stream.indirect.scatter.add.f32 [tilespmem:s13], [sflag:$0x3], $0x80, s25, s16, $0xb8;
	[tilespmem:$0x1E800] =	vst v63  }
0x57: {  	_ =	swait.ge [sflag:s14], $0x4000  }
0x58: {  	[sflag:s14] =	ssyncset.done $0x0  }
0x59: {  	s25 =	sadd.s32 $0x100, s24;
	[sflag:s14] =	ssyncadd.s32 $0xFFFFC000  }
0x5a: {  	[tilespmem:s13], [sflag:$0x1] =	stream.indirect.gather [hbm4b:s4+s16], $0x80, s25, s16, $0xb8;
	[tilespmem:$0x1E800] =	vst v63  }
0x5b: {  	_ =	swait.ge [sflag:s19], $0x4000  }
0x5c: {  	[sflag:s19] =	ssyncset.done $0x0  }
.Ltmp1:
0x5d: {  	s25 =	sadd.s32 $0x1480, s24;
	[sflag:s19] =	ssyncadd.s32 $0xFFFFC000;
	(pc) =	sbr.rel @p0 .LBB2_4-.Ltmp1, $4  }
0x5e: {  	[spmem:s1] =	stream.indirect.scatter.add.f32 [tilespmem:s17], [sflag:$0x3], $0x80, s25, s16, $0xb8;
	[tilespmem:$0x1E800] =	vst v63  }
0x5f: {  	_ =	swait.ge [sflag:s14], $0x4000  }
0x60: {  	[sflag:s14] =	ssyncset.done $0x0  }
0x61: {  	s24 =	sadd.s32 $0x180, s24;
	[sflag:s14] =	ssyncadd.s32 $0xFFFFC000  }
0x62: {  	[tilespmem:s17], [sflag:$0x2] =	stream.indirect.gather [hbm4b:s4+s16], $0x80, s24, s16, $0xb8;
	[tilespmem:$0x1E800] =	vst v63  }
0x63: {  	_ =	swait.ge [sflag:s18], $0x4000  }
0x64: {  	[sflag:s18] =	ssyncset.done $0x0  }
0x65: {  	[sflag:s18] =	ssyncadd.s32 $0xFFFFC000  }
0x66: {  	[spmem:s1] =	stream.indirect.scatter.add.f32 [tilespmem:s13], [sflag:$0x3], $0x80, s20, s16, $0xb8;
	[tilespmem:$0x1E800] =	vst v63  }
0x67: {  	_ =	swait.ge [sflag:s14], $0x4000  }
0x68: {  	[sflag:s14] =	ssyncset.done $0x0  }
0x69: {  	[sflag:s14] =	ssyncadd.s32 $0xFFFFC000  }
0x6a: {  	_ =	swait.ge [sflag:s19], $0x4000  }
0x6b: {  	[sflag:s19] =	ssyncset.done $0x0  }
0x6c: {  	[sflag:s19] =	ssyncadd.s32 $0xFFFFC000  }
0x6d: {  	[spmem:s1] =	stream.indirect.scatter.add.f32 [tilespmem:s17], [sflag:$0x3], $0x80, s21, s16, $0xb8;
	[tilespmem:$0x1E800] =	vst v63  }
0x6e: {  	_ =	swait.ge [sflag:s14], $0x4000  }
0x6f: {  	[sflag:s14] =	ssyncset.done $0x0  }
0x70: {  	s23 =	sadd.s32 $0x280, s10;
	s26 =	simm.s32 $0x0;
	[sflag:s14] =	ssyncadd.s32 $0xFFFFC000  }
0x71: {  	[tilespmem:s26], [sflag:$0x3] =	stream.linear.gather [hbm4b:s23+s26], $0x1400, $0x38;
	[tilespmem:$0x1E800] =	vst v63  }
0x72: {  	_ =	swait.ge [sflag:s14], $0x1400  }
0x73: {  	[sflag:s14] =	ssyncset.done $0x0  }
0x74: {  	s28 =	sadd.s32 $0x280, s11;
	[sflag:s14] =	ssyncadd.s32 $0xFFFFEC00  }
0x75: {  	[tilespmem:s15], [sflag:$0x3] =	stream.linear.gather [hbm4b:s28+s26], $0x1400, $0x38;
	[tilespmem:$0x1E800] =	vst v63  }
0x76: {  	_ =	swait.ge [sflag:s14], $0x1400  }
0x77: {  	[sflag:s14] =	ssyncset.done $0x0  }
0x78: {  	[sflag:s14] =	ssyncadd.s32 $0xFFFFEC00  }
0x79: {  	[tilespmem:s13], [sflag:$0x1] =	stream.indirect.gather [hbm4b:s4+s16], $0x80, s26, s16, $0xb8;
	[tilespmem:$0x1E800] =	vst v63  }
0x7a: {  	_ = 	snop  }
0x7b: {  	[tilespmem:s17], [sflag:$0x2] =	stream.indirect.gather [hbm4b:s4+s16], $0x80, s16, s16, $0xb8;
	[tilespmem:$0x1E800] =	vst v63  }
0x7c: {  	_ =	swait.ge [sflag:s18], $0x4000  }
0x7d: {  	[sflag:s18] =	ssyncset.done $0x0  }
0x7e: {  	s29 =	simm.s32 $0x1400;
	[sflag:s18] =	ssyncadd.s32 $0xFFFFC000  }
0x7f: {  	[spmem:s1] =	stream.indirect.scatter.add.f32 [tilespmem:s13], [sflag:$0x3], $0x80, s29, s16, $0xb8;
	[tilespmem:$0x1E800] =	vst v63  }
0x80: {  	_ =	swait.ge [sflag:s14], $0x4000  }
0x81: {  	[sflag:s14] =	ssyncset.done $0x0  }
0x82: {  	s30 =	simm.s32 $0x100;
	[sflag:s14] =	ssyncadd.s32 $0xFFFFC000  }
0x83: {  	[tilespmem:s13], [sflag:$0x1] =	stream.indirect.gather [hbm4b:s4+s16], $0x80, s30, s16, $0xb8;
	[tilespmem:$0x1E800] =	vst v63  }
0x84: {  	_ =	swait.ge [sflag:s19], $0x4000  }
0x85: {  	[sflag:s19] =	ssyncset.done $0x0  }
0x86: {  	s31 =	simm.s32 $0x1480;
	[sflag:s19] =	ssyncadd.s32 $0xFFFFC000  }
0x87: {  	[spmem:s1] =	stream.indirect.scatter.add.f32 [tilespmem:s17], [sflag:$0x3], $0x80, s31, s16, $0xb8;
	[tilespmem:$0x1E800] =	vst v63  }
0x88: {  	_ =	swait.ge [sflag:s14], $0x4000  }
0x89: {  	[sflag:s14] =	ssyncset.done $0x0  }
0x8a: {  	s24 =	simm.s32 $0x180;
	s23 =	simm.s32 $0x400;
	[sflag:s14] =	ssyncadd.s32 $0xFFFFC000  }
.LBB2_6:
0x8b: {  	[tilespmem:s17], [sflag:$0x2] =	stream.indirect.gather [hbm4b:s4+s16], $0x80, s24, s16, $0xb8;
	[tilespmem:$0x1E800] =	vst v63  }
0x8c: {  	s24 =	smov.u32 s23  }
0x8d: {  	p0 =	sne.s32 s23, $0x4800;
	s23 =	sadd.s32 $0x400, s23;
	_ =	swait.ge [sflag:s18], $0x4000  }
0x8e: {  	s24 =	sshra.s32 s24, $0x2;
	[sflag:s18] =	ssyncset.done $0x0  }
0x8f: {  	s25 =	sadd.s32 $0x1400, s24;
	[sflag:s18] =	ssyncadd.s32 $0xFFFFC000  }
0x90: {  	[spmem:s1] =	stream.indirect.scatter.add.f32 [tilespmem:s13], [sflag:$0x3], $0x80, s25, s16, $0xb8;
	[tilespmem:$0x1E800] =	vst v63  }
0x91: {  	_ =	swait.ge [sflag:s14], $0x4000  }
0x92: {  	[sflag:s14] =	ssyncset.done $0x0  }
0x93: {  	s25 =	sadd.s32 $0x100, s24;
	[sflag:s14] =	ssyncadd.s32 $0xFFFFC000  }
0x94: {  	[tilespmem:s13], [sflag:$0x1] =	stream.indirect.gather [hbm4b:s4+s16], $0x80, s25, s16, $0xb8;
	[tilespmem:$0x1E800] =	vst v63  }
0x95: {  	_ =	swait.ge [sflag:s19], $0x4000  }
0x96: {  	[sflag:s19] =	ssyncset.done $0x0  }
.Ltmp2:
0x97: {  	s25 =	sadd.s32 $0x1480, s24;
	[sflag:s19] =	ssyncadd.s32 $0xFFFFC000;
	(pc) =	sbr.rel @p0 .LBB2_6-.Ltmp2, $4  }
0x98: {  	[spmem:s1] =	stream.indirect.scatter.add.f32 [tilespmem:s17], [sflag:$0x3], $0x80, s25, s16, $0xb8;
	[tilespmem:$0x1E800] =	vst v63  }
0x99: {  	_ =	swait.ge [sflag:s14], $0x4000  }
0x9a: {  	[sflag:s14] =	ssyncset.done $0x0  }
0x9b: {  	s24 =	sadd.s32 $0x180, s24;
	[sflag:s14] =	ssyncadd.s32 $0xFFFFC000  }
0x9c: {  	[tilespmem:s17], [sflag:$0x2] =	stream.indirect.gather [hbm4b:s4+s16], $0x80, s24, s16, $0xb8;
	[tilespmem:$0x1E800] =	vst v63  }
0x9d: {  	_ =	swait.ge [sflag:s18], $0x4000  }
0x9e: {  	[sflag:s18] =	ssyncset.done $0x0  }
0x9f: {  	[sflag:s18] =	ssyncadd.s32 $0xFFFFC000  }
0xa0: {  	[spmem:s1] =	stream.indirect.scatter.add.f32 [tilespmem:s13], [sflag:$0x3], $0x80, s20, s16, $0xb8;
	[tilespmem:$0x1E800] =	vst v63  }
0xa1: {  	_ =	swait.ge [sflag:s14], $0x4000  }
0xa2: {  	[sflag:s14] =	ssyncset.done $0x0  }
0xa3: {  	[sflag:s14] =	ssyncadd.s32 $0xFFFFC000  }
0xa4: {  	_ =	swait.ge [sflag:s19], $0x4000  }
0xa5: {  	[sflag:s19] =	ssyncset.done $0x0  }
0xa6: {  	[sflag:s19] =	ssyncadd.s32 $0xFFFFC000  }
0xa7: {  	[spmem:s1] =	stream.indirect.scatter.add.f32 [tilespmem:s17], [sflag:$0x3], $0x80, s21, s16, $0xb8;
	[tilespmem:$0x1E800] =	vst v63  }
0xa8: {  	_ =	swait.ge [sflag:s14], $0x4000  }
0xa9: {  	s23 =	sshll.u32 s2, $0x6;
	s3 =	sadd.s32 $0x1, s3;
	[sflag:s14] =	ssyncset.done $0x0  }
0xaa: {  	s31 =	sshrl.u32 s5, $0x3;
	p0 =	sne.s32 s3, s12;
	[sflag:s14] =	ssyncadd.s32 $0xFFFFC000  }
.Ltmp3:
0xab: {  	s23 =	sor.u32 $0x1C03, s23;
	[bflag:$0x0] =	sbarrier.arrive $0xFFFF;
	(pc) =	sbr.rel @p0 .LBB2_1-.Ltmp3, $4  }
0xac: {  	[hbm:s22], [sflag:s23] =	dma.local [spmem:s31], $0x2800  }
0xad: {  	_ =	swait.ge [sflag:s14], $0x2800  }
0xae: {  	[sflag:s14] =	ssyncset.done $0x0  }
0xaf: {  	[sflag:s14] =	ssyncadd.s32 $0xFFFFD800  }
0xb0: {  	_ =	sfence.sel $0x180000  }
0xb1: {  	[bflag:$0x0] =	sbarrier.arrive $0xFFFF  }
0xb2: {  	p0 =	sne.s32 s2, $0x0;
	_ =	strace $0x9000004A  }
0xb3: {  	s0 =	sadd.s32 @!p0 $0x100000, s0;
	[bflag:$0x2] =	sbarrier.arrive $0xFFFF  }
0xb4: {  	[sflag:s0] =	ssyncadd.tile.s32 @!p0 $0x1;
	_ =	shalt  }
.Lfunc_end2:
_tile_overlayer_lowered:
.L_overlay_start_2:
0xb5: {  	(tag) =	ssettag $0x2  }
0xb6: {  	s0 =	rddreg [dreg:$0x0];
	s2 =	stileid.u32  }
0xb7: {  	s1 =	rddreg [dreg:$0x1];
	p0 =	sne.s32 s2, $0x0  }
0xb8: {  	s3 =	rddreg [dreg:$0x2];
	[bflag:$0x3] =	sbarrier.arrive $0xFFFF;
	s2 =	simm.s32 @!p0 $0x1C03  }
0xb9: {  	[timem:s3], [sflag:s2] =	dma.local @!p0 [hbm:s0], s1  }
0xba: {  	s0 =	simm.s32 @!p0 $0x3  }
0xbb: {  	_ =	swait.ge @!p0 [sflag:s0], s1  }
0xbc: {  	s1 =	ssub.s32 @!p0 $0x0, s1;
	[sflag:s0] =	ssyncset.done @!p0 $0x0  }
0xbd: {  	[sflag:s0] =	ssyncadd.s32 @!p0 s1  }
0xbe: {  	[bflag:$0x3] =	sbarrier.arrive $0xFFFF  }
0xbf: {  	_ =	shalt  }

// kernel: kernel.14.cloned.1.call-start
scs
__scs_entry_jumppad:
0x0: {  	(pc) =	sbr.rel $0x88, $3  }
0x1: {  	(tag) =	ssettag $0x0;
	lr =	simm.s32 $0x1  }
0x2: {  	[smem:$0x3F9B] =	sst lr;
	_ =	strace $0xD0000000  }
0x3: {  	_ = 	snop  }
0x4: {  	_ = 	snop  }
0x5: {  	_ = 	snop  }
0x6: {  	_ = 	snop  }
0x7: {  	_ = 	snop  }
__scs_overlays_trampoline_lowered:
0x8: {  	[smem:$0x3FAA] =	sst s0  }
0x9: {  	[smem:$0x3FAB] =	sst s1  }
0xa: {  	[smem:$0x3FAC] =	sst s2  }
0xb: {  	[smem:$0x3FAD] =	sst s3  }
0xc: {  	[smem:$0x3FAE] =	sst s4  }
0xd: {  	[smem:$0x3FAF] =	sst s5  }
0xe: {  	[smem:$0x3FB0] =	sst s6  }
0xf: {  	[smem:$0x3FB1] =	sst s7  }
0x10: {  	[smem:$0x3FB2] =	sst s8  }
0x11: {  	[smem:$0x3FB3] =	sst s9;
	s0 =	simm.s32 @!p0 $0x0  }
0x12: {  	s1 =	sld [smem:$0x3F99];
	s0 =	simm.s32 @p0 $0x1  }
0x13: {  	[smem:$0x3FB4] =	sst s0;
	s0 =	simm.s32 @!p1 $0x0  }
0x14: {  	s2 =	sld [smem:$0x3F98];
	s0 =	simm.s32 @p1 $0x1  }
0x15: {  	[smem:$0x3FB5] =	sst s0;
	s0 =	simm.s32 @!p2 $0x0  }
0x16: {  	s3 =	sld [smem:$0x3FDB];
	s0 =	simm.s32 @p2 $0x1  }
0x17: {  	s4 =	simm.s32 $0x1BF5;
	[smem:$0x3FB7] =	sst s0  }
0x18: {  	s0 =	sld [smem:$0x3F9A];
	_ =	swait.ge [sflag:s4], $0x0  }
0x19: {  	s7 =	sld [smem:$0x3F9B]  }
0x1a: {  	s8 =	sadd.s32 $0xFFFFE003, lr  }
0x1b: {  	s9 =	sadd.s32 $0xFFFFFEF7, lr;
	s5 =	simm.s32 $0xFFFFFFFF;
	p2 =	slt.u32 s8, $0xFFFFF086  }
0x1c: {  	p1 =	slt.u32 s9, $0xF7A;
	s5 =	simm.s32 @!p2 $0x0  }
0x1d: {  	s5 =	simm.s32 @p1 $0x1;
	p0 =	seq.s32 s7, s2  }
0x1e: {  	s7 =	smul.u32 @!p0 $0xF7A, s2;
	p2 =	seq.s32 @!p0 s5, $0x0  }
0x1f: {  	s9 =	smul.u32 $0xF7A, s1;
	s8 =	simm.s32 @!p0 $0x1BF5;
	p2 =	por !p2, p0  }
0x20: {  	[sflag:s8] =	ssyncset.s32 @!p0 $0xFFFFF086;
	s6 =	sadd.s32 @!p0 s3, s7;
	s7 =	simm.s32 @!p0 $0x108  }
0x21: {  	s3 =	sadd.s32 s3, s9;
	s6 =	sadd.s32 @!p0 $0x88, s6;
	s7 =	simm.s32 @p2 $0x1082  }
0x22: {  	[simem:s7], [sflag:s8] =	dma.local @!p0 [hbm:s6], $0xF7A  }
0x23: {  	s9 =	sor.u32 $0xD0000000, s2;
	s6 =	simm.s32 $0x108;
	_ =	swait.ge @!p0 [sflag:s8], $0x0  }
0x24: {  	s3 =	sadd.s32 $0x88, s3;
	s6 =	simm.s32 @!p1 $0x1082;
	[sflag:s4] =	ssyncset.s32 $0xFFFFF086  }
0x25: {  	[simem:s6], [sflag:s4] =	dma.local [hbm:s3], $0xF7A  }
0x26: {  	[smem:$0x3F9B] =	sst s1;
	(tag) =	ssettag s2;
	_ =	strace s9  }
0x27: {  	s1 =	sld [smem:$0x3FAB]  }
0x28: {  	s2 =	sld [smem:$0x3FAC]  }
0x29: {  	s4 =	sld [smem:$0x3FAE]  }
0x2a: {  	p0 =	seq.s32 s5, $0x0;
	s5 =	sld [smem:$0x3FAF]  }
0x2b: {  	s6 =	sld [smem:$0x3FB0]  }
0x2c: {  	s7 =	sld [smem:$0x3FB1]  }
0x2d: {  	s3 =	simm.s32 $0x108;
	s8 =	sld [smem:$0x3FB2]  }
0x2e: {  	s3 =	simm.s32 @!p0 $0x1082;
	s9 =	sld [smem:$0x3FB3]  }
0x2f: {  	lr =	sadd.s32 s0, s3;
	s0 =	sld [smem:$0x3FAA]  }
0x30: {  	s3 =	sld [smem:$0x3FAD]  }
0x31: {  	[smem:$0x3FB6] =	sst s10  }
0x32: {  	s10 =	sld [smem:$0x3FB4];
	_ =	sdelay $0x3  }
0x33: {  	p0 =	seq.s32 s10, $0x1;
	s10 =	sld [smem:$0x3FB6];
	_ =	sdelay $0x3  }
0x34: {  	[smem:$0x3FB6] =	sst s10  }
0x35: {  	s10 =	sld [smem:$0x3FB5];
	_ =	sdelay $0x3  }
0x36: {  	p1 =	seq.s32 s10, $0x1;
	s10 =	sld [smem:$0x3FB6];
	_ =	sdelay $0x3  }
0x37: {  	[smem:$0x3FB6] =	sst s10  }
0x38: {  	s10 =	sld [smem:$0x3FB7]  }
0x39: {  	_ = 	snop;
	(pc) =	sbr.ind lr, $3  }
0x3a: {  	_ = 	snop  }
0x3b: {  	_ = 	snop  }
0x3c: {  	p2 =	seq.s32 s10, $0x1;
	s10 =	sld [smem:$0x3FB6]  }
0x3d: {  	_ =	shalt  }
0x3e: {  	_ =	shalt  }
0x3f: {  	_ =	shalt  }
0x40: {  	_ =	shalt  }
0x41: {  	_ =	shalt  }
0x42: {  	_ =	shalt  }
0x43: {  	_ =	shalt  }
0x44: {  	_ =	shalt  }
0x45: {  	_ =	shalt  }
0x46: {  	_ =	shalt  }
0x47: {  	_ =	shalt  }
0x48: {  	_ =	shalt  }
0x49: {  	_ =	shalt  }
0x4a: {  	_ =	shalt  }
0x4b: {  	_ =	shalt  }
0x4c: {  	_ =	shalt  }
0x4d: {  	_ =	shalt  }
0x4e: {  	_ =	shalt  }
0x4f: {  	_ =	shalt  }
0x50: {  	_ =	shalt  }
0x51: {  	_ =	shalt  }
0x52: {  	_ =	shalt  }
0x53: {  	_ =	shalt  }
0x54: {  	_ =	shalt  }
0x55: {  	_ =	shalt  }
0x56: {  	_ =	shalt  }
0x57: {  	_ =	shalt  }
0x58: {  	_ =	shalt  }
0x59: {  	_ =	shalt  }
0x5a: {  	_ =	shalt  }
0x5b: {  	_ =	shalt  }
0x5c: {  	_ =	shalt  }
0x5d: {  	_ =	shalt  }
0x5e: {  	_ =	shalt  }
0x5f: {  	_ =	shalt  }
0x60: {  	_ =	shalt  }
0x61: {  	_ =	shalt  }
0x62: {  	_ =	shalt  }
0x63: {  	_ =	shalt  }
0x64: {  	_ =	shalt  }
0x65: {  	_ =	shalt  }
0x66: {  	_ =	shalt  }
0x67: {  	_ =	shalt  }
0x68: {  	_ =	shalt  }
0x69: {  	_ =	shalt  }
0x6a: {  	_ =	shalt  }
0x6b: {  	_ =	shalt  }
0x6c: {  	_ =	shalt  }
0x6d: {  	_ =	shalt  }
0x6e: {  	_ =	shalt  }
0x6f: {  	_ =	shalt  }
0x70: {  	_ =	shalt  }
0x71: {  	_ =	shalt  }
0x72: {  	_ =	shalt  }
0x73: {  	_ =	shalt  }
0x74: {  	_ =	shalt  }
0x75: {  	_ =	shalt  }
0x76: {  	_ =	shalt  }
0x77: {  	_ =	shalt  }
0x78: {  	_ =	shalt  }
0x79: {  	_ =	shalt  }
0x7a: {  	_ =	shalt  }
0x7b: {  	_ =	shalt  }
0x7c: {  	_ =	shalt  }
0x7d: {  	_ =	shalt  }
0x7e: {  	_ =	shalt  }
0x7f: {  	_ =	shalt  }
0x80: {  	_ =	shalt  }
0x81: {  	_ =	shalt  }
0x82: {  	_ =	shalt  }
0x83: {  	_ =	shalt  }
0x84: {  	_ =	shalt  }
0x85: {  	_ =	shalt  }
0x86: {  	_ =	shalt  }
0x87: {  	_ =	shalt  }
.Lfunc_end0:
.L_simem_size_0:
called_computation.2_lowered:
.L_overlay_start_0:
0x88: {  	s2 =	sld [smem:$0x3FD9]  }
0x89: {  	s3 =	sld [smem:$0x3FFE];
	_ =	sdelay $0x1  }
0x8a: {  	s1 =	srdreg.scid  }
0x8b: {  	s0 =	sand.u32 $0x1, s1  }
0x8c: {  	s17 =	sshll.u32 s0, $0xA;
	s2 =	sadd.s32 s3, s2  }
0x8d: {  	s2 =	sadd.s32 s2, s17  }
0x8e: {  	[smem:$0x3FC2] =	sst s2  }
0x8f: {  	_ = 	snop  }
0x90: {  	s2 =	sld [smem:$0x3FD0];
	(tm) =	ssettm $0x1  }
0x91: {  	s18 =	sld [smem:$0x3FFB];
	_ =	sdelay $0x3  }
0x92: {  	_ =	strace s18  }
0x93: {  	s3 =	sld [smem:$0x3FFC];
	_ =	sdelay $0x3  }
0x94: {  	_ =	strace s3  }
0x95: {  	s3 =	sld [smem:$0x3FFD];
	_ =	sdelay $0x3  }
0x96: {  	_ =	strace s3  }
0x97: {  	_ =	strace $0x8FFFFFFF  }
0x98: {  	s19 =	sld [smem:$0x3FDB];
	_ =	sdelay $0x1  }
0x99: {  	s4 =	simm.s32 $_scs_section_size  }
0x9a: {  	s5 =	simm.s32 $_size__tile_overlayer_lowered;
	s6 =	simm.s32 $_tile_overlayer_lowered  }
0x9b: {  	s22 =	simm.s32 $0x1BFF;
	s21 =	sshll.u32 s6, $0x1;
	s3 =	sadd.s32 s4, s19  }
0x9c: {  	s7 =	simm.s32 $0x0;
	s20 =	sshll.u32 s5, $0x1;
	s5 =	sadd.s32 s21, s3  }
0x9d: {  	[timem:s7], [sflag:s22] =	dma.local [hbm:s5], s20  }
0x9e: {  	_ =	swait.ge [sflag:s22], s20  }
0x9f: {  	s4 =	ssub.s32 $0x0, s20;
	[sflag:s22] =	ssyncset.done $0x0  }
0xa0: {  	[sflag:s22] =	ssyncadd.s32 s4;
	_ =	sdelay $0x1  }
0xa1: {  	s23 =	simm.s32 $0x1B8B  }
0xa2: {  	_ =	swait.ge [sflag:s23], $0x1  }
0xa3: {  	[sflag:s23] =	ssyncset.done $0x0  }
0xa4: {  	s25 =	simm.s32 $0x1B8E;
	s24 =	sld [smem:$0x3FFE];
	[sflag:s23] =	ssyncadd.s32 $0xFFFFFFFF  }
0xa5: {  	s26 =	simm.s32 $execute0_lowered;
	[smem:$0x3FD2] =	sst s25  }
0xa6: {  	s5 =	sshll.u32 s26, $0x1;
	_ =	strace $0x8000004C;
	[dreg:$0x1] =	wrdreg $0xFFFFFFFF  }
0xa7: {  	s28 =	simm.s32 $_size_execute0_lowered;
	s3 =	sadd.s32 s3, s5;
	[dreg:$0x0] =	wrdreg $0x0  }
0xa8: {  	s5 =	sshll.u32 s28, $0x1;
	[dreg:$0x2] =	wrdreg s3  }
0xa9: {  	[dreg:$0x3] =	wrdreg s5  }
0xaa: {  	[dreg:$0x4] =	wrdreg $0xC0  }
0xab: {  	_ =	task [dreg:s7], $0x5FFFF  }
0xac: {  	[dreg:$0x1] =	wrdreg $0xFFFFFFFF  }
0xad: {  	[dreg:$0x0] =	wrdreg $0x60  }
0xae: {  	[dreg:$0x2] =	wrdreg s24  }
0xaf: {  	[dreg:$0x3] =	wrdreg s2  }
0xb0: {  	[dreg:$0x4] =	wrdreg $0xA8000  }
0xb1: {  	[dreg:$0x5] =	wrdreg $0x9  }
0xb2: {  	_ =	task.clear_ibuf [dreg:s7], $0x6FFFF;
	_ =	strace $0x9000004C  }
0xb3: {  	s29 =	simm.s32 $0x9;
	_ =	strace $0x8000004E  }
0xb4: {  	_ =	swait.ge [sflag:s29], $0x1  }
0xb5: {  	[sflag:s29] =	ssyncadd.s32 $0xFFFFFFFF  }
0xb6: {  	_ =	strace $0x9000004E  }
0xb7: {  	_ =	sfence  }
0xb8: {  	s30 =	sld [smem:$0x0];
	_ =	sdelay $0x2  }
0xb9: {  	s31 =	sshll.u32 s1, $0xD;
	s1 =	sshrl.u32 s1, $0x2  }
0xba: {  	s3 =	sand.u32 $0x4000, s31;
	s1 =	sadd.s32 s1, s30  }
0xbb: {  	s0 =	sor.u32 s3, s0;
	s1 =	sshll.u32 s1, $0x11  }
0xbc: {  	s0 =	sor.u32 s1, s0  }
0xbd: {  	s0 =	sadd.s32 $0x8F2B, s0  }
0xbe: {  	[sflag:s0] =	ssyncadd.remote.s32 $0x1  }
0xbf: {  	_ =	sfence.sel $0xFFFF  }
0xc0: {  	[dreg:$0x0] =	wrdreg $0xFFFFFFFF;
	(pc) =	sbr.abs _section_cstart, $3  }
0xc1: {  	[dreg:$0x1] =	wrdreg $0xFFFFFFFF  }
0xc2: {  	_ =	task.clear_ibuf [dreg:s7], $0x2FFFF;
	_ =	strace $0x9FFFFFFF  }
0xc3: {  	(tm) =	ssettm $0x7FFFFFFF  }
tec
execute0_lowered:
.L_overlay_start_1:
0x0: {  	(tag) =	ssettag $0x1  }
0x1: {  	s6 =	rddreg [dreg:$0x0]  }
0x2: {  	s10 =	rddreg [dreg:$0x1]  }
0x3: {  	s1 =	rddreg [dreg:$0x2]  }
0x4: {  	s2 =	srdreg.scid;
	s0 =	rddreg [dreg:$0x3];
	s3 =	simm.s32 $0x0  }
0x5: {  	s15 =	simm.s32 $0x1400;
	s16 =	simm.s32 $0x80;
	s17 =	simm.s32 $0x6800  }
0x6: {  	s18 =	simm.s32 $0x1;
	s19 =	simm.s32 $0x2;
	s20 =	simm.s32 $0x2700  }
0x7: {  	s21 =	simm.s32 $0x2780;
	s5 =	sand.u32 $0x1, s2;
	s2 =	stileid.u32  }
0x8: {  	[smem:$0x7FF] =	sst s3;
	s4 =	sshll.u32 s5, $0x4;
	s8 =	smul.u32 $0x50000, s2  }
0x9: {  	_ =	strace $0x8000004D;
	s29 =	smul.u32 $0x28000, s5;
	s9 =	ssub.s32 $0x2, s5  }
0xa: {  	s23 =	smul.u32 $0x2800, s2;
	s7 =	sor.u32 s2, s4;
	s4 =	sadd.s32 $0xC600, s6  }
0xb: {  	s31 =	sshrl.u32 s9, $0x1;
	s11 =	smul.u32 $0x500, s7;
	s30 =	sshrl.u32 s8, $0x2  }
0xc: {  	s13 =	sadd.s32 s29, s6;
	s14 =	ssub.s32 s9, s31;
	s5 =	sadd.s32 s30, s1  }
0xd: {  	s22 =	sadd.s32 $0x34600, s13;
	s13 =	simm.s32 $0x2800;
	s12 =	sadd.s32 s11, s6  }
0xe: {  	s6 =	sadd.s32 $0x4000, s5;
	s7 =	sadd.s32 $0x8000, s5;
	s8 =	sadd.s32 $0xC000, s5  }
0xf: {  	s9 =	sadd.s32 $0x10000, s5;
	s10 =	sadd.s32 s10, s11;
	s22 =	sadd.s32 s23, s22  }
0x10: {  	v0 =	vimm.f32 $0.0e+00;
	s11 =	sadd.s32 $0x2600, s12;
	s12 =	smax.u32 s14, $0x1;
	s14 =	simm.s32 $0x3  }
.LBB2_1:
0x11: {  	s23 =	simm.s32 $0x0;
	s24 =	simm.s32 $0x200  }
.LBB2_2:
0x12: {  	p0 =	sne.s32 s24, $0xFE00;
	[tilespmem:s23+$0x2870] =	vst v0  }
0x13: {  	[tilespmem:s23+$0x2800] =	vst v0  }
0x14: {  	[tilespmem:s23+$0x2810] =	vst v0  }
.Ltmp0:
0x15: {  	[tilespmem:s23+$0x2820] =	vst v0;
	(pc) =	sbr.rel @p0 .LBB2_2-.Ltmp0, $4  }
0x16: {  	[tilespmem:s23+$0x2830] =	vst v0  }
0x17: {  	[tilespmem:s23+$0x2840] =	vst v0  }
0x18: {  	[tilespmem:s23+$0x2850] =	vst v0  }
0x19: {  	[tilespmem:s23+$0x2860] =	vst v0;
	s23 =	sshra.s32 s24, $0x2;
	s24 =	sadd.s32 $0x200, s24  }
0x1a: {  	[tilespmem:s23+$0x2870] =	vst v0  }
0x1b: {  	[tilespmem:s23+$0x2800] =	vst v0  }
0x1c: {  	[tilespmem:s23+$0x2810] =	vst v0  }
0x1d: {  	[tilespmem:s23+$0x2820] =	vst v0  }
0x1e: {  	[tilespmem:s23+$0x2830] =	vst v0  }
0x1f: {  	[tilespmem:s23+$0x2840] =	vst v0  }
0x20: {  	[tilespmem:s23+$0x2850] =	vst v0  }
0x21: {  	[tilespmem:s23+$0x2860] =	vst v0  }
0x22: {  	[spmem:s5] =	stream.linear.scatter [tilespmem:s13], [sflag:$0x3], $0x4000, $0x38;
	[tilespmem:$0x1E800] =	vst v63  }
0x23: {  	_ =	swait.ge [sflag:s14], $0x4000  }
0x24: {  	[sflag:s14] =	ssyncset.done $0x0  }
0x25: {  	[sflag:s14] =	ssyncadd.s32 $0xFFFFC000  }
0x26: {  	[spmem:s6] =	stream.linear.scatter [tilespmem:s13], [sflag:$0x3], $0x4000, $0x38;
	[tilespmem:$0x1E800] =	vst v63  }
0x27: {  	_ =	swait.ge [sflag:s14], $0x4000  }
0x28: {  	[sflag:s14] =	ssyncset.done $0x0  }
0x29: {  	[sflag:s14] =	ssyncadd.s32 $0xFFFFC000  }
0x2a: {  	[spmem:s7] =	stream.linear.scatter [tilespmem:s13], [sflag:$0x3], $0x4000, $0x38;
	[tilespmem:$0x1E800] =	vst v63  }
0x2b: {  	_ =	swait.ge [sflag:s14], $0x4000  }
0x2c: {  	[sflag:s14] =	ssyncset.done $0x0  }
0x2d: {  	[sflag:s14] =	ssyncadd.s32 $0xFFFFC000  }
0x2e: {  	[spmem:s8] =	stream.linear.scatter [tilespmem:s13], [sflag:$0x3], $0x4000, $0x38;
	[tilespmem:$0x1E800] =	vst v63  }
0x2f: {  	_ =	swait.ge [sflag:s14], $0x4000  }
0x30: {  	[sflag:s14] =	ssyncset.done $0x0  }
0x31: {  	[sflag:s14] =	ssyncadd.s32 $0xFFFFC000  }
0x32: {  	[spmem:s9] =	stream.linear.scatter [tilespmem:s13], [sflag:$0x3], $0x4000, $0x38;
	[tilespmem:$0x1E800] =	vst v63  }
0x33: {  	_ =	swait.ge [sflag:s14], $0x4000  }
0x34: {  	[sflag:s14] =	ssyncset.done $0x0  }
0x35: {  	[sflag:s14] =	ssyncadd.s32 $0xFFFFC000  }
0x36: {  	s28 =	simm.s32 $0x0;
	[bflag:$0x0] =	sbarrier.arrive $0xFFFF  }
0x37: {  	[tilespmem:s28], [sflag:$0x3] =	stream.linear.gather [hbm4b:s10+s28], $0x1400, $0x38;
	[tilespmem:$0x1E800] =	vst v63  }
0x38: {  	_ =	swait.ge [sflag:s14], $0x1400  }
0x39: {  	[sflag:s14] =	ssyncset.done $0x0  }
0x3a: {  	[sflag:s14] =	ssyncadd.s32 $0xFFFFEC00  }
0x3b: {  	[tilespmem:s15], [sflag:$0x3] =	stream.linear.gather [hbm4b:s11+s28], $0x1400, $0x38;
	[tilespmem:$0x1E800] =	vst v63  }
0x3c: {  	_ =	swait.ge [sflag:s14], $0x1400  }
0x3d: {  	[sflag:s14] =	ssyncset.done $0x0  }
0x3e: {  	[sflag:s14] =	ssyncadd.s32 $0xFFFFEC00  }
0x3f: {  	[tilespmem:s13], [sflag:$0x1] =	stream.indirect.gather [hbm4b:s4+s16], $0x80, s28, s16, $0xb8;
	[tilespmem:$0x1E800] =	vst v63  }
0x40: {  	_ = 	snop  }
0x41: {  	[tilespmem:s17], [sflag:$0x2] =	stream.indirect.gather [hbm4b:s4+s16], $0x80, s16, s16, $0xb8;
	[tilespmem:$0x1E800] =	vst v63  }
0x42: {  	_ =	swait.ge [sflag:s18], $0x4000  }
0x43: {  	[sflag:s18] =	ssyncset.done $0x0  }
0x44: {  	s29 =	simm.s32 $0x1400;
	[sflag:s18] =	ssyncadd.s32 $0xFFFFC000  }
0x45: {  	[spmem:s1] =	stream.indirect.scatter.add.f32 [tilespmem:s13], [sflag:$0x3], $0x80, s29, s16, $0xb8;
	[tilespmem:$0x1E800] =	vst v63  }
0x46: {  	_ =	swait.ge [sflag:s14], $0x4000  }
0x47: {  	[sflag:s14] =	ssyncset.done $0x0  }
0x48: {  	s30 =	simm.s32 $0x100;
	[sflag:s14] =	ssyncadd.s32 $0xFFFFC000  }
0x49: {  	[tilespmem:s13], [sflag:$0x1] =	stream.indirect.gather [hbm4b:s4+s16], $0x80, s30, s16, $0xb8;
	[tilespmem:$0x1E800] =	vst v63  }
0x4a: {  	_ =	swait.ge [sflag:s19], $0x4000  }
0x4b: {  	[sflag:s19] =	ssyncset.done $0x0  }
0x4c: {  	s31 =	simm.s32 $0x1480;
	[sflag:s19] =	ssyncadd.s32 $0xFFFFC000  }
0x4d: {  	[spmem:s1] =	stream.indirect.scatter.add.f32 [tilespmem:s17], [sflag:$0x3], $0x80, s31, s16, $0xb8;
	[tilespmem:$0x1E800] =	vst v63  }
0x4e: {  	_ =	swait.ge [sflag:s14], $0x4000  }
0x4f: {  	[sflag:s14] =	ssyncset.done $0x0  }
0x50: {  	s23 =	simm.s32 $0x400;
	s24 =	simm.s32 $0x180;
	[sflag:s14] =	ssyncadd.s32 $0xFFFFC000  }
.LBB2_4:
0x51: {  	[tilespmem:s17], [sflag:$0x2] =	stream.indirect.gather [hbm4b:s4+s16], $0x80, s24, s16, $0xb8;
	[tilespmem:$0x1E800] =	vst v63  }
0x52: {  	s24 =	smov.u32 s23  }
0x53: {  	p0 =	sne.s32 s23, $0x4800;
	s23 =	sadd.s32 $0x400, s23;
	_ =	swait.ge [sflag:s18], $0x4000  }
0x54: {  	s24 =	sshra.s32 s24, $0x2;
	[sflag:s18] =	ssyncset.done $0x0  }
0x55: {  	s25 =	sadd.s32 $0x1400, s24;
	[sflag:s18] =	ssyncadd.s32 $0xFFFFC000  }
0x56: {  	[spmem:s1] =	stream.indirect.scatter.add.f32 [tilespmem:s13], [sflag:$0x3], $0x80, s25, s16, $0xb8;
	[tilespmem:$0x1E800] =	vst v63  }
0x57: {  	_ =	swait.ge [sflag:s14], $0x4000  }
0x58: {  	[sflag:s14] =	ssyncset.done $0x0  }
0x59: {  	s25 =	sadd.s32 $0x100, s24;
	[sflag:s14] =	ssyncadd.s32 $0xFFFFC000  }
0x5a: {  	[tilespmem:s13], [sflag:$0x1] =	stream.indirect.gather [hbm4b:s4+s16], $0x80, s25, s16, $0xb8;
	[tilespmem:$0x1E800] =	vst v63  }
0x5b: {  	_ =	swait.ge [sflag:s19], $0x4000  }
0x5c: {  	[sflag:s19] =	ssyncset.done $0x0  }
.Ltmp1:
0x5d: {  	s25 =	sadd.s32 $0x1480, s24;
	[sflag:s19] =	ssyncadd.s32 $0xFFFFC000;
	(pc) =	sbr.rel @p0 .LBB2_4-.Ltmp1, $4  }
0x5e: {  	[spmem:s1] =	stream.indirect.scatter.add.f32 [tilespmem:s17], [sflag:$0x3], $0x80, s25, s16, $0xb8;
	[tilespmem:$0x1E800] =	vst v63  }
0x5f: {  	_ =	swait.ge [sflag:s14], $0x4000  }
0x60: {  	[sflag:s14] =	ssyncset.done $0x0  }
0x61: {  	s24 =	sadd.s32 $0x180, s24;
	[sflag:s14] =	ssyncadd.s32 $0xFFFFC000  }
0x62: {  	[tilespmem:s17], [sflag:$0x2] =	stream.indirect.gather [hbm4b:s4+s16], $0x80, s24, s16, $0xb8;
	[tilespmem:$0x1E800] =	vst v63  }
0x63: {  	_ =	swait.ge [sflag:s18], $0x4000  }
0x64: {  	[sflag:s18] =	ssyncset.done $0x0  }
0x65: {  	[sflag:s18] =	ssyncadd.s32 $0xFFFFC000  }
0x66: {  	[spmem:s1] =	stream.indirect.scatter.add.f32 [tilespmem:s13], [sflag:$0x3], $0x80, s20, s16, $0xb8;
	[tilespmem:$0x1E800] =	vst v63  }
0x67: {  	_ =	swait.ge [sflag:s14], $0x4000  }
0x68: {  	[sflag:s14] =	ssyncset.done $0x0  }
0x69: {  	[sflag:s14] =	ssyncadd.s32 $0xFFFFC000  }
0x6a: {  	_ =	swait.ge [sflag:s19], $0x4000  }
0x6b: {  	[sflag:s19] =	ssyncset.done $0x0  }
0x6c: {  	[sflag:s19] =	ssyncadd.s32 $0xFFFFC000  }
0x6d: {  	[spmem:s1] =	stream.indirect.scatter.add.f32 [tilespmem:s17], [sflag:$0x3], $0x80, s21, s16, $0xb8;
	[tilespmem:$0x1E800] =	vst v63  }
0x6e: {  	_ =	swait.ge [sflag:s14], $0x4000  }
0x6f: {  	[sflag:s14] =	ssyncset.done $0x0  }
0x70: {  	s23 =	sadd.s32 $0x280, s10;
	s26 =	simm.s32 $0x0;
	[sflag:s14] =	ssyncadd.s32 $0xFFFFC000  }
0x71: {  	[tilespmem:s26], [sflag:$0x3] =	stream.linear.gather [hbm4b:s23+s26], $0x1400, $0x38;
	[tilespmem:$0x1E800] =	vst v63  }
0x72: {  	_ =	swait.ge [sflag:s14], $0x1400  }
0x73: {  	[sflag:s14] =	ssyncset.done $0x0  }
0x74: {  	s28 =	sadd.s32 $0x280, s11;
	[sflag:s14] =	ssyncadd.s32 $0xFFFFEC00  }
0x75: {  	[tilespmem:s15], [sflag:$0x3] =	stream.linear.gather [hbm4b:s28+s26], $0x1400, $0x38;
	[tilespmem:$0x1E800] =	vst v63  }
0x76: {  	_ =	swait.ge [sflag:s14], $0x1400  }
0x77: {  	[sflag:s14] =	ssyncset.done $0x0  }
0x78: {  	[sflag:s14] =	ssyncadd.s32 $0xFFFFEC00  }
0x79: {  	[tilespmem:s13], [sflag:$0x1] =	stream.indirect.gather [hbm4b:s4+s16], $0x80, s26, s16, $0xb8;
	[tilespmem:$0x1E800] =	vst v63  }
0x7a: {  	_ = 	snop  }
0x7b: {  	[tilespmem:s17], [sflag:$0x2] =	stream.indirect.gather [hbm4b:s4+s16], $0x80, s16, s16, $0xb8;
	[tilespmem:$0x1E800] =	vst v63  }
0x7c: {  	_ =	swait.ge [sflag:s18], $0x4000  }
0x7d: {  	[sflag:s18] =	ssyncset.done $0x0  }
0x7e: {  	s29 =	simm.s32 $0x1400;
	[sflag:s18] =	ssyncadd.s32 $0xFFFFC000  }
0x7f: {  	[spmem:s1] =	stream.indirect.scatter.add.f32 [tilespmem:s13], [sflag:$0x3], $0x80, s29, s16, $0xb8;
	[tilespmem:$0x1E800] =	vst v63  }
0x80: {  	_ =	swait.ge [sflag:s14], $0x4000  }
0x81: {  	[sflag:s14] =	ssyncset.done $0x0  }
0x82: {  	s30 =	simm.s32 $0x100;
	[sflag:s14] =	ssyncadd.s32 $0xFFFFC000  }
0x83: {  	[tilespmem:s13], [sflag:$0x1] =	stream.indirect.gather [hbm4b:s4+s16], $0x80, s30, s16, $0xb8;
	[tilespmem:$0x1E800] =	vst v63  }
0x84: {  	_ =	swait.ge [sflag:s19], $0x4000  }
0x85: {  	[sflag:s19] =	ssyncset.done $0x0  }
0x86: {  	s31 =	simm.s32 $0x1480;
	[sflag:s19] =	ssyncadd.s32 $0xFFFFC000  }
0x87: {  	[spmem:s1] =	stream.indirect.scatter.add.f32 [tilespmem:s17], [sflag:$0x3], $0x80, s31, s16, $0xb8;
	[tilespmem:$0x1E800] =	vst v63  }
0x88: {  	_ =	swait.ge [sflag:s14], $0x4000  }
0x89: {  	[sflag:s14] =	ssyncset.done $0x0  }
0x8a: {  	s24 =	simm.s32 $0x180;
	s23 =	simm.s32 $0x400;
	[sflag:s14] =	ssyncadd.s32 $0xFFFFC000  }
.LBB2_6:
0x8b: {  	[tilespmem:s17], [sflag:$0x2] =	stream.indirect.gather [hbm4b:s4+s16], $0x80, s24, s16, $0xb8;
	[tilespmem:$0x1E800] =	vst v63  }
0x8c: {  	s24 =	smov.u32 s23  }
0x8d: {  	p0 =	sne.s32 s23, $0x4800;
	s23 =	sadd.s32 $0x400, s23;
	_ =	swait.ge [sflag:s18], $0x4000  }
0x8e: {  	s24 =	sshra.s32 s24, $0x2;
	[sflag:s18] =	ssyncset.done $0x0  }
0x8f: {  	s25 =	sadd.s32 $0x1400, s24;
	[sflag:s18] =	ssyncadd.s32 $0xFFFFC000  }
0x90: {  	[spmem:s1] =	stream.indirect.scatter.add.f32 [tilespmem:s13], [sflag:$0x3], $0x80, s25, s16, $0xb8;
	[tilespmem:$0x1E800] =	vst v63  }
0x91: {  	_ =	swait.ge [sflag:s14], $0x4000  }
0x92: {  	[sflag:s14] =	ssyncset.done $0x0  }
0x93: {  	s25 =	sadd.s32 $0x100, s24;
	[sflag:s14] =	ssyncadd.s32 $0xFFFFC000  }
0x94: {  	[tilespmem:s13], [sflag:$0x1] =	stream.indirect.gather [hbm4b:s4+s16], $0x80, s25, s16, $0xb8;
	[tilespmem:$0x1E800] =	vst v63  }
0x95: {  	_ =	swait.ge [sflag:s19], $0x4000  }
0x96: {  	[sflag:s19] =	ssyncset.done $0x0  }
.Ltmp2:
0x97: {  	s25 =	sadd.s32 $0x1480, s24;
	[sflag:s19] =	ssyncadd.s32 $0xFFFFC000;
	(pc) =	sbr.rel @p0 .LBB2_6-.Ltmp2, $4  }
0x98: {  	[spmem:s1] =	stream.indirect.scatter.add.f32 [tilespmem:s17], [sflag:$0x3], $0x80, s25, s16, $0xb8;
	[tilespmem:$0x1E800] =	vst v63  }
0x99: {  	_ =	swait.ge [sflag:s14], $0x4000  }
0x9a: {  	[sflag:s14] =	ssyncset.done $0x0  }
0x9b: {  	s24 =	sadd.s32 $0x180, s24;
	[sflag:s14] =	ssyncadd.s32 $0xFFFFC000  }
0x9c: {  	[tilespmem:s17], [sflag:$0x2] =	stream.indirect.gather [hbm4b:s4+s16], $0x80, s24, s16, $0xb8;
	[tilespmem:$0x1E800] =	vst v63  }
0x9d: {  	_ =	swait.ge [sflag:s18], $0x4000  }
0x9e: {  	[sflag:s18] =	ssyncset.done $0x0  }
0x9f: {  	[sflag:s18] =	ssyncadd.s32 $0xFFFFC000  }
0xa0: {  	[spmem:s1] =	stream.indirect.scatter.add.f32 [tilespmem:s13], [sflag:$0x3], $0x80, s20, s16, $0xb8;
	[tilespmem:$0x1E800] =	vst v63  }
0xa1: {  	_ =	swait.ge [sflag:s14], $0x4000  }
0xa2: {  	[sflag:s14] =	ssyncset.done $0x0  }
0xa3: {  	[sflag:s14] =	ssyncadd.s32 $0xFFFFC000  }
0xa4: {  	_ =	swait.ge [sflag:s19], $0x4000  }
0xa5: {  	[sflag:s19] =	ssyncset.done $0x0  }
0xa6: {  	[sflag:s19] =	ssyncadd.s32 $0xFFFFC000  }
0xa7: {  	[spmem:s1] =	stream.indirect.scatter.add.f32 [tilespmem:s17], [sflag:$0x3], $0x80, s21, s16, $0xb8;
	[tilespmem:$0x1E800] =	vst v63  }
0xa8: {  	_ =	swait.ge [sflag:s14], $0x4000  }
0xa9: {  	s23 =	sshll.u32 s2, $0x6;
	s3 =	sadd.s32 $0x1, s3;
	[sflag:s14] =	ssyncset.done $0x0  }
0xaa: {  	s31 =	sshrl.u32 s5, $0x3;
	p0 =	sne.s32 s3, s12;
	[sflag:s14] =	ssyncadd.s32 $0xFFFFC000  }
.Ltmp3:
0xab: {  	s23 =	sor.u32 $0x1C03, s23;
	[bflag:$0x0] =	sbarrier.arrive $0xFFFF;
	(pc) =	sbr.rel @p0 .LBB2_1-.Ltmp3, $4  }
0xac: {  	[hbm:s22], [sflag:s23] =	dma.local [spmem:s31], $0x2800  }
0xad: {  	_ =	swait.ge [sflag:s14], $0x2800  }
0xae: {  	[sflag:s14] =	ssyncset.done $0x0  }
0xaf: {  	[sflag:s14] =	ssyncadd.s32 $0xFFFFD800  }
0xb0: {  	_ =	sfence.sel $0x180000  }
0xb1: {  	[bflag:$0x0] =	sbarrier.arrive $0xFFFF  }
0xb2: {  	p0 =	sne.s32 s2, $0x0;
	_ =	strace $0x9000004D  }
0xb3: {  	s0 =	sadd.s32 @!p0 $0x100000, s0;
	[bflag:$0x2] =	sbarrier.arrive $0xFFFF  }
0xb4: {  	[sflag:s0] =	ssyncadd.tile.s32 @!p0 $0x1;
	_ =	shalt  }
.Lfunc_end2:
_tile_overlayer_lowered:
.L_overlay_start_2:
0xb5: {  	(tag) =	ssettag $0x2  }
0xb6: {  	s0 =	rddreg [dreg:$0x0];
	s2 =	stileid.u32  }
0xb7: {  	s1 =	rddreg [dreg:$0x1];
	p0 =	sne.s32 s2, $0x0  }
0xb8: {  	s3 =	rddreg [dreg:$0x2];
	[bflag:$0x3] =	sbarrier.arrive $0xFFFF;
	s2 =	simm.s32 @!p0 $0x1C03  }
0xb9: {  	[timem:s3], [sflag:s2] =	dma.local @!p0 [hbm:s0], s1  }
0xba: {  	s0 =	simm.s32 @!p0 $0x3  }
0xbb: {  	_ =	swait.ge @!p0 [sflag:s0], s1  }
0xbc: {  	s1 =	ssub.s32 @!p0 $0x0, s1;
	[sflag:s0] =	ssyncset.done @!p0 $0x0  }
0xbd: {  	[sflag:s0] =	ssyncadd.s32 @!p0 s1  }
0xbe: {  	[bflag:$0x3] =	sbarrier.arrive $0xFFFF  }
0xbf: {  	_ =	shalt  }

// kernel: kernel.8.cloned.1.call-start
scs
__scs_entry_jumppad:
0x0: {  	(pc) =	sbr.rel $0x88, $3  }
0x1: {  	(tag) =	ssettag $0x0;
	lr =	simm.s32 $0x1  }
0x2: {  	[smem:$0x3F9B] =	sst lr;
	_ =	strace $0xD0000000  }
0x3: {  	_ = 	snop  }
0x4: {  	_ = 	snop  }
0x5: {  	_ = 	snop  }
0x6: {  	_ = 	snop  }
0x7: {  	_ = 	snop  }
__scs_overlays_trampoline_lowered:
0x8: {  	[smem:$0x3FAA] =	sst s0  }
0x9: {  	[smem:$0x3FAB] =	sst s1  }
0xa: {  	[smem:$0x3FAC] =	sst s2  }
0xb: {  	[smem:$0x3FAD] =	sst s3  }
0xc: {  	[smem:$0x3FAE] =	sst s4  }
0xd: {  	[smem:$0x3FAF] =	sst s5  }
0xe: {  	[smem:$0x3FB0] =	sst s6  }
0xf: {  	[smem:$0x3FB1] =	sst s7  }
0x10: {  	[smem:$0x3FB2] =	sst s8  }
0x11: {  	[smem:$0x3FB3] =	sst s9;
	s0 =	simm.s32 @!p0 $0x0  }
0x12: {  	s1 =	sld [smem:$0x3F99];
	s0 =	simm.s32 @p0 $0x1  }
0x13: {  	[smem:$0x3FB4] =	sst s0;
	s0 =	simm.s32 @!p1 $0x0  }
0x14: {  	s2 =	sld [smem:$0x3F98];
	s0 =	simm.s32 @p1 $0x1  }
0x15: {  	[smem:$0x3FB5] =	sst s0;
	s0 =	simm.s32 @!p2 $0x0  }
0x16: {  	s3 =	sld [smem:$0x3FDB];
	s0 =	simm.s32 @p2 $0x1  }
0x17: {  	s4 =	simm.s32 $0x1BF5;
	[smem:$0x3FB7] =	sst s0  }
0x18: {  	s0 =	sld [smem:$0x3F9A];
	_ =	swait.ge [sflag:s4], $0x0  }
0x19: {  	s7 =	sld [smem:$0x3F9B]  }
0x1a: {  	s8 =	sadd.s32 $0xFFFFE003, lr  }
0x1b: {  	s9 =	sadd.s32 $0xFFFFFEF7, lr;
	s5 =	simm.s32 $0xFFFFFFFF;
	p2 =	slt.u32 s8, $0xFFFFF086  }
0x1c: {  	p1 =	slt.u32 s9, $0xF7A;
	s5 =	simm.s32 @!p2 $0x0  }
0x1d: {  	s5 =	simm.s32 @p1 $0x1;
	p0 =	seq.s32 s7, s2  }
0x1e: {  	s7 =	smul.u32 @!p0 $0xF7A, s2;
	p2 =	seq.s32 @!p0 s5, $0x0  }
0x1f: {  	s9 =	smul.u32 $0xF7A, s1;
	s8 =	simm.s32 @!p0 $0x1BF5;
	p2 =	por !p2, p0  }
0x20: {  	[sflag:s8] =	ssyncset.s32 @!p0 $0xFFFFF086;
	s6 =	sadd.s32 @!p0 s3, s7;
	s7 =	simm.s32 @!p0 $0x108  }
0x21: {  	s3 =	sadd.s32 s3, s9;
	s6 =	sadd.s32 @!p0 $0x88, s6;
	s7 =	simm.s32 @p2 $0x1082  }
0x22: {  	[simem:s7], [sflag:s8] =	dma.local @!p0 [hbm:s6], $0xF7A  }
0x23: {  	s9 =	sor.u32 $0xD0000000, s2;
	s6 =	simm.s32 $0x108;
	_ =	swait.ge @!p0 [sflag:s8], $0x0  }
0x24: {  	s3 =	sadd.s32 $0x88, s3;
	s6 =	simm.s32 @!p1 $0x1082;
	[sflag:s4] =	ssyncset.s32 $0xFFFFF086  }
0x25: {  	[simem:s6], [sflag:s4] =	dma.local [hbm:s3], $0xF7A  }
0x26: {  	[smem:$0x3F9B] =	sst s1;
	(tag) =	ssettag s2;
	_ =	strace s9  }
0x27: {  	s1 =	sld [smem:$0x3FAB]  }
0x28: {  	s2 =	sld [smem:$0x3FAC]  }
0x29: {  	s4 =	sld [smem:$0x3FAE]  }
0x2a: {  	p0 =	seq.s32 s5, $0x0;
	s5 =	sld [smem:$0x3FAF]  }
0x2b: {  	s6 =	sld [smem:$0x3FB0]  }
0x2c: {  	s7 =	sld [smem:$0x3FB1]  }
0x2d: {  	s3 =	simm.s32 $0x108;
	s8 =	sld [smem:$0x3FB2]  }
0x2e: {  	s3 =	simm.s32 @!p0 $0x1082;
	s9 =	sld [smem:$0x3FB3]  }
0x2f: {  	lr =	sadd.s32 s0, s3;
	s0 =	sld [smem:$0x3FAA]  }
0x30: {  	s3 =	sld [smem:$0x3FAD]  }
0x31: {  	[smem:$0x3FB6] =	sst s10  }
0x32: {  	s10 =	sld [smem:$0x3FB4];
	_ =	sdelay $0x3  }
0x33: {  	p0 =	seq.s32 s10, $0x1;
	s10 =	sld [smem:$0x3FB6];
	_ =	sdelay $0x3  }
0x34: {  	[smem:$0x3FB6] =	sst s10  }
0x35: {  	s10 =	sld [smem:$0x3FB5];
	_ =	sdelay $0x3  }
0x36: {  	p1 =	seq.s32 s10, $0x1;
	s10 =	sld [smem:$0x3FB6];
	_ =	sdelay $0x3  }
0x37: {  	[smem:$0x3FB6] =	sst s10  }
0x38: {  	s10 =	sld [smem:$0x3FB7]  }
0x39: {  	_ = 	snop;
	(pc) =	sbr.ind lr, $3  }
0x3a: {  	_ = 	snop  }
0x3b: {  	_ = 	snop  }
0x3c: {  	p2 =	seq.s32 s10, $0x1;
	s10 =	sld [smem:$0x3FB6]  }
0x3d: {  	_ =	shalt  }
0x3e: {  	_ =	shalt  }
0x3f: {  	_ =	shalt  }
0x40: {  	_ =	shalt  }
0x41: {  	_ =	shalt  }
0x42: {  	_ =	shalt  }
0x43: {  	_ =	shalt  }
0x44: {  	_ =	shalt  }
0x45: {  	_ =	shalt  }
0x46: {  	_ =	shalt  }
0x47: {  	_ =	shalt  }
0x48: {  	_ =	shalt  }
0x49: {  	_ =	shalt  }
0x4a: {  	_ =	shalt  }
0x4b: {  	_ =	shalt  }
0x4c: {  	_ =	shalt  }
0x4d: {  	_ =	shalt  }
0x4e: {  	_ =	shalt  }
0x4f: {  	_ =	shalt  }
0x50: {  	_ =	shalt  }
0x51: {  	_ =	shalt  }
0x52: {  	_ =	shalt  }
0x53: {  	_ =	shalt  }
0x54: {  	_ =	shalt  }
0x55: {  	_ =	shalt  }
0x56: {  	_ =	shalt  }
0x57: {  	_ =	shalt  }
0x58: {  	_ =	shalt  }
0x59: {  	_ =	shalt  }
0x5a: {  	_ =	shalt  }
0x5b: {  	_ =	shalt  }
0x5c: {  	_ =	shalt  }
0x5d: {  	_ =	shalt  }
0x5e: {  	_ =	shalt  }
0x5f: {  	_ =	shalt  }
0x60: {  	_ =	shalt  }
0x61: {  	_ =	shalt  }
0x62: {  	_ =	shalt  }
0x63: {  	_ =	shalt  }
0x64: {  	_ =	shalt  }
0x65: {  	_ =	shalt  }
0x66: {  	_ =	shalt  }
0x67: {  	_ =	shalt  }
0x68: {  	_ =	shalt  }
0x69: {  	_ =	shalt  }
0x6a: {  	_ =	shalt  }
0x6b: {  	_ =	shalt  }
0x6c: {  	_ =	shalt  }
0x6d: {  	_ =	shalt  }
0x6e: {  	_ =	shalt  }
0x6f: {  	_ =	shalt  }
0x70: {  	_ =	shalt  }
0x71: {  	_ =	shalt  }
0x72: {  	_ =	shalt  }
0x73: {  	_ =	shalt  }
0x74: {  	_ =	shalt  }
0x75: {  	_ =	shalt  }
0x76: {  	_ =	shalt  }
0x77: {  	_ =	shalt  }
0x78: {  	_ =	shalt  }
0x79: {  	_ =	shalt  }
0x7a: {  	_ =	shalt  }
0x7b: {  	_ =	shalt  }
0x7c: {  	_ =	shalt  }
0x7d: {  	_ =	shalt  }
0x7e: {  	_ =	shalt  }
0x7f: {  	_ =	shalt  }
0x80: {  	_ =	shalt  }
0x81: {  	_ =	shalt  }
0x82: {  	_ =	shalt  }
0x83: {  	_ =	shalt  }
0x84: {  	_ =	shalt  }
0x85: {  	_ =	shalt  }
0x86: {  	_ =	shalt  }
0x87: {  	_ =	shalt  }
.Lfunc_end0:
.L_simem_size_0:
called_computation_lowered:
.L_overlay_start_0:
0x88: {  	s2 =	sld [smem:$0x3FD9]  }
0x89: {  	s3 =	sld [smem:$0x3FFE];
	_ =	sdelay $0x1  }
0x8a: {  	s1 =	srdreg.scid  }
0x8b: {  	s0 =	sand.u32 $0x1, s1  }
0x8c: {  	s16 =	sshll.u32 s0, $0xA;
	s2 =	sadd.s32 s3, s2  }
0x8d: {  	s2 =	sadd.s32 s2, s16  }
0x8e: {  	[smem:$0x3FC2] =	sst s2  }
0x8f: {  	_ = 	snop  }
0x90: {  	(tm) =	ssettm $0x1  }
0x91: {  	s17 =	sld [smem:$0x3FFB];
	_ =	sdelay $0x3  }
0x92: {  	_ =	strace s17  }
0x93: {  	s2 =	sld [smem:$0x3FFC];
	_ =	sdelay $0x3  }
0x94: {  	_ =	strace s2  }
0x95: {  	s2 =	sld [smem:$0x3FFD];
	_ =	sdelay $0x3  }
0x96: {  	_ =	strace s2  }
0x97: {  	_ =	strace $0x8FFFFFFF  }
0x98: {  	s18 =	sld [smem:$0x3FDB];
	_ =	sdelay $0x1  }
0x99: {  	s19 =	simm.s32 $_scs_section_size  }
0x9a: {  	s4 =	simm.s32 $_size__tile_overlayer_lowered;
	s5 =	simm.s32 $_tile_overlayer_lowered  }
0x9b: {  	s22 =	simm.s32 $0x1BFF;
	s21 =	sshll.u32 s5, $0x1;
	s2 =	sadd.s32 s19, s18  }
0x9c: {  	s6 =	simm.s32 $0x0;
	s20 =	sshll.u32 s4, $0x1;
	s4 =	sadd.s32 s21, s2  }
0x9d: {  	[timem:s6], [sflag:s22] =	dma.local [hbm:s4], s20  }
0x9e: {  	_ =	swait.ge [sflag:s22], s20  }
0x9f: {  	s3 =	ssub.s32 $0x0, s20;
	[sflag:s22] =	ssyncset.done $0x0  }
0xa0: {  	[sflag:s22] =	ssyncadd.s32 s3;
	_ =	sdelay $0x1  }
0xa1: {  	s23 =	simm.s32 $0x1B8B  }
0xa2: {  	_ =	swait.ge [sflag:s23], $0x1  }
0xa3: {  	[sflag:s23] =	ssyncset.done $0x0  }
0xa4: {  	s25 =	simm.s32 $0x1B8E;
	s24 =	sld [smem:$0x3FFE];
	[sflag:s23] =	ssyncadd.s32 $0xFFFFFFFF  }
0xa5: {  	s26 =	simm.s32 $execute0_lowered;
	[smem:$0x3FD2] =	sst s25  }
0xa6: {  	s4 =	sshll.u32 s26, $0x1;
	_ =	strace $0x80000046;
	[dreg:$0x1] =	wrdreg $0xFFFFFFFF  }
0xa7: {  	s28 =	simm.s32 $_size_execute0_lowered;
	s2 =	sadd.s32 s2, s4;
	[dreg:$0x0] =	wrdreg $0x0  }
0xa8: {  	s4 =	sshll.u32 s28, $0x1;
	[dreg:$0x2] =	wrdreg s2  }
0xa9: {  	[dreg:$0x3] =	wrdreg s4  }
0xaa: {  	[dreg:$0x4] =	wrdreg $0xC0  }
0xab: {  	_ =	task [dreg:s6], $0x5FFFF  }
0xac: {  	[dreg:$0x1] =	wrdreg $0xFFFFFFFF  }
0xad: {  	[dreg:$0x0] =	wrdreg $0x60  }
0xae: {  	[dreg:$0x2] =	wrdreg s24  }
0xaf: {  	[dreg:$0x3] =	wrdreg $0x68000  }
0xb0: {  	[dreg:$0x4] =	wrdreg $0x9  }
0xb1: {  	_ =	task.clear_ibuf [dreg:s6], $0x5FFFF;
	_ =	strace $0x90000046  }
0xb2: {  	s29 =	simm.s32 $0x9;
	_ =	strace $0x80000048  }
0xb3: {  	_ =	swait.ge [sflag:s29], $0x1  }
0xb4: {  	[sflag:s29] =	ssyncadd.s32 $0xFFFFFFFF  }
0xb5: {  	_ =	strace $0x90000048  }
0xb6: {  	_ =	sfence  }
0xb7: {  	s30 =	sld [smem:$0x0];
	_ =	sdelay $0x2  }
0xb8: {  	s31 =	sshll.u32 s1, $0xD;
	s1 =	sshrl.u32 s1, $0x2  }
0xb9: {  	s3 =	sand.u32 $0x4000, s31;
	s1 =	sadd.s32 s1, s30  }
0xba: {  	s0 =	sor.u32 s3, s0;
	s1 =	sshll.u32 s1, $0x11  }
0xbb: {  	s0 =	sor.u32 s1, s0  }
0xbc: {  	s0 =	sadd.s32 $0x8F2B, s0  }
0xbd: {  	[sflag:s0] =	ssyncadd.remote.s32 $0x1  }
0xbe: {  	_ =	sfence.sel $0xFFFF  }
0xbf: {  	[dreg:$0x0] =	wrdreg $0xFFFFFFFF;
	(pc) =	sbr.abs _section_cstart, $3  }
0xc0: {  	[dreg:$0x1] =	wrdreg $0xFFFFFFFF  }
0xc1: {  	_ =	task.clear_ibuf [dreg:s6], $0x2FFFF;
	_ =	strace $0x9FFFFFFF  }
0xc2: {  	(tm) =	ssettm $0x7FFFFFFF  }
0xc3: {  	_ =	shalt  }
tec
execute0_lowered:
.L_overlay_start_1:
0x0: {  	(tag) =	ssettag $0x1  }
0x1: {  	s5 =	rddreg [dreg:$0x0]  }
0x2: {  	s1 =	rddreg [dreg:$0x1]  }
0x3: {  	s2 =	srdreg.scid;
	s0 =	rddreg [dreg:$0x2]  }
0x4: {  	s3 =	simm.s32 $0x0;
	s13 =	simm.s32 $0x80;
	s14 =	simm.s32 $0x100  }
0x5: {  	s15 =	simm.s32 $0x180;
	s16 =	simm.s32 $0x200;
	s17 =	simm.s32 $0x280  }
0x6: {  	s18 =	simm.s32 $0x300;
	s4 =	sand.u32 $0x1, s2;
	s2 =	stileid.u32  }
0x7: {  	s19 =	simm.s32 $0x380;
	s20 =	simm.s32 $0x1;
	s7 =	smul.u32 $0x50000, s2  }
0x8: {  	[smem:$0x7FF] =	sst s3;
	s6 =	sshll.u32 s4, $0x4;
	s8 =	smul.u32 $0x28000, s4  }
0x9: {  	_ =	strace $0x80000047;
	s9 =	ssub.s32 $0x2, s4;
	s22 =	smul.u32 $0x2800, s2  }
0xa: {  	s23 =	sshll.u32 s2, $0x6;
	s6 =	sor.u32 s2, s6;
	s31 =	sshrl.u32 s9, $0x1  }
0xb: {  	s6 =	smul.u32 $0x500, s6;
	s30 =	sshrl.u32 s7, $0x2;
	s11 =	sadd.s32 s8, s5  }
0xc: {  	s12 =	ssub.s32 s9, s31;
	s4 =	sadd.s32 s30, s1;
	s21 =	sadd.s32 $0xC600, s11  }
0xd: {  	s11 =	simm.s32 $0x2800;
	s10 =	sadd.s32 s6, s5;
	s5 =	sadd.s32 $0x4000, s4  }
0xe: {  	s6 =	sadd.s32 $0x8000, s4;
	s7 =	sadd.s32 $0xC000, s4;
	s8 =	sadd.s32 $0x10000, s4  }
0xf: {  	s21 =	sadd.s32 s22, s21;
	s22 =	sor.u32 $0x1C02, s23;
	s23 =	simm.s32 $0x0  }
0x10: {  	v0 =	vimm.f32 $0.0e+00;
	v1 =	vimm.f32 $1.000000000e+00;
	s9 =	sadd.s32 $0x2600, s10;
	s10 =	smax.u32 s12, $0x1;
	s12 =	simm.s32 $0x2  }
.LBB2_1:
0x11: {  	s24 =	simm.s32 $0x0;
	s25 =	simm.s32 $0x200  }
.LBB2_2:
0x12: {  	p0 =	sne.s32 s25, $0xFE00;
	[tilespmem:s24+$0x2870] =	vst v0  }
0x13: {  	[tilespmem:s24+$0x2800] =	vst v0  }
0x14: {  	[tilespmem:s24+$0x2810] =	vst v0  }
.Ltmp0:
0x15: {  	[tilespmem:s24+$0x2820] =	vst v0;
	(pc) =	sbr.rel @p0 .LBB2_2-.Ltmp0, $4  }
0x16: {  	[tilespmem:s24+$0x2830] =	vst v0  }
0x17: {  	[tilespmem:s24+$0x2840] =	vst v0  }
0x18: {  	[tilespmem:s24+$0x2850] =	vst v0  }
0x19: {  	[tilespmem:s24+$0x2860] =	vst v0;
	s24 =	sshra.s32 s25, $0x2;
	s25 =	sadd.s32 $0x200, s25  }
0x1a: {  	[tilespmem:s24+$0x2870] =	vst v0  }
0x1b: {  	[tilespmem:s24+$0x2800] =	vst v0  }
0x1c: {  	[tilespmem:s24+$0x2810] =	vst v0  }
0x1d: {  	[tilespmem:s24+$0x2820] =	vst v0  }
0x1e: {  	[tilespmem:s24+$0x2830] =	vst v0  }
0x1f: {  	[tilespmem:s24+$0x2840] =	vst v0  }
0x20: {  	[tilespmem:s24+$0x2850] =	vst v0  }
0x21: {  	[tilespmem:s24+$0x2860] =	vst v0  }
0x22: {  	[spmem:s4] =	stream.linear.scatter [tilespmem:s11], [sflag:$0x2], $0x4000, $0x38;
	[tilespmem:$0x1A800] =	vst v63  }
0x23: {  	_ =	swait.ge [sflag:s12], $0x4000  }
0x24: {  	[sflag:s12] =	ssyncset.done $0x0  }
0x25: {  	[sflag:s12] =	ssyncadd.s32 $0xFFFFC000  }
0x26: {  	[spmem:s5] =	stream.linear.scatter [tilespmem:s11], [sflag:$0x2], $0x4000, $0x38;
	[tilespmem:$0x1A800] =	vst v63  }
0x27: {  	_ =	swait.ge [sflag:s12], $0x4000  }
0x28: {  	[sflag:s12] =	ssyncset.done $0x0  }
0x29: {  	[sflag:s12] =	ssyncadd.s32 $0xFFFFC000  }
0x2a: {  	[spmem:s6] =	stream.linear.scatter [tilespmem:s11], [sflag:$0x2], $0x4000, $0x38;
	[tilespmem:$0x1A800] =	vst v63  }
0x2b: {  	_ =	swait.ge [sflag:s12], $0x4000  }
0x2c: {  	[sflag:s12] =	ssyncset.done $0x0  }
0x2d: {  	[sflag:s12] =	ssyncadd.s32 $0xFFFFC000  }
0x2e: {  	[spmem:s7] =	stream.linear.scatter [tilespmem:s11], [sflag:$0x2], $0x4000, $0x38;
	[tilespmem:$0x1A800] =	vst v63  }
0x2f: {  	_ =	swait.ge [sflag:s12], $0x4000  }
0x30: {  	[sflag:s12] =	ssyncset.done $0x0  }
0x31: {  	[sflag:s12] =	ssyncadd.s32 $0xFFFFC000  }
0x32: {  	[spmem:s8] =	stream.linear.scatter [tilespmem:s11], [sflag:$0x2], $0x4000, $0x38;
	[tilespmem:$0x1A800] =	vst v63  }
0x33: {  	_ =	swait.ge [sflag:s12], $0x4000  }
0x34: {  	[sflag:s12] =	ssyncset.done $0x0  }
0x35: {  	[sflag:s12] =	ssyncadd.s32 $0xFFFFC000  }
0x36: {  	s24 =	simm.s32 $0x0;
	s25 =	simm.s32 $0x200;
	[bflag:$0x0] =	sbarrier.arrive $0xFFFF  }
.LBB2_4:
0x37: {  	p0 =	sne.s32 s25, $0xFE00;
	[tilespmem:s24+$0x2870] =	vst v1  }
0x38: {  	[tilespmem:s24+$0x2800] =	vst v1  }
0x39: {  	[tilespmem:s24+$0x2810] =	vst v1  }
.Ltmp1:
0x3a: {  	[tilespmem:s24+$0x2820] =	vst v1;
	(pc) =	sbr.rel @p0 .LBB2_4-.Ltmp1, $4  }
0x3b: {  	[tilespmem:s24+$0x2830] =	vst v1  }
0x3c: {  	[tilespmem:s24+$0x2840] =	vst v1  }
0x3d: {  	[tilespmem:s24+$0x2850] =	vst v1  }
0x3e: {  	[tilespmem:s24+$0x2860] =	vst v1;
	s24 =	sshra.s32 s25, $0x2;
	s25 =	sadd.s32 $0x200, s25  }
0x3f: {  	[tilespmem:s24+$0x2870] =	vst v1  }
0x40: {  	[tilespmem:s24+$0x2800] =	vst v1  }
0x41: {  	[tilespmem:s24+$0x2810] =	vst v1  }
0x42: {  	[tilespmem:s24+$0x2820] =	vst v1  }
0x43: {  	[tilespmem:s24+$0x2830] =	vst v1  }
0x44: {  	[tilespmem:s24+$0x2840] =	vst v1  }
0x45: {  	[tilespmem:s24+$0x2850] =	vst v1  }
0x46: {  	[tilespmem:s24+$0x2860] =	vst v1  }
0x47: {  	[tilespmem:s3], [sflag:$0x2] =	stream.linear.gather [hbm4b:s9+s3], $0x2800, $0x38;
	[tilespmem:$0x1A800] =	vst v63  }
0x48: {  	_ =	swait.ge [sflag:s12], $0x2800  }
0x49: {  	[sflag:s12] =	ssyncset.done $0x0  }
0x4a: {  	[sflag:s12] =	ssyncadd.s32 $0xFFFFD800  }
0x4b: {  	[spmem:s1] =	stream.indirect.scatter.add.f32 [tilespmem:s11], [sflag:$0x1], $0x80, s3, s13, $0xb8;
	[tilespmem:$0x1A800] =	vst v63  }
0x4c: {  	_ = 	snop  }
0x4d: {  	[spmem:s1] =	stream.indirect.scatter.add.f32 [tilespmem:s11], [sflag:$0x1], $0x80, s13, s13, $0xb8;
	[tilespmem:$0x1A800] =	vst v63  }
0x4e: {  	_ = 	snop  }
0x4f: {  	[spmem:s1] =	stream.indirect.scatter.add.f32 [tilespmem:s11], [sflag:$0x1], $0x80, s14, s13, $0xb8;
	[tilespmem:$0x1A800] =	vst v63  }
0x50: {  	_ = 	snop  }
0x51: {  	[spmem:s1] =	stream.indirect.scatter.add.f32 [tilespmem:s11], [sflag:$0x1], $0x80, s15, s13, $0xb8;
	[tilespmem:$0x1A800] =	vst v63  }
0x52: {  	_ = 	snop  }
0x53: {  	[spmem:s1] =	stream.indirect.scatter.add.f32 [tilespmem:s11], [sflag:$0x1], $0x80, s16, s13, $0xb8;
	[tilespmem:$0x1A800] =	vst v63  }
0x54: {  	_ = 	snop  }
0x55: {  	[spmem:s1] =	stream.indirect.scatter.add.f32 [tilespmem:s11], [sflag:$0x1], $0x80, s17, s13, $0xb8;
	[tilespmem:$0x1A800] =	vst v63  }
0x56: {  	_ = 	snop  }
0x57: {  	[spmem:s1] =	stream.indirect.scatter.add.f32 [tilespmem:s11], [sflag:$0x1], $0x80, s18, s13, $0xb8;
	[tilespmem:$0x1A800] =	vst v63  }
0x58: {  	_ = 	snop  }
0x59: {  	[spmem:s1] =	stream.indirect.scatter.add.f32 [tilespmem:s11], [sflag:$0x1], $0x80, s19, s13, $0xb8;
	[tilespmem:$0x1A800] =	vst v63  }
0x5a: {  	_ =	swait.ge [sflag:s20], $0x4000  }
0x5b: {  	[sflag:s20] =	ssyncset.done $0x0  }
0x5c: {  	s24 =	simm.s32 $0x1200;
	s25 =	simm.s32 $0x400;
	[sflag:s20] =	ssyncadd.s32 $0xFFFFC000  }
.LBB2_6:
0x5d: {  	[spmem:s1] =	stream.indirect.scatter.add.f32 [tilespmem:s11], [sflag:$0x1], $0x80, s25, s13, $0xb8;
	[tilespmem:$0x1A800] =	vst v63  }
0x5e: {  	s25 =	smov.u32 s24;
	p0 =	sne.s32 s24, $0x9E00  }
.Ltmp2:
0x5f: {  	s24 =	sadd.s32 $0x200, s24;
	(pc) =	sbr.rel @p0 .LBB2_6-.Ltmp2, $4  }
0x60: {  	_ = 	snop  }
0x61: {  	_ =	swait.ge [sflag:s20], $0x4000  }
0x62: {  	[sflag:s20] =	ssyncset.done $0x0  }
0x63: {  	s25 =	sshra.s32 s25, $0x2;
	[sflag:s20] =	ssyncadd.s32 $0xFFFFC000  }
0x64: {  	[spmem:s1] =	stream.indirect.scatter.add.f32 [tilespmem:s11], [sflag:$0x1], $0x80, s25, s13, $0xb8;
	[tilespmem:$0x1A800] =	vst v63  }
0x65: {  	_ =	swait.ge [sflag:s20], $0x4000  }
0x66: {  	[sflag:s20] =	ssyncset.done $0x0  }
0x67: {  	[sflag:s20] =	ssyncadd.s32 $0xFFFFC000  }
0x68: {  	_ =	swait.ge [sflag:s20], $0x4000  }
0x69: {  	[sflag:s20] =	ssyncset.done $0x0  }
0x6a: {  	[sflag:s20] =	ssyncadd.s32 $0xFFFFC000  }
0x6b: {  	_ =	swait.ge [sflag:s20], $0x4000  }
0x6c: {  	[sflag:s20] =	ssyncset.done $0x0  }
0x6d: {  	[sflag:s20] =	ssyncadd.s32 $0xFFFFC000  }
0x6e: {  	_ =	swait.ge [sflag:s20], $0x4000  }
0x6f: {  	[sflag:s20] =	ssyncset.done $0x0  }
0x70: {  	[sflag:s20] =	ssyncadd.s32 $0xFFFFC000  }
0x71: {  	_ =	swait.ge [sflag:s20], $0x4000  }
0x72: {  	[sflag:s20] =	ssyncset.done $0x0  }
0x73: {  	[sflag:s20] =	ssyncadd.s32 $0xFFFFC000  }
0x74: {  	_ =	swait.ge [sflag:s20], $0x4000  }
0x75: {  	[sflag:s20] =	ssyncset.done $0x0  }
0x76: {  	[sflag:s20] =	ssyncadd.s32 $0xFFFFC000  }
0x77: {  	_ =	swait.ge [sflag:s20], $0x4000  }
0x78: {  	[sflag:s20] =	ssyncset.done $0x0  }
0x79: {  	[sflag:s20] =	ssyncadd.s32 $0xFFFFC000  }
0x7a: {  	_ =	swait.ge [sflag:s20], $0x4000  }
0x7b: {  	s23 =	sadd.s32 $0x1, s23;
	[sflag:s20] =	ssyncset.done $0x0  }
0x7c: {  	p0 =	sne.s32 s23, s10;
	[sflag:s20] =	ssyncadd.s32 $0xFFFFC000  }
.Ltmp3:
0x7d: {  	s24 =	sshrl.u32 s4, $0x3;
	[bflag:$0x0] =	sbarrier.arrive $0xFFFF;
	(pc) =	sbr.rel @p0 .LBB2_1-.Ltmp3, $4  }
0x7e: {  	[hbm:s21], [sflag:s22] =	dma.local [spmem:s24], $0x2800  }
0x7f: {  	_ =	swait.ge [sflag:s12], $0x2800  }
0x80: {  	[sflag:s12] =	ssyncset.done $0x0  }
0x81: {  	[sflag:s12] =	ssyncadd.s32 $0xFFFFD800  }
0x82: {  	_ =	sfence.sel $0x180000  }
0x83: {  	[bflag:$0x0] =	sbarrier.arrive $0xFFFF  }
0x84: {  	p0 =	sne.s32 s2, $0x0;
	_ =	strace $0x90000047  }
0x85: {  	s0 =	sadd.s32 @!p0 $0x100000, s0;
	[bflag:$0x2] =	sbarrier.arrive $0xFFFF  }
0x86: {  	[sflag:s0] =	ssyncadd.tile.s32 @!p0 $0x1;
	_ =	shalt  }
.Lfunc_end2:
_tile_overlayer_lowered:
.L_overlay_start_2:
0x87: {  	(tag) =	ssettag $0x2  }
0x88: {  	s0 =	rddreg [dreg:$0x0];
	s2 =	stileid.u32  }
0x89: {  	s1 =	rddreg [dreg:$0x1];
	p0 =	sne.s32 s2, $0x0  }
0x8a: {  	s3 =	rddreg [dreg:$0x2];
	[bflag:$0x3] =	sbarrier.arrive $0xFFFF;
	s2 =	simm.s32 @!p0 $0x1C02  }
0x8b: {  	[timem:s3], [sflag:s2] =	dma.local @!p0 [hbm:s0], s1  }
0x8c: {  	s0 =	simm.s32 @!p0 $0x2  }
0x8d: {  	_ =	swait.ge @!p0 [sflag:s0], s1  }
0x8e: {  	s1 =	ssub.s32 @!p0 $0x0, s1;
	[sflag:s0] =	ssyncset.done @!p0 $0x0  }
0x8f: {  	[sflag:s0] =	ssyncadd.s32 @!p0 s1  }
0x90: {  	[bflag:$0x3] =	sbarrier.arrive $0xFFFF  }
0x91: {  	_ =	shalt  }

</sc_bundles>
